<compile_context>
chip_gen: v7x
topology: tpu7x:2x2x1
jax: 0.10.2.dev20260603
libtpu: 0.0.44.dev20260713+nightly
codegen_flags: <defaults>
</compile_context>

<pallas_src>
import functools

import jax
import jax.numpy as jnp
from jax import lax
from jax.experimental import pallas as pl
from jax.experimental.pallas import tpu as pltpu
from jax.experimental.pallas import tpu_sc as plsc

W, H, D = 64, 48, 12
HD = H * D
NVOX = W * H * D
NPAD = NVOX + 16
B = 64
N = 65536
ROWS, LANES = 512, 128
BPS = 8
HROWS = ROWS // 2


def _tc_index_body(pos_ref, quat_ref, pts_ref, out_ref):
    bb = pl.program_id(0)
    lane = lax.broadcasted_iota(jnp.int32, (ROWS, LANES), 1)
    sent = NVOX + (lane & 15)
    for i in range(BPS):
        b = bb * BPS + i
        x = pts_ref[i, 0]
        y = pts_ref[i, 1]
        z = pts_ref[i, 2]
        tx = pos_ref[b, 0]
        ty = pos_ref[b, 1]
        tz = pos_ref[b, 2]
        qw = quat_ref[b, 0]
        qx = -quat_ref[b, 1]
        qy = -quat_ref[b, 2]
        qz = -quat_ref[b, 3]
        rx = x - tx
        ry = y - ty
        rz = z - tz
        c1x = qy * rz - qz * ry
        c1y = qz * rx - qx * rz
        c1z = qx * ry - qy * rx
        w2 = 2.0 * qw
        t1x = w2 * c1x
        t1y = w2 * c1y
        t1z = w2 * c1z
        c2x = qy * c1z - qz * c1y
        c2y = qz * c1x - qx * c1z
        c2z = qx * c1y - qy * c1x
        bx = rx + t1x + (c2x + c2x)
        by = ry + t1y + (c2y + c2y)
        bz = rz + t1z + (c2z + c2z)
        cfx = (bx - (-3.2)) / 0.1
        cfy = (by - (-2.4)) / 0.1
        cfz = (bz - (-0.6)) / 0.1
        valid = ((cfx > -1.0) & (cfx < float(W))
                 & (cfy > -1.0) & (cfy < float(H))
                 & (cfz > -1.0) & (cfz < float(D)))
        fx = jnp.floor(jnp.clip(cfx, 0.0, float(W - 1)))
        fy = jnp.floor(jnp.clip(cfy, 0.0, float(H - 1)))
        fz = jnp.floor(jnp.clip(cfz, 0.0, float(D - 1)))
        flat_f = fx * float(HD) + fy * float(D) + fz
        flat = flat_f.astype(jnp.int32)
        out_ref[i] = jnp.where(valid, flat, sent)


_tc_index = pl.pallas_call(
    _tc_index_body,
    grid=(B // BPS,),
    in_specs=[
        pl.BlockSpec(memory_space=pltpu.SMEM),
        pl.BlockSpec(memory_space=pltpu.SMEM),
        pl.BlockSpec((BPS, 3, ROWS, LANES), lambda b: (b, 0, 0, 0)),
    ],
    out_specs=pl.BlockSpec((BPS, ROWS, LANES), lambda b: (b, 0, 0)),
    out_shape=jax.ShapeDtypeStruct((B, ROWS, LANES), jnp.int32),
)


@functools.cache
def _make_sc_scatter():
    mesh = plsc.VectorSubcoreMesh(core_axis_name="c", subcore_axis_name="s")

    @functools.partial(
        pl.kernel,
        out_type=jax.ShapeDtypeStruct((B, NVOX), jnp.int32),
        mesh=mesh,
        compiler_params=pltpu.CompilerParams(needs_layout_passes=False),
        scratch_types=[
            pltpu.VMEM((2, HROWS, LANES), jnp.int32),
            pltpu.VMEM((NPAD,), jnp.int32),
            pltpu.SemaphoreType.DMA,
            pltpu.SemaphoreType.DMA,
        ],
    )
    def _sc_scatter(idx_hbm, out_hbm, idx_v, grid_v, sem0, sem1):
        cid = lax.axis_index("c")
        sid = lax.axis_index("s")
        wid = sid * 2 + cid
        b0 = wid * 2
        ones = jnp.full((16,), 1, dtype=jnp.int32)
        zero16 = jnp.zeros((16,), dtype=jnp.int32)
        sems = (sem0, sem1)

        def zero_grid():
            @plsc.parallel_loop(0, NPAD // 16, unroll=8)
            def _(i):
                grid_v[pl.ds(i * 16, 16)] = zero16

        def chunk_copy(chunk, buf):
            k, h = divmod(chunk, 2)
            return pltpu.make_async_copy(
                idx_hbm.at[b0 + k, pl.ds(h * HROWS, HROWS)],
                idx_v.at[buf],
                sems[buf],
            )

        chunk_copy(0, 0).start()
        zero_grid()
        for chunk in range(4):
            buf = chunk % 2
            chunk_copy(chunk, buf).wait()
            if chunk + 1 < 4:
                chunk_copy(chunk + 1, 1 - buf).start()

            @plsc.parallel_loop(0, HROWS, unroll=8)
            def _(r):
                for j in range(8):
                    ix = idx_v[buf, r, pl.ds(j * 16, 16)]
                    plsc.store_scatter(grid_v, [ix], ones)

            k, h = divmod(chunk, 2)
            if h == 1:
                pltpu.sync_copy(grid_v.at[pl.ds(0, NVOX)], out_hbm.at[b0 + k])
                if k == 0:
                    zero_grid()

    return _sc_scatter


def kernel(points_world, robot_pos, robot_quat):
    pts = points_world.transpose(0, 2, 1).reshape(B, 3, ROWS, LANES)
    idx = _tc_index(robot_pos, robot_quat, pts)
    grid_i = _make_sc_scatter()(idx)
    return grid_i.reshape(B, W, H, D).astype(jnp.uint8)

# --- scband reference (transcript-rebuilt; emitter-appended) ---
"""Pipeline reference for scband-voxelizer-89618787598659 (READ-ONLY COPY).

The authoritative reference and input builder live on the scoring server;
editing this copy changes nothing except your own understanding.
"""

import jax, jax.numpy as jnp
import numpy as np

GRID_DIMS = (64, 48, 12)
VOXEL_SIZE = 0.1
ORIGIN = jnp.array([-3.2, -2.4, -0.6], dtype=jnp.float32)


def setup_inputs(seed: int = 0) -> dict:
    key = jax.random.key(seed)
    k1, k2, k3 = jax.random.split(key, 3)
    points_world = jax.random.uniform(k1, (64, 65536, 3), dtype=jnp.float32)
    robot_pos = jax.random.uniform(k2, (64, 3), dtype=jnp.float32)
    robot_quat = jax.random.normal(k3, (64, 4), dtype=jnp.float32)
    return {"points_world": points_world, "robot_pos": robot_pos, "robot_quat": robot_quat}


def _quat_rotate(q, v):
    # q: (B, 1, 4) [w, x, y, z]; v: (B, N, 3)
    qw = q[..., 0:1]
    qvec = q[..., 1:4]
    cross1 = jnp.cross(qvec, v)
    term1 = 2.0 * qw * cross1
    cross2 = jnp.cross(qvec, cross1)
    term2 = 2.0 * cross2
    return v + term1 + term2


def reference(points_world, robot_pos, robot_quat):
    W, H, D = GRID_DIMS
    B, N, _ = points_world.shape
    # transform to robot frame
    points_rel = points_world - robot_pos[:, None, :]
    quat_inv = jnp.concatenate([robot_quat[:, 0:1], -robot_quat[:, 1:]], axis=1)
    points_b = _quat_rotate(quat_inv[:, None, :], points_rel)
    # points -> voxel coords (truncation toward zero, matching torch .long())
    coords_f = (points_b - ORIGIN) / VOXEL_SIZE
    coords = coords_f.astype(jnp.int64)
    # valid mask
    valid = ((coords[..., 0] >= 0) & (coords[..., 0] < W)
             & (coords[..., 1] >= 0) & (coords[..., 1] < H)
             & (coords[..., 2] >= 0) & (coords[..., 2] < D))
    # scatter into flat grid; invalid points routed to a sentinel slot
    b_idx = jnp.broadcast_to(jnp.arange(B, dtype=jnp.int64)[:, None], (B, N))
    flat = ((b_idx * W + coords[..., 0]) * H + coords[..., 1]) * D + coords[..., 2]
    sentinel = B * W * H * D
    flat = jnp.where(valid, flat, sentinel)
    grid_flat = jnp.zeros(B * W * H * D + 1, dtype=jnp.uint8).at[flat.reshape(-1)].set(jnp.uint8(1))
    grid = grid_flat[: B * W * H * D].reshape(B, W, H, D)
    return grid

if __name__ == "__main__":
    import jax
    _d = setup_inputs()
    print(jax.jit(kernel)(*tuple(_d.values())))

</pallas_src>

<mosaic_0001>
#map = affine_map<(d0, d1) -> (0, 0, 0)>
#map1 = affine_map<(d0, d1) -> (0, 0)>
module attributes {stable_mosaic.version = 14 : i64} {
  func.func @_sc_scatter(%arg0: i32, %arg1: i32, %arg2: memref<64x512x128xi32, #tpu.memory_space<hbm>>, %arg3: memref<64x36864xi32, #tpu.memory_space<hbm>>, %arg4: memref<2x256x128xi32, #tpu.memory_space<vmem>>, %arg5: memref<36880xi32, #tpu.memory_space<vmem>>, %arg6: memref<!tpu.dma_semaphore, #tpu.memory_space<semaphore_mem>>, %arg7: memref<!tpu.dma_semaphore, #tpu.memory_space<semaphore_mem>>) attributes {dimension_semantics = [#tpu.dimension_semantics<core_parallel>, #tpu.dimension_semantics<subcore_parallel>], iteration_bounds = array<i64: 2, 16>, scalar_prefetch = 0 : i64, scratch_operands = 4 : i64, tpu.core_type = #tpu.core_type<sc_vector_subcore>, window_params = [{transform_indices = #map}, {transform_indices = #map1}]} {
    %mul3A = arith.constant 2 : i32
    %mul3A_0 = arith.muli %arg1, %mul3A : i32
    %add3A = arith.addi %mul3A_0, %arg0 : i32
    %mul3A_1 = arith.constant 2 : i32
    %mul3A_2 = arith.muli %add3A, %mul3A_1 : i32
    %broadcast_in_dim3A = arith.constant 1 : i32
    %broadcast_in_dim3A_3 = vector.broadcast %broadcast_in_dim3A : i32 to vector<16xi32>
    %broadcast_in_dim3A_4 = arith.constant 0 : i32
    %broadcast_in_dim3A_5 = vector.broadcast %broadcast_in_dim3A_4 : i32 to vector<16xi32>
    %add3A_6 = arith.constant 0 : i32
    %add3A_7 = arith.addi %mul3A_2, %add3A_6 : i32
    %dma_start3A = arith.constant 0 : i32
    %dma_start3A_8 = arith.constant 0 : i32
    %dma_start3A_9 = arith.constant 0 : i32
    %dma_start3A_10 = tpu.memref_slice %arg4[%dma_start3A, %dma_start3A_8, %dma_start3A_9] : memref<2x256x128xi32, #tpu.memory_space<vmem>> -> memref<1x256x128xi32, #tpu.memory_space<vmem>>
    %dma_start3A_11 = tpu.memref_squeeze %dma_start3A_10 : memref<1x256x128xi32, #tpu.memory_space<vmem>> -> memref<256x128xi32, #tpu.memory_space<vmem>>
    %dma_start3A_12 = arith.constant 0 : i32
    %dma_start3A_13 = arith.constant 0 : i32
    %dma_start3A_14 = tpu.memref_slice %arg2[%add3A_7, %dma_start3A_12, %dma_start3A_13] : memref<64x512x128xi32, #tpu.memory_space<hbm>> -> memref<1x256x128xi32, #tpu.memory_space<hbm>>
    %dma_start3A_15 = tpu.memref_squeeze %dma_start3A_14 : memref<1x256x128xi32, #tpu.memory_space<hbm>> -> memref<256x128xi32, #tpu.memory_space<hbm>>
    %dma_start3A_16 = arith.constant 0 : i32
    %dma_start3A_17 = arith.constant 0 : i32
    %dma_start3A_18 = tpu.memref_slice %arg4[%dma_start3A, %dma_start3A_16, %dma_start3A_17] : memref<2x256x128xi32, #tpu.memory_space<vmem>> -> memref<1x256x128xi32, #tpu.memory_space<vmem>>
    %dma_start3A_19 = tpu.memref_squeeze %dma_start3A_18 : memref<1x256x128xi32, #tpu.memory_space<vmem>> -> memref<256x128xi32, #tpu.memory_space<vmem>>
    %dma_start3A_20 = arith.constant 0 : i32
    %dma_start3A_21 = arith.constant 0 : i32
    %dma_start3A_22 = tpu.memref_slice %arg2[%add3A_7, %dma_start3A_20, %dma_start3A_21] : memref<64x512x128xi32, #tpu.memory_space<hbm>> -> memref<1x256x128xi32, #tpu.memory_space<hbm>>
    %dma_start3A_23 = tpu.memref_squeeze %dma_start3A_22 : memref<1x256x128xi32, #tpu.memory_space<hbm>> -> memref<256x128xi32, #tpu.memory_space<hbm>>
    tpu.enqueue_dma source(%dma_start3A_23 : memref<256x128xi32, #tpu.memory_space<hbm>>) target(%dma_start3A_19 : memref<256x128xi32, #tpu.memory_space<vmem>>) target_semaphore(%arg6 : memref<!tpu.dma_semaphore, #tpu.memory_space<semaphore_mem>>)
    %parallel_loop3A = arith.constant 0 : i32
    %parallel_loop3A_24 = arith.constant 2305 : i32
    %parallel_loop3A_25 = arith.constant 1 : i32
    scf.for %parallel_loop3A_177 = %parallel_loop3A to %parallel_loop3A_24 step %parallel_loop3A_25  : i32 {
      %parallel_loop3A_178 = arith.constant 16 : i32
      %parallel_loop3A_179 = arith.muli %parallel_loop3A_177, %parallel_loop3A_178 : i32
      %parallel_loop3A_180 = arith.index_cast %parallel_loop3A_179 : i32 to index
      %parallel_loop3A_181 = tpu.vector_load %arg5[%parallel_loop3A_180] {strides = array<i32>} : memref<36880xi32, #tpu.memory_space<vmem>>, vector<16xi32>,
      tpu.vector_store %arg5[%parallel_loop3A_180], %broadcast_in_dim3A_5 {strides = array<i32>} : memref<36880xi32, #tpu.memory_space<vmem>>, vector<16xi32>,
    } {sc.loop_unroll_factor = 8 : i64, sc.parallel_access}
    %add3A_26 = arith.constant 0 : i32
    %add3A_27 = arith.addi %mul3A_2, %add3A_26 : i32
    %dma_wait3A = arith.constant 0 : i32
    %dma_wait3A_28 = arith.constant 0 : i32
    %dma_wait3A_29 = arith.constant 0 : i32
    %dma_wait3A_30 = tpu.memref_slice %arg4[%dma_wait3A, %dma_wait3A_28, %dma_wait3A_29] : memref<2x256x128xi32, #tpu.memory_space<vmem>> -> memref<1x256x128xi32, #tpu.memory_space<vmem>>
    %dma_wait3A_31 = tpu.memref_squeeze %dma_wait3A_30 : memref<1x256x128xi32, #tpu.memory_space<vmem>> -> memref<256x128xi32, #tpu.memory_space<vmem>>
    %dma_wait3A_32 = arith.constant 0 : i32
    %dma_wait3A_33 = arith.constant 0 : i32
    %dma_wait3A_34 = tpu.memref_slice %arg2[%add3A_27, %dma_wait3A_32, %dma_wait3A_33] : memref<64x512x128xi32, #tpu.memory_space<hbm>> -> memref<1x256x128xi32, #tpu.memory_space<hbm>>
    %dma_wait3A_35 = tpu.memref_squeeze %dma_wait3A_34 : memref<1x256x128xi32, #tpu.memory_space<hbm>> -> memref<256x128xi32, #tpu.memory_space<hbm>>
    %dma_wait3A_36 = arith.constant 0 : i32
    %dma_wait3A_37 = arith.constant 0 : i32
    %dma_wait3A_38 = tpu.memref_slice %arg4[%dma_wait3A, %dma_wait3A_36, %dma_wait3A_37] : memref<2x256x128xi32, #tpu.memory_space<vmem>> -> memref<1x256x128xi32, #tpu.memory_space<vmem>>
    %dma_wait3A_39 = tpu.memref_squeeze %dma_wait3A_38 : memref<1x256x128xi32, #tpu.memory_space<vmem>> -> memref<256x128xi32, #tpu.memory_space<vmem>>
    %dma_wait3A_40 = arith.constant 0 : i32
    %dma_wait3A_41 = arith.constant 0 : i32
    %dma_wait3A_42 = tpu.memref_slice %arg2[%add3A_27, %dma_wait3A_40, %dma_wait3A_41] : memref<64x512x128xi32, #tpu.memory_space<hbm>> -> memref<1x256x128xi32, #tpu.memory_space<hbm>>
    %dma_wait3A_43 = tpu.memref_squeeze %dma_wait3A_42 : memref<1x256x128xi32, #tpu.memory_space<hbm>> -> memref<256x128xi32, #tpu.memory_space<hbm>>
    tpu.wait_dma2 semaphore(%arg6 : memref<!tpu.dma_semaphore, #tpu.memory_space<semaphore_mem>>) src(%dma_wait3A_43 : memref<256x128xi32, #tpu.memory_space<hbm>>) dst(%dma_wait3A_39 : memref<256x128xi32, #tpu.memory_space<vmem>>)
    %add3A_44 = arith.constant 0 : i32
    %add3A_45 = arith.addi %mul3A_2, %add3A_44 : i32
    %dma_start3A_46 = arith.constant 1 : i32
    %dma_start3A_47 = arith.constant 0 : i32
    %dma_start3A_48 = arith.constant 0 : i32
    %dma_start3A_49 = tpu.memref_slice %arg4[%dma_start3A_46, %dma_start3A_47, %dma_start3A_48] : memref<2x256x128xi32, #tpu.memory_space<vmem>> -> memref<1x256x128xi32, #tpu.memory_space<vmem>>
    %dma_start3A_50 = tpu.memref_squeeze %dma_start3A_49 : memref<1x256x128xi32, #tpu.memory_space<vmem>> -> memref<256x128xi32, #tpu.memory_space<vmem>>
    %dma_start3A_51 = arith.constant 256 : i32
    %dma_start3A_52 = arith.constant 0 : i32
    %dma_start3A_53 = tpu.memref_slice %arg2[%add3A_45, %dma_start3A_51, %dma_start3A_52] : memref<64x512x128xi32, #tpu.memory_space<hbm>> -> memref<1x256x128xi32, #tpu.memory_space<hbm>>
    %dma_start3A_54 = tpu.memref_squeeze %dma_start3A_53 : memref<1x256x128xi32, #tpu.memory_space<hbm>> -> memref<256x128xi32, #tpu.memory_space<hbm>>
    %dma_start3A_55 = arith.constant 0 : i32
    %dma_start3A_56 = arith.constant 0 : i32
    %dma_start3A_57 = tpu.memref_slice %arg4[%dma_start3A_46, %dma_start3A_55, %dma_start3A_56] : memref<2x256x128xi32, #tpu.memory_space<vmem>> -> memref<1x256x128xi32, #tpu.memory_space<vmem>>
    %dma_start3A_58 = tpu.memref_squeeze %dma_start3A_57 : memref<1x256x128xi32, #tpu.memory_space<vmem>> -> memref<256x128xi32, #tpu.memory_space<vmem>>
    %dma_start3A_59 = arith.constant 256 : i32
    %dma_start3A_60 = arith.constant 0 : i32
    %dma_start3A_61 = tpu.memref_slice %arg2[%add3A_45, %dma_start3A_59, %dma_start3A_60] : memref<64x512x128xi32, #tpu.memory_space<hbm>> -> memref<1x256x128xi32, #tpu.memory_space<hbm>>
    %dma_start3A_62 = tpu.memref_squeeze %dma_start3A_61 : memref<1x256x128xi32, #tpu.memory_space<hbm>> -> memref<256x128xi32, #tpu.memory_space<hbm>>
    tpu.enqueue_dma source(%dma_start3A_62 : memref<256x128xi32, #tpu.memory_space<hbm>>) target(%dma_start3A_58 : memref<256x128xi32, #tpu.memory_space<vmem>>) target_semaphore(%arg7 : memref<!tpu.dma_semaphore, #tpu.memory_space<semaphore_mem>>)
    %parallel_loop3A_63 = arith.constant 0 : i32
    %parallel_loop3A_64 = arith.constant 256 : i32
    %parallel_loop3A_65 = arith.constant 1 : i32
    scf.for %parallel_loop3A_177 = %parallel_loop3A_63 to %parallel_loop3A_64 step %parallel_loop3A_65  : i32 {
      %parallel_loop3A_178 = arith.constant 0 : i32
      %parallel_loop3A_179 = arith.index_cast %parallel_loop3A_178 : i32 to index
      %parallel_loop3A_180 = arith.index_cast %parallel_loop3A_177 : i32 to index
      %parallel_loop3A_181 = arith.constant 0 : index
      %parallel_loop3A_182 = tpu.vector_load %arg4[%parallel_loop3A_179, %parallel_loop3A_180, %parallel_loop3A_181] {strides = array<i32>} : memref<2x256x128xi32, #tpu.memory_space<vmem>>, vector<16xi32>,
      tpu.vector_store_idx %arg5[%parallel_loop3A_182], %broadcast_in_dim3A_3 : memref<36880xi32, #tpu.memory_space<vmem>>[vector<16xi32>], vector<16xi32>,
      %parallel_loop3A_183 = arith.constant 0 : i32
      %parallel_loop3A_184 = arith.index_cast %parallel_loop3A_183 : i32 to index
      %parallel_loop3A_185 = arith.index_cast %parallel_loop3A_177 : i32 to index
      %parallel_loop3A_186 = arith.constant 16 : index
      %parallel_loop3A_187 = tpu.vector_load %arg4[%parallel_loop3A_184, %parallel_loop3A_185, %parallel_loop3A_186] {strides = array<i32>} : memref<2x256x128xi32, #tpu.memory_space<vmem>>, vector<16xi32>,
      tpu.vector_store_idx %arg5[%parallel_loop3A_187], %broadcast_in_dim3A_3 : memref<36880xi32, #tpu.memory_space<vmem>>[vector<16xi32>], vector<16xi32>,
      %parallel_loop3A_188 = arith.constant 0 : i32
      %parallel_loop3A_189 = arith.index_cast %parallel_loop3A_188 : i32 to index
      %parallel_loop3A_190 = arith.index_cast %parallel_loop3A_177 : i32 to index
      %parallel_loop3A_191 = arith.constant 32 : index
      %parallel_loop3A_192 = tpu.vector_load %arg4[%parallel_loop3A_189, %parallel_loop3A_190, %parallel_loop3A_191] {strides = array<i32>} : memref<2x256x128xi32, #tpu.memory_space<vmem>>, vector<16xi32>,
      tpu.vector_store_idx %arg5[%parallel_loop3A_192], %broadcast_in_dim3A_3 : memref<36880xi32, #tpu.memory_space<vmem>>[vector<16xi32>], vector<16xi32>,
      %parallel_loop3A_193 = arith.constant 0 : i32
      %parallel_loop3A_194 = arith.index_cast %parallel_loop3A_193 : i32 to index
      %parallel_loop3A_195 = arith.index_cast %parallel_loop3A_177 : i32 to index
      %parallel_loop3A_196 = arith.constant 48 : index
      %parallel_loop3A_197 = tpu.vector_load %arg4[%parallel_loop3A_194, %parallel_loop3A_195, %parallel_loop3A_196] {strides = array<i32>} : memref<2x256x128xi32, #tpu.memory_space<vmem>>, vector<16xi32>,
      tpu.vector_store_idx %arg5[%parallel_loop3A_197], %broadcast_in_dim3A_3 : memref<36880xi32, #tpu.memory_space<vmem>>[vector<16xi32>], vector<16xi32>,
      %parallel_loop3A_198 = arith.constant 0 : i32
      %parallel_loop3A_199 = arith.index_cast %parallel_loop3A_198 : i32 to index
      %parallel_loop3A_200 = arith.index_cast %parallel_loop3A_177 : i32 to index
      %parallel_loop3A_201 = arith.constant 64 : index
      %parallel_loop3A_202 = tpu.vector_load %arg4[%parallel_loop3A_199, %parallel_loop3A_200, %parallel_loop3A_201] {strides = array<i32>} : memref<2x256x128xi32, #tpu.memory_space<vmem>>, vector<16xi32>,
      tpu.vector_store_idx %arg5[%parallel_loop3A_202], %broadcast_in_dim3A_3 : memref<36880xi32, #tpu.memory_space<vmem>>[vector<16xi32>], vector<16xi32>,
      %parallel_loop3A_203 = arith.constant 0 : i32
      %parallel_loop3A_204 = arith.index_cast %parallel_loop3A_203 : i32 to index
      %parallel_loop3A_205 = arith.index_cast %parallel_loop3A_177 : i32 to index
      %parallel_loop3A_206 = arith.constant 80 : index
      %parallel_loop3A_207 = tpu.vector_load %arg4[%parallel_loop3A_204, %parallel_loop3A_205, %parallel_loop3A_206] {strides = array<i32>} : memref<2x256x128xi32, #tpu.memory_space<vmem>>, vector<16xi32>,
      tpu.vector_store_idx %arg5[%parallel_loop3A_207], %broadcast_in_dim3A_3 : memref<36880xi32, #tpu.memory_space<vmem>>[vector<16xi32>], vector<16xi32>,
      %parallel_loop3A_208 = arith.constant 0 : i32
      %parallel_loop3A_209 = arith.index_cast %parallel_loop3A_208 : i32 to index
      %parallel_loop3A_210 = arith.index_cast %parallel_loop3A_177 : i32 to index
      %parallel_loop3A_211 = arith.constant 96 : index
      %parallel_loop3A_212 = tpu.vector_load %arg4[%parallel_loop3A_209, %parallel_loop3A_210, %parallel_loop3A_211] {strides = array<i32>} : memref<2x256x128xi32, #tpu.memory_space<vmem>>, vector<16xi32>,
      tpu.vector_store_idx %arg5[%parallel_loop3A_212], %broadcast_in_dim3A_3 : memref<36880xi32, #tpu.memory_space<vmem>>[vector<16xi32>], vector<16xi32>,
      %parallel_loop3A_213 = arith.constant 0 : i32
      %parallel_loop3A_214 = arith.index_cast %parallel_loop3A_213 : i32 to index
      %parallel_loop3A_215 = arith.index_cast %parallel_loop3A_177 : i32 to index
      %parallel_loop3A_216 = arith.constant 112 : index
      %parallel_loop3A_217 = tpu.vector_load %arg4[%parallel_loop3A_214, %parallel_loop3A_215, %parallel_loop3A_216] {strides = array<i32>} : memref<2x256x128xi32, #tpu.memory_space<vmem>>, vector<16xi32>,
      tpu.vector_store_idx %arg5[%parallel_loop3A_217], %broadcast_in_dim3A_3 : memref<36880xi32, #tpu.memory_space<vmem>>[vector<16xi32>], vector<16xi32>,
    } {sc.loop_unroll_factor = 8 : i64, sc.parallel_access}
    %add3A_66 = arith.constant 0 : i32
    %add3A_67 = arith.addi %mul3A_2, %add3A_66 : i32
    %dma_wait3A_68 = arith.constant 1 : i32
    %dma_wait3A_69 = arith.constant 0 : i32
    %dma_wait3A_70 = arith.constant 0 : i32
    %dma_wait3A_71 = tpu.memref_slice %arg4[%dma_wait3A_68, %dma_wait3A_69, %dma_wait3A_70] : memref<2x256x128xi32, #tpu.memory_space<vmem>> -> memref<1x256x128xi32, #tpu.memory_space<vmem>>
    %dma_wait3A_72 = tpu.memref_squeeze %dma_wait3A_71 : memref<1x256x128xi32, #tpu.memory_space<vmem>> -> memref<256x128xi32, #tpu.memory_space<vmem>>
    %dma_wait3A_73 = arith.constant 256 : i32
    %dma_wait3A_74 = arith.constant 0 : i32
    %dma_wait3A_75 = tpu.memref_slice %arg2[%add3A_67, %dma_wait3A_73, %dma_wait3A_74] : memref<64x512x128xi32, #tpu.memory_space<hbm>> -> memref<1x256x128xi32, #tpu.memory_space<hbm>>
    %dma_wait3A_76 = tpu.memref_squeeze %dma_wait3A_75 : memref<1x256x128xi32, #tpu.memory_space<hbm>> -> memref<256x128xi32, #tpu.memory_space<hbm>>
    %dma_wait3A_77 = arith.constant 0 : i32
    %dma_wait3A_78 = arith.constant 0 : i32
    %dma_wait3A_79 = tpu.memref_slice %arg4[%dma_wait3A_68, %dma_wait3A_77, %dma_wait3A_78] : memref<2x256x128xi32, #tpu.memory_space<vmem>> -> memref<1x256x128xi32, #tpu.memory_space<vmem>>
    %dma_wait3A_80 = tpu.memref_squeeze %dma_wait3A_79 : memref<1x256x128xi32, #tpu.memory_space<vmem>> -> memref<256x128xi32, #tpu.memory_space<vmem>>
    %dma_wait3A_81 = arith.constant 256 : i32
    %dma_wait3A_82 = arith.constant 0 : i32
    %dma_wait3A_83 = tpu.memref_slice %arg2[%add3A_67, %dma_wait3A_81, %dma_wait3A_82] : memref<64x512x128xi32, #tpu.memory_space<hbm>> -> memref<1x256x128xi32, #tpu.memory_space<hbm>>
    %dma_wait3A_84 = tpu.memref_squeeze %dma_wait3A_83 : memref<1x256x128xi32, #tpu.memory_space<hbm>> -> memref<256x128xi32, #tpu.memory_space<hbm>>
    tpu.wait_dma2 semaphore(%arg7 : memref<!tpu.dma_semaphore, #tpu.memory_space<semaphore_mem>>) src(%dma_wait3A_84 : memref<256x128xi32, #tpu.memory_space<hbm>>) dst(%dma_wait3A_80 : memref<256x128xi32, #tpu.memory_space<vmem>>)
    %add3A_85 = arith.constant 1 : i32
    %add3A_86 = arith.addi %mul3A_2, %add3A_85 : i32
    %dma_start3A_87 = arith.constant 0 : i32
    %dma_start3A_88 = arith.constant 0 : i32
    %dma_start3A_89 = arith.constant 0 : i32
    %dma_start3A_90 = tpu.memref_slice %arg4[%dma_start3A_87, %dma_start3A_88, %dma_start3A_89] : memref<2x256x128xi32, #tpu.memory_space<vmem>> -> memref<1x256x128xi32, #tpu.memory_space<vmem>>
    %dma_start3A_91 = tpu.memref_squeeze %dma_start3A_90 : memref<1x256x128xi32, #tpu.memory_space<vmem>> -> memref<256x128xi32, #tpu.memory_space<vmem>>
    %dma_start3A_92 = arith.constant 0 : i32
    %dma_start3A_93 = arith.constant 0 : i32
    %dma_start3A_94 = tpu.memref_slice %arg2[%add3A_86, %dma_start3A_92, %dma_start3A_93] : memref<64x512x128xi32, #tpu.memory_space<hbm>> -> memref<1x256x128xi32, #tpu.memory_space<hbm>>
    %dma_start3A_95 = tpu.memref_squeeze %dma_start3A_94 : memref<1x256x128xi32, #tpu.memory_space<hbm>> -> memref<256x128xi32, #tpu.memory_space<hbm>>
    %dma_start3A_96 = arith.constant 0 : i32
    %dma_start3A_97 = arith.constant 0 : i32
    %dma_start3A_98 = tpu.memref_slice %arg4[%dma_start3A_87, %dma_start3A_96, %dma_start3A_97] : memref<2x256x128xi32, #tpu.memory_space<vmem>> -> memref<1x256x128xi32, #tpu.memory_space<vmem>>
    %dma_start3A_99 = tpu.memref_squeeze %dma_start3A_98 : memref<1x256x128xi32, #tpu.memory_space<vmem>> -> memref<256x128xi32, #tpu.memory_space<vmem>>
    %dma_start3A_100 = arith.constant 0 : i32
    %dma_start3A_101 = arith.constant 0 : i32
    %dma_start3A_102 = tpu.memref_slice %arg2[%add3A_86, %dma_start3A_100, %dma_start3A_101] : memref<64x512x128xi32, #tpu.memory_space<hbm>> -> memref<1x256x128xi32, #tpu.memory_space<hbm>>
    %dma_start3A_103 = tpu.memref_squeeze %dma_start3A_102 : memref<1x256x128xi32, #tpu.memory_space<hbm>> -> memref<256x128xi32, #tpu.memory_space<hbm>>
    tpu.enqueue_dma source(%dma_start3A_103 : memref<256x128xi32, #tpu.memory_space<hbm>>) target(%dma_start3A_99 : memref<256x128xi32, #tpu.memory_space<vmem>>) target_semaphore(%arg6 : memref<!tpu.dma_semaphore, #tpu.memory_space<semaphore_mem>>)
    %parallel_loop3A_104 = arith.constant 0 : i32
    %parallel_loop3A_105 = arith.constant 256 : i32
    %parallel_loop3A_106 = arith.constant 1 : i32
    scf.for %parallel_loop3A_177 = %parallel_loop3A_104 to %parallel_loop3A_105 step %parallel_loop3A_106  : i32 {
      %parallel_loop3A_178 = arith.constant 1 : i32
      %parallel_loop3A_179 = arith.index_cast %parallel_loop3A_178 : i32 to index
      %parallel_loop3A_180 = arith.index_cast %parallel_loop3A_177 : i32 to index
      %parallel_loop3A_181 = arith.constant 0 : index
      %parallel_loop3A_182 = tpu.vector_load %arg4[%parallel_loop3A_179, %parallel_loop3A_180, %parallel_loop3A_181] {strides = array<i32>} : memref<2x256x128xi32, #tpu.memory_space<vmem>>, vector<16xi32>,
      tpu.vector_store_idx %arg5[%parallel_loop3A_182], %broadcast_in_dim3A_3 : memref<36880xi32, #tpu.memory_space<vmem>>[vector<16xi32>], vector<16xi32>,
      %parallel_loop3A_183 = arith.constant 1 : i32
      %parallel_loop3A_184 = arith.index_cast %parallel_loop3A_183 : i32 to index
      %parallel_loop3A_185 = arith.index_cast %parallel_loop3A_177 : i32 to index
      %parallel_loop3A_186 = arith.constant 16 : index
      %parallel_loop3A_187 = tpu.vector_load %arg4[%parallel_loop3A_184, %parallel_loop3A_185, %parallel_loop3A_186] {strides = array<i32>} : memref<2x256x128xi32, #tpu.memory_space<vmem>>, vector<16xi32>,
      tpu.vector_store_idx %arg5[%parallel_loop3A_187], %broadcast_in_dim3A_3 : memref<36880xi32, #tpu.memory_space<vmem>>[vector<16xi32>], vector<16xi32>,
      %parallel_loop3A_188 = arith.constant 1 : i32
      %parallel_loop3A_189 = arith.index_cast %parallel_loop3A_188 : i32 to index
      %parallel_loop3A_190 = arith.index_cast %parallel_loop3A_177 : i32 to index
      %parallel_loop3A_191 = arith.constant 32 : index
      %parallel_loop3A_192 = tpu.vector_load %arg4[%parallel_loop3A_189, %parallel_loop3A_190, %parallel_loop3A_191] {strides = array<i32>} : memref<2x256x128xi32, #tpu.memory_space<vmem>>, vector<16xi32>,
      tpu.vector_store_idx %arg5[%parallel_loop3A_192], %broadcast_in_dim3A_3 : memref<36880xi32, #tpu.memory_space<vmem>>[vector<16xi32>], vector<16xi32>,
      %parallel_loop3A_193 = arith.constant 1 : i32
      %parallel_loop3A_194 = arith.index_cast %parallel_loop3A_193 : i32 to index
      %parallel_loop3A_195 = arith.index_cast %parallel_loop3A_177 : i32 to index
      %parallel_loop3A_196 = arith.constant 48 : index
      %parallel_loop3A_197 = tpu.vector_load %arg4[%parallel_loop3A_194, %parallel_loop3A_195, %parallel_loop3A_196] {strides = array<i32>} : memref<2x256x128xi32, #tpu.memory_space<vmem>>, vector<16xi32>,
      tpu.vector_store_idx %arg5[%parallel_loop3A_197], %broadcast_in_dim3A_3 : memref<36880xi32, #tpu.memory_space<vmem>>[vector<16xi32>], vector<16xi32>,
      %parallel_loop3A_198 = arith.constant 1 : i32
      %parallel_loop3A_199 = arith.index_cast %parallel_loop3A_198 : i32 to index
      %parallel_loop3A_200 = arith.index_cast %parallel_loop3A_177 : i32 to index
      %parallel_loop3A_201 = arith.constant 64 : index
      %parallel_loop3A_202 = tpu.vector_load %arg4[%parallel_loop3A_199, %parallel_loop3A_200, %parallel_loop3A_201] {strides = array<i32>} : memref<2x256x128xi32, #tpu.memory_space<vmem>>, vector<16xi32>,
      tpu.vector_store_idx %arg5[%parallel_loop3A_202], %broadcast_in_dim3A_3 : memref<36880xi32, #tpu.memory_space<vmem>>[vector<16xi32>], vector<16xi32>,
      %parallel_loop3A_203 = arith.constant 1 : i32
      %parallel_loop3A_204 = arith.index_cast %parallel_loop3A_203 : i32 to index
      %parallel_loop3A_205 = arith.index_cast %parallel_loop3A_177 : i32 to index
      %parallel_loop3A_206 = arith.constant 80 : index
      %parallel_loop3A_207 = tpu.vector_load %arg4[%parallel_loop3A_204, %parallel_loop3A_205, %parallel_loop3A_206] {strides = array<i32>} : memref<2x256x128xi32, #tpu.memory_space<vmem>>, vector<16xi32>,
      tpu.vector_store_idx %arg5[%parallel_loop3A_207], %broadcast_in_dim3A_3 : memref<36880xi32, #tpu.memory_space<vmem>>[vector<16xi32>], vector<16xi32>,
      %parallel_loop3A_208 = arith.constant 1 : i32
      %parallel_loop3A_209 = arith.index_cast %parallel_loop3A_208 : i32 to index
      %parallel_loop3A_210 = arith.index_cast %parallel_loop3A_177 : i32 to index
      %parallel_loop3A_211 = arith.constant 96 : index
      %parallel_loop3A_212 = tpu.vector_load %arg4[%parallel_loop3A_209, %parallel_loop3A_210, %parallel_loop3A_211] {strides = array<i32>} : memref<2x256x128xi32, #tpu.memory_space<vmem>>, vector<16xi32>,
      tpu.vector_store_idx %arg5[%parallel_loop3A_212], %broadcast_in_dim3A_3 : memref<36880xi32, #tpu.memory_space<vmem>>[vector<16xi32>], vector<16xi32>,
      %parallel_loop3A_213 = arith.constant 1 : i32
      %parallel_loop3A_214 = arith.index_cast %parallel_loop3A_213 : i32 to index
      %parallel_loop3A_215 = arith.index_cast %parallel_loop3A_177 : i32 to index
      %parallel_loop3A_216 = arith.constant 112 : index
      %parallel_loop3A_217 = tpu.vector_load %arg4[%parallel_loop3A_214, %parallel_loop3A_215, %parallel_loop3A_216] {strides = array<i32>} : memref<2x256x128xi32, #tpu.memory_space<vmem>>, vector<16xi32>,
      tpu.vector_store_idx %arg5[%parallel_loop3A_217], %broadcast_in_dim3A_3 : memref<36880xi32, #tpu.memory_space<vmem>>[vector<16xi32>], vector<16xi32>,
    } {sc.loop_unroll_factor = 8 : i64, sc.parallel_access}
    %add3A_107 = arith.constant 0 : i32
    %add3A_108 = arith.addi %mul3A_2, %add3A_107 : i32
    "tpu.region"() ({
      %run_scoped3A = tpu.sem_alloc : memref<!tpu.dma_semaphore, #tpu.memory_space<semaphore_mem>>
      %dma_start3A_177 = arith.constant 0 : i32
      %dma_start3A_178 = tpu.memref_slice %arg5[%dma_start3A_177] : memref<36880xi32, #tpu.memory_space<vmem>> -> memref<36864xi32, #tpu.memory_space<vmem>>
      %dma_start3A_179 = arith.constant 0 : i32
      %dma_start3A_180 = tpu.memref_slice %arg3[%add3A_108, %dma_start3A_179] : memref<64x36864xi32, #tpu.memory_space<hbm>> -> memref<1x36864xi32, #tpu.memory_space<hbm>>
      %dma_start3A_181 = tpu.memref_squeeze %dma_start3A_180 : memref<1x36864xi32, #tpu.memory_space<hbm>> -> memref<36864xi32, #tpu.memory_space<hbm>>
      %dma_start3A_182 = arith.constant 0 : i32
      %dma_start3A_183 = tpu.memref_slice %arg3[%add3A_108, %dma_start3A_182] : memref<64x36864xi32, #tpu.memory_space<hbm>> -> memref<1x36864xi32, #tpu.memory_space<hbm>>
      %dma_start3A_184 = tpu.memref_squeeze %dma_start3A_183 : memref<1x36864xi32, #tpu.memory_space<hbm>> -> memref<36864xi32, #tpu.memory_space<hbm>>
      %dma_start3A_185 = arith.constant 0 : i32
      %dma_start3A_186 = tpu.memref_slice %arg5[%dma_start3A_185] : memref<36880xi32, #tpu.memory_space<vmem>> -> memref<36864xi32, #tpu.memory_space<vmem>>
      tpu.enqueue_dma source(%dma_start3A_186 : memref<36864xi32, #tpu.memory_space<vmem>>) target(%dma_start3A_184 : memref<36864xi32, #tpu.memory_space<hbm>>) target_semaphore(%run_scoped3A : memref<!tpu.dma_semaphore, #tpu.memory_space<semaphore_mem>>)
      %dma_wait3A_187 = arith.constant 0 : i32
      %dma_wait3A_188 = tpu.memref_slice %arg5[%dma_wait3A_187] : memref<36880xi32, #tpu.memory_space<vmem>> -> memref<36864xi32, #tpu.memory_space<vmem>>
      %dma_wait3A_189 = arith.constant 0 : i32
      %dma_wait3A_190 = tpu.memref_slice %arg3[%add3A_108, %dma_wait3A_189] : memref<64x36864xi32, #tpu.memory_space<hbm>> -> memref<1x36864xi32, #tpu.memory_space<hbm>>
      %dma_wait3A_191 = tpu.memref_squeeze %dma_wait3A_190 : memref<1x36864xi32, #tpu.memory_space<hbm>> -> memref<36864xi32, #tpu.memory_space<hbm>>
      %dma_wait3A_192 = arith.constant 0 : i32
      %dma_wait3A_193 = tpu.memref_slice %arg3[%add3A_108, %dma_wait3A_192] : memref<64x36864xi32, #tpu.memory_space<hbm>> -> memref<1x36864xi32, #tpu.memory_space<hbm>>
      %dma_wait3A_194 = tpu.memref_squeeze %dma_wait3A_193 : memref<1x36864xi32, #tpu.memory_space<hbm>> -> memref<36864xi32, #tpu.memory_space<hbm>>
      %dma_wait3A_195 = arith.constant 0 : i32
      %dma_wait3A_196 = tpu.memref_slice %arg5[%dma_wait3A_195] : memref<36880xi32, #tpu.memory_space<vmem>> -> memref<36864xi32, #tpu.memory_space<vmem>>
      tpu.wait_dma2 semaphore(%run_scoped3A : memref<!tpu.dma_semaphore, #tpu.memory_space<semaphore_mem>>) src(%dma_wait3A_196 : memref<36864xi32, #tpu.memory_space<vmem>>) dst(%dma_wait3A_194 : memref<36864xi32, #tpu.memory_space<hbm>>)
      tpu.yield
    }) : () -> ()
    %parallel_loop3A_109 = arith.constant 0 : i32
    %parallel_loop3A_110 = arith.constant 2305 : i32
    %parallel_loop3A_111 = arith.constant 1 : i32
    scf.for %parallel_loop3A_177 = %parallel_loop3A_109 to %parallel_loop3A_110 step %parallel_loop3A_111  : i32 {
      %parallel_loop3A_178 = arith.constant 16 : i32
      %parallel_loop3A_179 = arith.muli %parallel_loop3A_177, %parallel_loop3A_178 : i32
      %parallel_loop3A_180 = arith.index_cast %parallel_loop3A_179 : i32 to index
      %parallel_loop3A_181 = tpu.vector_load %arg5[%parallel_loop3A_180] {strides = array<i32>} : memref<36880xi32, #tpu.memory_space<vmem>>, vector<16xi32>,
      tpu.vector_store %arg5[%parallel_loop3A_180], %broadcast_in_dim3A_5 {strides = array<i32>} : memref<36880xi32, #tpu.memory_space<vmem>>, vector<16xi32>,
    } {sc.loop_unroll_factor = 8 : i64, sc.parallel_access}
    %add3A_112 = arith.constant 1 : i32
    %add3A_113 = arith.addi %mul3A_2, %add3A_112 : i32
    %dma_wait3A_114 = arith.constant 0 : i32
    %dma_wait3A_115 = arith.constant 0 : i32
    %dma_wait3A_116 = arith.constant 0 : i32
    %dma_wait3A_117 = tpu.memref_slice %arg4[%dma_wait3A_114, %dma_wait3A_115, %dma_wait3A_116] : memref<2x256x128xi32, #tpu.memory_space<vmem>> -> memref<1x256x128xi32, #tpu.memory_space<vmem>>
    %dma_wait3A_118 = tpu.memref_squeeze %dma_wait3A_117 : memref<1x256x128xi32, #tpu.memory_space<vmem>> -> memref<256x128xi32, #tpu.memory_space<vmem>>
    %dma_wait3A_119 = arith.constant 0 : i32
    %dma_wait3A_120 = arith.constant 0 : i32
    %dma_wait3A_121 = tpu.memref_slice %arg2[%add3A_113, %dma_wait3A_119, %dma_wait3A_120] : memref<64x512x128xi32, #tpu.memory_space<hbm>> -> memref<1x256x128xi32, #tpu.memory_space<hbm>>
    %dma_wait3A_122 = tpu.memref_squeeze %dma_wait3A_121 : memref<1x256x128xi32, #tpu.memory_space<hbm>> -> memref<256x128xi32, #tpu.memory_space<hbm>>
    %dma_wait3A_123 = arith.constant 0 : i32
    %dma_wait3A_124 = arith.constant 0 : i32
    %dma_wait3A_125 = tpu.memref_slice %arg4[%dma_wait3A_114, %dma_wait3A_123, %dma_wait3A_124] : memref<2x256x128xi32, #tpu.memory_space<vmem>> -> memref<1x256x128xi32, #tpu.memory_space<vmem>>
    %dma_wait3A_126 = tpu.memref_squeeze %dma_wait3A_125 : memref<1x256x128xi32, #tpu.memory_space<vmem>> -> memref<256x128xi32, #tpu.memory_space<vmem>>
    %dma_wait3A_127 = arith.constant 0 : i32
    %dma_wait3A_128 = arith.constant 0 : i32
    %dma_wait3A_129 = tpu.memref_slice %arg2[%add3A_113, %dma_wait3A_127, %dma_wait3A_128] : memref<64x512x128xi32, #tpu.memory_space<hbm>> -> memref<1x256x128xi32, #tpu.memory_space<hbm>>
    %dma_wait3A_130 = tpu.memref_squeeze %dma_wait3A_129 : memref<1x256x128xi32, #tpu.memory_space<hbm>> -> memref<256x128xi32, #tpu.memory_space<hbm>>
    tpu.wait_dma2 semaphore(%arg6 : memref<!tpu.dma_semaphore, #tpu.memory_space<semaphore_mem>>) src(%dma_wait3A_130 : memref<256x128xi32, #tpu.memory_space<hbm>>) dst(%dma_wait3A_126 : memref<256x128xi32, #tpu.memory_space<vmem>>)
    %add3A_131 = arith.constant 1 : i32
    %add3A_132 = arith.addi %mul3A_2, %add3A_131 : i32
    %dma_start3A_133 = arith.constant 1 : i32
    %dma_start3A_134 = arith.constant 0 : i32
    %dma_start3A_135 = arith.constant 0 : i32
    %dma_start3A_136 = tpu.memref_slice %arg4[%dma_start3A_133, %dma_start3A_134, %dma_start3A_135] : memref<2x256x128xi32, #tpu.memory_space<vmem>> -> memref<1x256x128xi32, #tpu.memory_space<vmem>>
    %dma_start3A_137 = tpu.memref_squeeze %dma_start3A_136 : memref<1x256x128xi32, #tpu.memory_space<vmem>> -> memref<256x128xi32, #tpu.memory_space<vmem>>
    %dma_start3A_138 = arith.constant 256 : i32
    %dma_start3A_139 = arith.constant 0 : i32
    %dma_start3A_140 = tpu.memref_slice %arg2[%add3A_132, %dma_start3A_138, %dma_start3A_139] : memref<64x512x128xi32, #tpu.memory_space<hbm>> -> memref<1x256x128xi32, #tpu.memory_space<hbm>>
    %dma_start3A_141 = tpu.memref_squeeze %dma_start3A_140 : memref<1x256x128xi32, #tpu.memory_space<hbm>> -> memref<256x128xi32, #tpu.memory_space<hbm>>
    %dma_start3A_142 = arith.constant 0 : i32
    %dma_start3A_143 = arith.constant 0 : i32
    %dma_start3A_144 = tpu.memref_slice %arg4[%dma_start3A_133, %dma_start3A_142, %dma_start3A_143] : memref<2x256x128xi32, #tpu.memory_space<vmem>> -> memref<1x256x128xi32, #tpu.memory_space<vmem>>
    %dma_start3A_145 = tpu.memref_squeeze %dma_start3A_144 : memref<1x256x128xi32, #tpu.memory_space<vmem>> -> memref<256x128xi32, #tpu.memory_space<vmem>>
    %dma_start3A_146 = arith.constant 256 : i32
    %dma_start3A_147 = arith.constant 0 : i32
    %dma_start3A_148 = tpu.memref_slice %arg2[%add3A_132, %dma_start3A_146, %dma_start3A_147] : memref<64x512x128xi32, #tpu.memory_space<hbm>> -> memref<1x256x128xi32, #tpu.memory_space<hbm>>
    %dma_start3A_149 = tpu.memref_squeeze %dma_start3A_148 : memref<1x256x128xi32, #tpu.memory_space<hbm>> -> memref<256x128xi32, #tpu.memory_space<hbm>>
    tpu.enqueue_dma source(%dma_start3A_149 : memref<256x128xi32, #tpu.memory_space<hbm>>) target(%dma_start3A_145 : memref<256x128xi32, #tpu.memory_space<vmem>>) target_semaphore(%arg7 : memref<!tpu.dma_semaphore, #tpu.memory_space<semaphore_mem>>)
    %parallel_loop3A_150 = arith.constant 0 : i32
    %parallel_loop3A_151 = arith.constant 256 : i32
    %parallel_loop3A_152 = arith.constant 1 : i32
    scf.for %parallel_loop3A_177 = %parallel_loop3A_150 to %parallel_loop3A_151 step %parallel_loop3A_152  : i32 {
      %parallel_loop3A_178 = arith.constant 0 : i32
      %parallel_loop3A_179 = arith.index_cast %parallel_loop3A_178 : i32 to index
      %parallel_loop3A_180 = arith.index_cast %parallel_loop3A_177 : i32 to index
      %parallel_loop3A_181 = arith.constant 0 : index
      %parallel_loop3A_182 = tpu.vector_load %arg4[%parallel_loop3A_179, %parallel_loop3A_180, %parallel_loop3A_181] {strides = array<i32>} : memref<2x256x128xi32, #tpu.memory_space<vmem>>, vector<16xi32>,
      tpu.vector_store_idx %arg5[%parallel_loop3A_182], %broadcast_in_dim3A_3 : memref<36880xi32, #tpu.memory_space<vmem>>[vector<16xi32>], vector<16xi32>,
      %parallel_loop3A_183 = arith.constant 0 : i32
      %parallel_loop3A_184 = arith.index_cast %parallel_loop3A_183 : i32 to index
      %parallel_loop3A_185 = arith.index_cast %parallel_loop3A_177 : i32 to index
      %parallel_loop3A_186 = arith.constant 16 : index
      %parallel_loop3A_187 = tpu.vector_load %arg4[%parallel_loop3A_184, %parallel_loop3A_185, %parallel_loop3A_186] {strides = array<i32>} : memref<2x256x128xi32, #tpu.memory_space<vmem>>, vector<16xi32>,
      tpu.vector_store_idx %arg5[%parallel_loop3A_187], %broadcast_in_dim3A_3 : memref<36880xi32, #tpu.memory_space<vmem>>[vector<16xi32>], vector<16xi32>,
      %parallel_loop3A_188 = arith.constant 0 : i32
      %parallel_loop3A_189 = arith.index_cast %parallel_loop3A_188 : i32 to index
      %parallel_loop3A_190 = arith.index_cast %parallel_loop3A_177 : i32 to index
      %parallel_loop3A_191 = arith.constant 32 : index
      %parallel_loop3A_192 = tpu.vector_load %arg4[%parallel_loop3A_189, %parallel_loop3A_190, %parallel_loop3A_191] {strides = array<i32>} : memref<2x256x128xi32, #tpu.memory_space<vmem>>, vector<16xi32>,
      tpu.vector_store_idx %arg5[%parallel_loop3A_192], %broadcast_in_dim3A_3 : memref<36880xi32, #tpu.memory_space<vmem>>[vector<16xi32>], vector<16xi32>,
      %parallel_loop3A_193 = arith.constant 0 : i32
      %parallel_loop3A_194 = arith.index_cast %parallel_loop3A_193 : i32 to index
      %parallel_loop3A_195 = arith.index_cast %parallel_loop3A_177 : i32 to index
      %parallel_loop3A_196 = arith.constant 48 : index
      %parallel_loop3A_197 = tpu.vector_load %arg4[%parallel_loop3A_194, %parallel_loop3A_195, %parallel_loop3A_196] {strides = array<i32>} : memref<2x256x128xi32, #tpu.memory_space<vmem>>, vector<16xi32>,
      tpu.vector_store_idx %arg5[%parallel_loop3A_197], %broadcast_in_dim3A_3 : memref<36880xi32, #tpu.memory_space<vmem>>[vector<16xi32>], vector<16xi32>,
      %parallel_loop3A_198 = arith.constant 0 : i32
      %parallel_loop3A_199 = arith.index_cast %parallel_loop3A_198 : i32 to index
      %parallel_loop3A_200 = arith.index_cast %parallel_loop3A_177 : i32 to index
      %parallel_loop3A_201 = arith.constant 64 : index
      %parallel_loop3A_202 = tpu.vector_load %arg4[%parallel_loop3A_199, %parallel_loop3A_200, %parallel_loop3A_201] {strides = array<i32>} : memref<2x256x128xi32, #tpu.memory_space<vmem>>, vector<16xi32>,
      tpu.vector_store_idx %arg5[%parallel_loop3A_202], %broadcast_in_dim3A_3 : memref<36880xi32, #tpu.memory_space<vmem>>[vector<16xi32>], vector<16xi32>,
      %parallel_loop3A_203 = arith.constant 0 : i32
      %parallel_loop3A_204 = arith.index_cast %parallel_loop3A_203 : i32 to index
      %parallel_loop3A_205 = arith.index_cast %parallel_loop3A_177 : i32 to index
      %parallel_loop3A_206 = arith.constant 80 : index
      %parallel_loop3A_207 = tpu.vector_load %arg4[%parallel_loop3A_204, %parallel_loop3A_205, %parallel_loop3A_206] {strides = array<i32>} : memref<2x256x128xi32, #tpu.memory_space<vmem>>, vector<16xi32>,
      tpu.vector_store_idx %arg5[%parallel_loop3A_207], %broadcast_in_dim3A_3 : memref<36880xi32, #tpu.memory_space<vmem>>[vector<16xi32>], vector<16xi32>,
      %parallel_loop3A_208 = arith.constant 0 : i32
      %parallel_loop3A_209 = arith.index_cast %parallel_loop3A_208 : i32 to index
      %parallel_loop3A_210 = arith.index_cast %parallel_loop3A_177 : i32 to index
      %parallel_loop3A_211 = arith.constant 96 : index
      %parallel_loop3A_212 = tpu.vector_load %arg4[%parallel_loop3A_209, %parallel_loop3A_210, %parallel_loop3A_211] {strides = array<i32>} : memref<2x256x128xi32, #tpu.memory_space<vmem>>, vector<16xi32>,
      tpu.vector_store_idx %arg5[%parallel_loop3A_212], %broadcast_in_dim3A_3 : memref<36880xi32, #tpu.memory_space<vmem>>[vector<16xi32>], vector<16xi32>,
      %parallel_loop3A_213 = arith.constant 0 : i32
      %parallel_loop3A_214 = arith.index_cast %parallel_loop3A_213 : i32 to index
      %parallel_loop3A_215 = arith.index_cast %parallel_loop3A_177 : i32 to index
      %parallel_loop3A_216 = arith.constant 112 : index
      %parallel_loop3A_217 = tpu.vector_load %arg4[%parallel_loop3A_214, %parallel_loop3A_215, %parallel_loop3A_216] {strides = array<i32>} : memref<2x256x128xi32, #tpu.memory_space<vmem>>, vector<16xi32>,
      tpu.vector_store_idx %arg5[%parallel_loop3A_217], %broadcast_in_dim3A_3 : memref<36880xi32, #tpu.memory_space<vmem>>[vector<16xi32>], vector<16xi32>,
    } {sc.loop_unroll_factor = 8 : i64, sc.parallel_access}
    %add3A_153 = arith.constant 1 : i32
    %add3A_154 = arith.addi %mul3A_2, %add3A_153 : i32
    %dma_wait3A_155 = arith.constant 1 : i32
    %dma_wait3A_156 = arith.constant 0 : i32
    %dma_wait3A_157 = arith.constant 0 : i32
    %dma_wait3A_158 = tpu.memref_slice %arg4[%dma_wait3A_155, %dma_wait3A_156, %dma_wait3A_157] : memref<2x256x128xi32, #tpu.memory_space<vmem>> -> memref<1x256x128xi32, #tpu.memory_space<vmem>>
    %dma_wait3A_159 = tpu.memref_squeeze %dma_wait3A_158 : memref<1x256x128xi32, #tpu.memory_space<vmem>> -> memref<256x128xi32, #tpu.memory_space<vmem>>
    %dma_wait3A_160 = arith.constant 256 : i32
    %dma_wait3A_161 = arith.constant 0 : i32
    %dma_wait3A_162 = tpu.memref_slice %arg2[%add3A_154, %dma_wait3A_160, %dma_wait3A_161] : memref<64x512x128xi32, #tpu.memory_space<hbm>> -> memref<1x256x128xi32, #tpu.memory_space<hbm>>
    %dma_wait3A_163 = tpu.memref_squeeze %dma_wait3A_162 : memref<1x256x128xi32, #tpu.memory_space<hbm>> -> memref<256x128xi32, #tpu.memory_space<hbm>>
    %dma_wait3A_164 = arith.constant 0 : i32
    %dma_wait3A_165 = arith.constant 0 : i32
    %dma_wait3A_166 = tpu.memref_slice %arg4[%dma_wait3A_155, %dma_wait3A_164, %dma_wait3A_165] : memref<2x256x128xi32, #tpu.memory_space<vmem>> -> memref<1x256x128xi32, #tpu.memory_space<vmem>>
    %dma_wait3A_167 = tpu.memref_squeeze %dma_wait3A_166 : memref<1x256x128xi32, #tpu.memory_space<vmem>> -> memref<256x128xi32, #tpu.memory_space<vmem>>
    %dma_wait3A_168 = arith.constant 256 : i32
    %dma_wait3A_169 = arith.constant 0 : i32
    %dma_wait3A_170 = tpu.memref_slice %arg2[%add3A_154, %dma_wait3A_168, %dma_wait3A_169] : memref<64x512x128xi32, #tpu.memory_space<hbm>> -> memref<1x256x128xi32, #tpu.memory_space<hbm>>
    %dma_wait3A_171 = tpu.memref_squeeze %dma_wait3A_170 : memref<1x256x128xi32, #tpu.memory_space<hbm>> -> memref<256x128xi32, #tpu.memory_space<hbm>>
    tpu.wait_dma2 semaphore(%arg7 : memref<!tpu.dma_semaphore, #tpu.memory_space<semaphore_mem>>) src(%dma_wait3A_171 : memref<256x128xi32, #tpu.memory_space<hbm>>) dst(%dma_wait3A_167 : memref<256x128xi32, #tpu.memory_space<vmem>>)
    %parallel_loop3A_172 = arith.constant 0 : i32
    %parallel_loop3A_173 = arith.constant 256 : i32
    %parallel_loop3A_174 = arith.constant 1 : i32
    scf.for %parallel_loop3A_177 = %parallel_loop3A_172 to %parallel_loop3A_173 step %parallel_loop3A_174  : i32 {
      %parallel_loop3A_178 = arith.constant 1 : i32
      %parallel_loop3A_179 = arith.index_cast %parallel_loop3A_178 : i32 to index
      %parallel_loop3A_180 = arith.index_cast %parallel_loop3A_177 : i32 to index
      %parallel_loop3A_181 = arith.constant 0 : index
      %parallel_loop3A_182 = tpu.vector_load %arg4[%parallel_loop3A_179, %parallel_loop3A_180, %parallel_loop3A_181] {strides = array<i32>} : memref<2x256x128xi32, #tpu.memory_space<vmem>>, vector<16xi32>,
      tpu.vector_store_idx %arg5[%parallel_loop3A_182], %broadcast_in_dim3A_3 : memref<36880xi32, #tpu.memory_space<vmem>>[vector<16xi32>], vector<16xi32>,
      %parallel_loop3A_183 = arith.constant 1 : i32
      %parallel_loop3A_184 = arith.index_cast %parallel_loop3A_183 : i32 to index
      %parallel_loop3A_185 = arith.index_cast %parallel_loop3A_177 : i32 to index
      %parallel_loop3A_186 = arith.constant 16 : index
      %parallel_loop3A_187 = tpu.vector_load %arg4[%parallel_loop3A_184, %parallel_loop3A_185, %parallel_loop3A_186] {strides = array<i32>} : memref<2x256x128xi32, #tpu.memory_space<vmem>>, vector<16xi32>,
      tpu.vector_store_idx %arg5[%parallel_loop3A_187], %broadcast_in_dim3A_3 : memref<36880xi32, #tpu.memory_space<vmem>>[vector<16xi32>], vector<16xi32>,
      %parallel_loop3A_188 = arith.constant 1 : i32
      %parallel_loop3A_189 = arith.index_cast %parallel_loop3A_188 : i32 to index
      %parallel_loop3A_190 = arith.index_cast %parallel_loop3A_177 : i32 to index
      %parallel_loop3A_191 = arith.constant 32 : index
      %parallel_loop3A_192 = tpu.vector_load %arg4[%parallel_loop3A_189, %parallel_loop3A_190, %parallel_loop3A_191] {strides = array<i32>} : memref<2x256x128xi32, #tpu.memory_space<vmem>>, vector<16xi32>,
      tpu.vector_store_idx %arg5[%parallel_loop3A_192], %broadcast_in_dim3A_3 : memref<36880xi32, #tpu.memory_space<vmem>>[vector<16xi32>], vector<16xi32>,
      %parallel_loop3A_193 = arith.constant 1 : i32
      %parallel_loop3A_194 = arith.index_cast %parallel_loop3A_193 : i32 to index
      %parallel_loop3A_195 = arith.index_cast %parallel_loop3A_177 : i32 to index
      %parallel_loop3A_196 = arith.constant 48 : index
      %parallel_loop3A_197 = tpu.vector_load %arg4[%parallel_loop3A_194, %parallel_loop3A_195, %parallel_loop3A_196] {strides = array<i32>} : memref<2x256x128xi32, #tpu.memory_space<vmem>>, vector<16xi32>,
      tpu.vector_store_idx %arg5[%parallel_loop3A_197], %broadcast_in_dim3A_3 : memref<36880xi32, #tpu.memory_space<vmem>>[vector<16xi32>], vector<16xi32>,
      %parallel_loop3A_198 = arith.constant 1 : i32
      %parallel_loop3A_199 = arith.index_cast %parallel_loop3A_198 : i32 to index
      %parallel_loop3A_200 = arith.index_cast %parallel_loop3A_177 : i32 to index
      %parallel_loop3A_201 = arith.constant 64 : index
      %parallel_loop3A_202 = tpu.vector_load %arg4[%parallel_loop3A_199, %parallel_loop3A_200, %parallel_loop3A_201] {strides = array<i32>} : memref<2x256x128xi32, #tpu.memory_space<vmem>>, vector<16xi32>,
      tpu.vector_store_idx %arg5[%parallel_loop3A_202], %broadcast_in_dim3A_3 : memref<36880xi32, #tpu.memory_space<vmem>>[vector<16xi32>], vector<16xi32>,
      %parallel_loop3A_203 = arith.constant 1 : i32
      %parallel_loop3A_204 = arith.index_cast %parallel_loop3A_203 : i32 to index
      %parallel_loop3A_205 = arith.index_cast %parallel_loop3A_177 : i32 to index
      %parallel_loop3A_206 = arith.constant 80 : index
      %parallel_loop3A_207 = tpu.vector_load %arg4[%parallel_loop3A_204, %parallel_loop3A_205, %parallel_loop3A_206] {strides = array<i32>} : memref<2x256x128xi32, #tpu.memory_space<vmem>>, vector<16xi32>,
      tpu.vector_store_idx %arg5[%parallel_loop3A_207], %broadcast_in_dim3A_3 : memref<36880xi32, #tpu.memory_space<vmem>>[vector<16xi32>], vector<16xi32>,
      %parallel_loop3A_208 = arith.constant 1 : i32
      %parallel_loop3A_209 = arith.index_cast %parallel_loop3A_208 : i32 to index
      %parallel_loop3A_210 = arith.index_cast %parallel_loop3A_177 : i32 to index
      %parallel_loop3A_211 = arith.constant 96 : index
      %parallel_loop3A_212 = tpu.vector_load %arg4[%parallel_loop3A_209, %parallel_loop3A_210, %parallel_loop3A_211] {strides = array<i32>} : memref<2x256x128xi32, #tpu.memory_space<vmem>>, vector<16xi32>,
      tpu.vector_store_idx %arg5[%parallel_loop3A_212], %broadcast_in_dim3A_3 : memref<36880xi32, #tpu.memory_space<vmem>>[vector<16xi32>], vector<16xi32>,
      %parallel_loop3A_213 = arith.constant 1 : i32
      %parallel_loop3A_214 = arith.index_cast %parallel_loop3A_213 : i32 to index
      %parallel_loop3A_215 = arith.index_cast %parallel_loop3A_177 : i32 to index
      %parallel_loop3A_216 = arith.constant 112 : index
      %parallel_loop3A_217 = tpu.vector_load %arg4[%parallel_loop3A_214, %parallel_loop3A_215, %parallel_loop3A_216] {strides = array<i32>} : memref<2x256x128xi32, #tpu.memory_space<vmem>>, vector<16xi32>,
      tpu.vector_store_idx %arg5[%parallel_loop3A_217], %broadcast_in_dim3A_3 : memref<36880xi32, #tpu.memory_space<vmem>>[vector<16xi32>], vector<16xi32>,
    } {sc.loop_unroll_factor = 8 : i64, sc.parallel_access}
    %add3A_175 = arith.constant 1 : i32
    %add3A_176 = arith.addi %mul3A_2, %add3A_175 : i32
    "tpu.region"() ({
      %run_scoped3A = tpu.sem_alloc : memref<!tpu.dma_semaphore, #tpu.memory_space<semaphore_mem>>
      %dma_start3A_177 = arith.constant 0 : i32
      %dma_start3A_178 = tpu.memref_slice %arg5[%dma_start3A_177] : memref<36880xi32, #tpu.memory_space<vmem>> -> memref<36864xi32, #tpu.memory_space<vmem>>
      %dma_start3A_179 = arith.constant 0 : i32
      %dma_start3A_180 = tpu.memref_slice %arg3[%add3A_176, %dma_start3A_179] : memref<64x36864xi32, #tpu.memory_space<hbm>> -> memref<1x36864xi32, #tpu.memory_space<hbm>>
      %dma_start3A_181 = tpu.memref_squeeze %dma_start3A_180 : memref<1x36864xi32, #tpu.memory_space<hbm>> -> memref<36864xi32, #tpu.memory_space<hbm>>
      %dma_start3A_182 = arith.constant 0 : i32
      %dma_start3A_183 = tpu.memref_slice %arg3[%add3A_176, %dma_start3A_182] : memref<64x36864xi32, #tpu.memory_space<hbm>> -> memref<1x36864xi32, #tpu.memory_space<hbm>>
      %dma_start3A_184 = tpu.memref_squeeze %dma_start3A_183 : memref<1x36864xi32, #tpu.memory_space<hbm>> -> memref<36864xi32, #tpu.memory_space<hbm>>
      %dma_start3A_185 = arith.constant 0 : i32
      %dma_start3A_186 = tpu.memref_slice %arg5[%dma_start3A_185] : memref<36880xi32, #tpu.memory_space<vmem>> -> memref<36864xi32, #tpu.memory_space<vmem>>
      tpu.enqueue_dma source(%dma_start3A_186 : memref<36864xi32, #tpu.memory_space<vmem>>) target(%dma_start3A_184 : memref<36864xi32, #tpu.memory_space<hbm>>) target_semaphore(%run_scoped3A : memref<!tpu.dma_semaphore, #tpu.memory_space<semaphore_mem>>)
      %dma_wait3A_187 = arith.constant 0 : i32
      %dma_wait3A_188 = tpu.memref_slice %arg5[%dma_wait3A_187] : memref<36880xi32, #tpu.memory_space<vmem>> -> memref<36864xi32, #tpu.memory_space<vmem>>
      %dma_wait3A_189 = arith.constant 0 : i32
      %dma_wait3A_190 = tpu.memref_slice %arg3[%add3A_176, %dma_wait3A_189] : memref<64x36864xi32, #tpu.memory_space<hbm>> -> memref<1x36864xi32, #tpu.memory_space<hbm>>
      %dma_wait3A_191 = tpu.memref_squeeze %dma_wait3A_190 : memref<1x36864xi32, #tpu.memory_space<hbm>> -> memref<36864xi32, #tpu.memory_space<hbm>>
      %dma_wait3A_192 = arith.constant 0 : i32
      %dma_wait3A_193 = tpu.memref_slice %arg3[%add3A_176, %dma_wait3A_192] : memref<64x36864xi32, #tpu.memory_space<hbm>> -> memref<1x36864xi32, #tpu.memory_space<hbm>>
      %dma_wait3A_194 = tpu.memref_squeeze %dma_wait3A_193 : memref<1x36864xi32, #tpu.memory_space<hbm>> -> memref<36864xi32, #tpu.memory_space<hbm>>
      %dma_wait3A_195 = arith.constant 0 : i32
      %dma_wait3A_196 = tpu.memref_slice %arg5[%dma_wait3A_195] : memref<36880xi32, #tpu.memory_space<vmem>> -> memref<36864xi32, #tpu.memory_space<vmem>>
      tpu.wait_dma2 semaphore(%run_scoped3A : memref<!tpu.dma_semaphore, #tpu.memory_space<semaphore_mem>>) src(%dma_wait3A_196 : memref<36864xi32, #tpu.memory_space<vmem>>) dst(%dma_wait3A_194 : memref<36864xi32, #tpu.memory_space<hbm>>)
      tpu.yield
    }) : () -> ()
    return
  }
}

module attributes {stable_mosaic.version = 14 : i64} {
  func.func @_tc_index_body(%arg0: i32, %arg1: memref<64x3xf32, #tpu.memory_space<smem>>, %arg2: memref<64x4xf32, #tpu.memory_space<smem>>, %arg3: memref<8x3x512x128xf32, #tpu.memory_space<vmem>>, %arg4: memref<8x512x128xi32, #tpu.memory_space<vmem>>) attributes {dimension_semantics = [#tpu.dimension_semantics<arbitrary>], iteration_bounds = array<i64: 8>, scalar_prefetch = 0 : i64, scratch_operands = 0 : i64, tpu.core_type = #tpu.core_type<tc>, window_params = [{transform_indices = @transform_0, window_bounds = array<i64: 64, 3>}, {transform_indices = @transform_1, window_bounds = array<i64: 64, 4>}, {transform_indices = @transform_2, window_bounds = array<i64: 8, 3, 512, 128>}, {transform_indices = @transform_3, window_bounds = array<i64: 8, 512, 128>}]} {
    %iota3A = tpu.iota {dimensions = array<i32: 1>} : vector<512x128xi32>
    %and3A = arith.constant 15 : i32
    %and3A_0 = vector.broadcast %and3A : i32 to vector<512x128xi32>
    %and3A_1 = arith.andi %iota3A, %and3A_0 : vector<512x128xi32>
    %add3A = arith.constant 36864 : i32
    %add3A_2 = vector.broadcast %add3A : i32 to vector<512x128xi32>
    %add3A_3 = arith.addi %add3A_2, %and3A_1 : vector<512x128xi32>
    %mul3A = arith.constant 8 : i32
    %mul3A_4 = arith.muli %arg0, %mul3A : i32
    %add3A_5 = arith.constant 0 : i32
    %add3A_6 = arith.addi %mul3A_4, %add3A_5 : i32
    %get3A = arith.constant 0 : index
    %get3A_7 = arith.constant 0 : index
    %get3A_8 = arith.constant 0 : index
    %get3A_9 = arith.constant 0 : index
    %get3A_10 = vector.load %arg3[%get3A, %get3A_7, %get3A_8, %get3A_9] : memref<8x3x512x128xf32, #tpu.memory_space<vmem>>, vector<1x1x512x128xf32>
    %get3A_11 = vector.shape_cast %get3A_10 : vector<1x1x512x128xf32> to vector<512x128xf32>
    %get3A_12 = arith.constant 0 : index
    %get3A_13 = arith.constant 1 : index
    %get3A_14 = arith.constant 0 : index
    %get3A_15 = arith.constant 0 : index
    %get3A_16 = vector.load %arg3[%get3A_12, %get3A_13, %get3A_14, %get3A_15] : memref<8x3x512x128xf32, #tpu.memory_space<vmem>>, vector<1x1x512x128xf32>
    %get3A_17 = vector.shape_cast %get3A_16 : vector<1x1x512x128xf32> to vector<512x128xf32>
    %get3A_18 = arith.constant 0 : index
    %get3A_19 = arith.constant 2 : index
    %get3A_20 = arith.constant 0 : index
    %get3A_21 = arith.constant 0 : index
    %get3A_22 = vector.load %arg3[%get3A_18, %get3A_19, %get3A_20, %get3A_21] : memref<8x3x512x128xf32, #tpu.memory_space<vmem>>, vector<1x1x512x128xf32>
    %get3A_23 = vector.shape_cast %get3A_22 : vector<1x1x512x128xf32> to vector<512x128xf32>
    %get3A_24 = arith.index_cast %add3A_6 : i32 to index
    %get3A_25 = arith.constant 0 : index
    %get3A_26 = memref.load %arg1[%get3A_24, %get3A_25] : memref<64x3xf32, #tpu.memory_space<smem>>
    %get3A_27 = arith.index_cast %add3A_6 : i32 to index
    %get3A_28 = arith.constant 1 : index
    %get3A_29 = memref.load %arg1[%get3A_27, %get3A_28] : memref<64x3xf32, #tpu.memory_space<smem>>
    %get3A_30 = arith.index_cast %add3A_6 : i32 to index
    %get3A_31 = arith.constant 2 : index
    %get3A_32 = memref.load %arg1[%get3A_30, %get3A_31] : memref<64x3xf32, #tpu.memory_space<smem>>
    %get3A_33 = arith.index_cast %add3A_6 : i32 to index
    %get3A_34 = arith.constant 0 : index
    %get3A_35 = memref.load %arg2[%get3A_33, %get3A_34] : memref<64x4xf32, #tpu.memory_space<smem>>
    %get3A_36 = arith.index_cast %add3A_6 : i32 to index
    %get3A_37 = arith.constant 1 : index
    %get3A_38 = memref.load %arg2[%get3A_36, %get3A_37] : memref<64x4xf32, #tpu.memory_space<smem>>
    %neg3A = arith.constant 0.000000e+00 : f32
    %neg3A_39 = arith.subf %neg3A, %get3A_38 : f32
    %get3A_40 = arith.index_cast %add3A_6 : i32 to index
    %get3A_41 = arith.constant 2 : index
    %get3A_42 = memref.load %arg2[%get3A_40, %get3A_41] : memref<64x4xf32, #tpu.memory_space<smem>>
    %neg3A_43 = arith.constant 0.000000e+00 : f32
    %neg3A_44 = arith.subf %neg3A_43, %get3A_42 : f32
    %get3A_45 = arith.index_cast %add3A_6 : i32 to index
    %get3A_46 = arith.constant 3 : index
    %get3A_47 = memref.load %arg2[%get3A_45, %get3A_46] : memref<64x4xf32, #tpu.memory_space<smem>>
    %neg3A_48 = arith.constant 0.000000e+00 : f32
    %neg3A_49 = arith.subf %neg3A_48, %get3A_47 : f32
    %sub3A = vector.broadcast %get3A_26 : f32 to vector<512x128xf32>
    %sub3A_50 = arith.subf %get3A_11, %sub3A : vector<512x128xf32>
    %sub3A_51 = vector.broadcast %get3A_29 : f32 to vector<512x128xf32>
    %sub3A_52 = arith.subf %get3A_17, %sub3A_51 : vector<512x128xf32>
    %sub3A_53 = vector.broadcast %get3A_32 : f32 to vector<512x128xf32>
    %sub3A_54 = arith.subf %get3A_23, %sub3A_53 : vector<512x128xf32>
    %mul3A_55 = vector.broadcast %neg3A_44 : f32 to vector<512x128xf32>
    %mul3A_56 = arith.mulf %mul3A_55, %sub3A_54 : vector<512x128xf32>
    %mul3A_57 = vector.broadcast %neg3A_49 : f32 to vector<512x128xf32>
    %mul3A_58 = arith.mulf %mul3A_57, %sub3A_52 : vector<512x128xf32>
    %sub3A_59 = arith.subf %mul3A_56, %mul3A_58 : vector<512x128xf32>
    %mul3A_60 = vector.broadcast %neg3A_49 : f32 to vector<512x128xf32>
    %mul3A_61 = arith.mulf %mul3A_60, %sub3A_50 : vector<512x128xf32>
    %mul3A_62 = vector.broadcast %neg3A_39 : f32 to vector<512x128xf32>
    %mul3A_63 = arith.mulf %mul3A_62, %sub3A_54 : vector<512x128xf32>
    %sub3A_64 = arith.subf %mul3A_61, %mul3A_63 : vector<512x128xf32>
    %mul3A_65 = vector.broadcast %neg3A_39 : f32 to vector<512x128xf32>
    %mul3A_66 = arith.mulf %mul3A_65, %sub3A_52 : vector<512x128xf32>
    %mul3A_67 = vector.broadcast %neg3A_44 : f32 to vector<512x128xf32>
    %mul3A_68 = arith.mulf %mul3A_67, %sub3A_50 : vector<512x128xf32>
    %sub3A_69 = arith.subf %mul3A_66, %mul3A_68 : vector<512x128xf32>
    %mul3A_70 = arith.constant 2.000000e+00 : f32
    %mul3A_71 = arith.mulf %mul3A_70, %get3A_35 : f32
    %mul3A_72 = vector.broadcast %mul3A_71 : f32 to vector<512x128xf32>
    %mul3A_73 = arith.mulf %mul3A_72, %sub3A_59 : vector<512x128xf32>
    %mul3A_74 = vector.broadcast %mul3A_71 : f32 to vector<512x128xf32>
    %mul3A_75 = arith.mulf %mul3A_74, %sub3A_64 : vector<512x128xf32>
    %mul3A_76 = vector.broadcast %mul3A_71 : f32 to vector<512x128xf32>
    %mul3A_77 = arith.mulf %mul3A_76, %sub3A_69 : vector<512x128xf32>
    %mul3A_78 = vector.broadcast %neg3A_44 : f32 to vector<512x128xf32>
    %mul3A_79 = arith.mulf %mul3A_78, %sub3A_69 : vector<512x128xf32>
    %mul3A_80 = vector.broadcast %neg3A_49 : f32 to vector<512x128xf32>
    %mul3A_81 = arith.mulf %mul3A_80, %sub3A_64 : vector<512x128xf32>
    %sub3A_82 = arith.subf %mul3A_79, %mul3A_81 : vector<512x128xf32>
    %mul3A_83 = vector.broadcast %neg3A_49 : f32 to vector<512x128xf32>
    %mul3A_84 = arith.mulf %mul3A_83, %sub3A_59 : vector<512x128xf32>
    %mul3A_85 = vector.broadcast %neg3A_39 : f32 to vector<512x128xf32>
    %mul3A_86 = arith.mulf %mul3A_85, %sub3A_69 : vector<512x128xf32>
    %sub3A_87 = arith.subf %mul3A_84, %mul3A_86 : vector<512x128xf32>
    %mul3A_88 = vector.broadcast %neg3A_39 : f32 to vector<512x128xf32>
    %mul3A_89 = arith.mulf %mul3A_88, %sub3A_64 : vector<512x128xf32>
    %mul3A_90 = vector.broadcast %neg3A_44 : f32 to vector<512x128xf32>
    %mul3A_91 = arith.mulf %mul3A_90, %sub3A_59 : vector<512x128xf32>
    %sub3A_92 = arith.subf %mul3A_89, %mul3A_91 : vector<512x128xf32>
    %add3A_93 = arith.addf %sub3A_50, %mul3A_73 : vector<512x128xf32>
    %add3A_94 = arith.addf %sub3A_82, %sub3A_82 : vector<512x128xf32>
    %add3A_95 = arith.addf %add3A_93, %add3A_94 : vector<512x128xf32>
    %add3A_96 = arith.addf %sub3A_52, %mul3A_75 : vector<512x128xf32>
    %add3A_97 = arith.addf %sub3A_87, %sub3A_87 : vector<512x128xf32>
    %add3A_98 = arith.addf %add3A_96, %add3A_97 : vector<512x128xf32>
    %add3A_99 = arith.addf %sub3A_54, %mul3A_77 : vector<512x128xf32>
    %add3A_100 = arith.addf %sub3A_92, %sub3A_92 : vector<512x128xf32>
    %add3A_101 = arith.addf %add3A_99, %add3A_100 : vector<512x128xf32>
    %sub3A_102 = arith.constant -3.200000e+00 : f32
    %sub3A_103 = vector.broadcast %sub3A_102 : f32 to vector<512x128xf32>
    %sub3A_104 = arith.subf %add3A_95, %sub3A_103 : vector<512x128xf32>
    %div3A = arith.constant 1.000000e-01 : f32
    %div3A_105 = vector.broadcast %div3A : f32 to vector<512x128xf32>
    %div3A_106 = arith.divf %sub3A_104, %div3A_105 : vector<512x128xf32>
    %sub3A_107 = arith.constant -2.400000e+00 : f32
    %sub3A_108 = vector.broadcast %sub3A_107 : f32 to vector<512x128xf32>
    %sub3A_109 = arith.subf %add3A_98, %sub3A_108 : vector<512x128xf32>
    %div3A_110 = arith.constant 1.000000e-01 : f32
    %div3A_111 = vector.broadcast %div3A_110 : f32 to vector<512x128xf32>
    %div3A_112 = arith.divf %sub3A_109, %div3A_111 : vector<512x128xf32>
    %sub3A_113 = arith.constant -6.000000e-01 : f32
    %sub3A_114 = vector.broadcast %sub3A_113 : f32 to vector<512x128xf32>
    %sub3A_115 = arith.subf %add3A_101, %sub3A_114 : vector<512x128xf32>
    %div3A_116 = arith.constant 1.000000e-01 : f32
    %div3A_117 = vector.broadcast %div3A_116 : f32 to vector<512x128xf32>
    %div3A_118 = arith.divf %sub3A_115, %div3A_117 : vector<512x128xf32>
    %gt3A = arith.constant -1.000000e+00 : f32
    %gt3A_119 = vector.broadcast %gt3A : f32 to vector<512x128xf32>
    %gt3A_120 = arith.cmpf ogt, %div3A_106, %gt3A_119 : vector<512x128xf32>
    %lt3A = arith.constant 6.400000e+01 : f32
    %lt3A_121 = vector.broadcast %lt3A : f32 to vector<512x128xf32>
    %lt3A_122 = arith.cmpf olt, %div3A_106, %lt3A_121 : vector<512x128xf32>
    %and3A_123 = arith.andi %gt3A_120, %lt3A_122 : vector<512x128xi1>
    %gt3A_124 = arith.constant -1.000000e+00 : f32
    %gt3A_125 = vector.broadcast %gt3A_124 : f32 to vector<512x128xf32>
    %gt3A_126 = arith.cmpf ogt, %div3A_112, %gt3A_125 : vector<512x128xf32>
    %and3A_127 = arith.andi %and3A_123, %gt3A_126 : vector<512x128xi1>
    %lt3A_128 = arith.constant 4.800000e+01 : f32
    %lt3A_129 = vector.broadcast %lt3A_128 : f32 to vector<512x128xf32>
    %lt3A_130 = arith.cmpf olt, %div3A_112, %lt3A_129 : vector<512x128xf32>
    %and3A_131 = arith.andi %and3A_127, %lt3A_130 : vector<512x128xi1>
    %gt3A_132 = arith.constant -1.000000e+00 : f32
    %gt3A_133 = vector.broadcast %gt3A_132 : f32 to vector<512x128xf32>
    %gt3A_134 = arith.cmpf ogt, %div3A_118, %gt3A_133 : vector<512x128xf32>
    %and3A_135 = arith.andi %and3A_131, %gt3A_134 : vector<512x128xi1>
    %lt3A_136 = arith.constant 1.200000e+01 : f32
    %lt3A_137 = vector.broadcast %lt3A_136 : f32 to vector<512x128xf32>
    %lt3A_138 = arith.cmpf olt, %div3A_118, %lt3A_137 : vector<512x128xf32>
    %and3A_139 = arith.andi %and3A_135, %lt3A_138 : vector<512x128xi1>
    %jit3A = arith.constant 0.000000e+00 : f32
    %jit3A_140 = arith.constant 6.300000e+01 : f32
    %max3A = vector.broadcast %jit3A : f32 to vector<512x128xf32>
    %max3A_141 = arith.maximumf %max3A, %div3A_106 : vector<512x128xf32>
    %min3A = vector.broadcast %jit3A_140 : f32 to vector<512x128xf32>
    %min3A_142 = arith.minimumf %min3A, %max3A_141 : vector<512x128xf32>
    %floor3A = math.floor %min3A_142 : vector<512x128xf32>
    %jit3A_143 = arith.constant 0.000000e+00 : f32
    %jit3A_144 = arith.constant 4.700000e+01 : f32
    %max3A_145 = vector.broadcast %jit3A_143 : f32 to vector<512x128xf32>
    %max3A_146 = arith.maximumf %max3A_145, %div3A_112 : vector<512x128xf32>
    %min3A_147 = vector.broadcast %jit3A_144 : f32 to vector<512x128xf32>
    %min3A_148 = arith.minimumf %min3A_147, %max3A_146 : vector<512x128xf32>
    %floor3A_149 = math.floor %min3A_148 : vector<512x128xf32>
    %jit3A_150 = arith.constant 0.000000e+00 : f32
    %jit3A_151 = arith.constant 1.100000e+01 : f32
    %max3A_152 = vector.broadcast %jit3A_150 : f32 to vector<512x128xf32>
    %max3A_153 = arith.maximumf %max3A_152, %div3A_118 : vector<512x128xf32>
    %min3A_154 = vector.broadcast %jit3A_151 : f32 to vector<512x128xf32>
    %min3A_155 = arith.minimumf %min3A_154, %max3A_153 : vector<512x128xf32>
    %floor3A_156 = math.floor %min3A_155 : vector<512x128xf32>
    %mul3A_157 = arith.constant 5.760000e+02 : f32
    %mul3A_158 = vector.broadcast %mul3A_157 : f32 to vector<512x128xf32>
    %mul3A_159 = arith.mulf %floor3A, %mul3A_158 : vector<512x128xf32>
    %mul3A_160 = arith.constant 1.200000e+01 : f32
    %mul3A_161 = vector.broadcast %mul3A_160 : f32 to vector<512x128xf32>
    %mul3A_162 = arith.mulf %floor3A_149, %mul3A_161 : vector<512x128xf32>
    %add3A_163 = arith.addf %mul3A_159, %mul3A_162 : vector<512x128xf32>
    %add3A_164 = arith.addf %add3A_163, %floor3A_156 : vector<512x128xf32>
    %convert_element_type3A = arith.fptosi %add3A_164 : vector<512x128xf32> to vector<512x128xi32>
    %select_n3A = arith.select %and3A_139, %convert_element_type3A, %add3A_3 : vector<512x128xi1>, vector<512x128xi32>
    %swap3A = arith.constant 0 : index
    %swap3A_165 = arith.constant 0 : index
    %swap3A_166 = arith.constant 0 : index
    %swap3A_167 = vector.load %arg4[%swap3A, %swap3A_165, %swap3A_166] : memref<8x512x128xi32, #tpu.memory_space<vmem>>, vector<1x512x128xi32>
    %swap3A_168 = vector.shape_cast %swap3A_167 : vector<1x512x128xi32> to vector<512x128xi32>
    %swap3A_169 = vector.shape_cast %select_n3A : vector<512x128xi32> to vector<1x512x128xi32>
    tpu.vector_store %arg4[%swap3A, %swap3A_165, %swap3A_166], %swap3A_169 {strides = array<i32>} : memref<8x512x128xi32, #tpu.memory_space<vmem>>, vector<1x512x128xi32>,
    %mul3A_170 = arith.constant 8 : i32
    %mul3A_171 = arith.muli %arg0, %mul3A_170 : i32
    %add3A_172 = arith.constant 1 : i32
    %add3A_173 = arith.addi %mul3A_171, %add3A_172 : i32
    %get3A_174 = arith.constant 1 : index
    %get3A_175 = arith.constant 0 : index
    %get3A_176 = arith.constant 0 : index
    %get3A_177 = arith.constant 0 : index
    %get3A_178 = vector.load %arg3[%get3A_174, %get3A_175, %get3A_176, %get3A_177] : memref<8x3x512x128xf32, #tpu.memory_space<vmem>>, vector<1x1x512x128xf32>
    %get3A_179 = vector.shape_cast %get3A_178 : vector<1x1x512x128xf32> to vector<512x128xf32>
    %get3A_180 = arith.constant 1 : index
    %get3A_181 = arith.constant 1 : index
    %get3A_182 = arith.constant 0 : index
    %get3A_183 = arith.constant 0 : index
    %get3A_184 = vector.load %arg3[%get3A_180, %get3A_181, %get3A_182, %get3A_183] : memref<8x3x512x128xf32, #tpu.memory_space<vmem>>, vector<1x1x512x128xf32>
    %get3A_185 = vector.shape_cast %get3A_184 : vector<1x1x512x128xf32> to vector<512x128xf32>
    %get3A_186 = arith.constant 1 : index
    %get3A_187 = arith.constant 2 : index
    %get3A_188 = arith.constant 0 : index
    %get3A_189 = arith.constant 0 : index
    %get3A_190 = vector.load %arg3[%get3A_186, %get3A_187, %get3A_188, %get3A_189] : memref<8x3x512x128xf32, #tpu.memory_space<vmem>>, vector<1x1x512x128xf32>
    %get3A_191 = vector.shape_cast %get3A_190 : vector<1x1x512x128xf32> to vector<512x128xf32>
    %get3A_192 = arith.index_cast %add3A_173 : i32 to index
    %get3A_193 = arith.constant 0 : index
    %get3A_194 = memref.load %arg1[%get3A_192, %get3A_193] : memref<64x3xf32, #tpu.memory_space<smem>>
    %get3A_195 = arith.index_cast %add3A_173 : i32 to index
    %get3A_196 = arith.constant 1 : index
    %get3A_197 = memref.load %arg1[%get3A_195, %get3A_196] : memref<64x3xf32, #tpu.memory_space<smem>>
    %get3A_198 = arith.index_cast %add3A_173 : i32 to index
    %get3A_199 = arith.constant 2 : index
    %get3A_200 = memref.load %arg1[%get3A_198, %get3A_199] : memref<64x3xf32, #tpu.memory_space<smem>>
    %get3A_201 = arith.index_cast %add3A_173 : i32 to index
    %get3A_202 = arith.constant 0 : index
    %get3A_203 = memref.load %arg2[%get3A_201, %get3A_202] : memref<64x4xf32, #tpu.memory_space<smem>>
    %get3A_204 = arith.index_cast %add3A_173 : i32 to index
    %get3A_205 = arith.constant 1 : index
    %get3A_206 = memref.load %arg2[%get3A_204, %get3A_205] : memref<64x4xf32, #tpu.memory_space<smem>>
    %neg3A_207 = arith.constant 0.000000e+00 : f32
    %neg3A_208 = arith.subf %neg3A_207, %get3A_206 : f32
    %get3A_209 = arith.index_cast %add3A_173 : i32 to index
    %get3A_210 = arith.constant 2 : index
    %get3A_211 = memref.load %arg2[%get3A_209, %get3A_210] : memref<64x4xf32, #tpu.memory_space<smem>>
    %neg3A_212 = arith.constant 0.000000e+00 : f32
    %neg3A_213 = arith.subf %neg3A_212, %get3A_211 : f32
    %get3A_214 = arith.index_cast %add3A_173 : i32 to index
    %get3A_215 = arith.constant 3 : index
    %get3A_216 = memref.load %arg2[%get3A_214, %get3A_215] : memref<64x4xf32, #tpu.memory_space<smem>>
    %neg3A_217 = arith.constant 0.000000e+00 : f32
    %neg3A_218 = arith.subf %neg3A_217, %get3A_216 : f32
    %sub3A_219 = vector.broadcast %get3A_194 : f32 to vector<512x128xf32>
    %sub3A_220 = arith.subf %get3A_179, %sub3A_219 : vector<512x128xf32>
    %sub3A_221 = vector.broadcast %get3A_197 : f32 to vector<512x128xf32>
    %sub3A_222 = arith.subf %get3A_185, %sub3A_221 : vector<512x128xf32>
    %sub3A_223 = vector.broadcast %get3A_200 : f32 to vector<512x128xf32>
    %sub3A_224 = arith.subf %get3A_191, %sub3A_223 : vector<512x128xf32>
    %mul3A_225 = vector.broadcast %neg3A_213 : f32 to vector<512x128xf32>
    %mul3A_226 = arith.mulf %mul3A_225, %sub3A_224 : vector<512x128xf32>
    %mul3A_227 = vector.broadcast %neg3A_218 : f32 to vector<512x128xf32>
    %mul3A_228 = arith.mulf %mul3A_227, %sub3A_222 : vector<512x128xf32>
    %sub3A_229 = arith.subf %mul3A_226, %mul3A_228 : vector<512x128xf32>
    %mul3A_230 = vector.broadcast %neg3A_218 : f32 to vector<512x128xf32>
    %mul3A_231 = arith.mulf %mul3A_230, %sub3A_220 : vector<512x128xf32>
    %mul3A_232 = vector.broadcast %neg3A_208 : f32 to vector<512x128xf32>
    %mul3A_233 = arith.mulf %mul3A_232, %sub3A_224 : vector<512x128xf32>
    %sub3A_234 = arith.subf %mul3A_231, %mul3A_233 : vector<512x128xf32>
    %mul3A_235 = vector.broadcast %neg3A_208 : f32 to vector<512x128xf32>
    %mul3A_236 = arith.mulf %mul3A_235, %sub3A_222 : vector<512x128xf32>
    %mul3A_237 = vector.broadcast %neg3A_213 : f32 to vector<512x128xf32>
    %mul3A_238 = arith.mulf %mul3A_237, %sub3A_220 : vector<512x128xf32>
    %sub3A_239 = arith.subf %mul3A_236, %mul3A_238 : vector<512x128xf32>
    %mul3A_240 = arith.constant 2.000000e+00 : f32
    %mul3A_241 = arith.mulf %mul3A_240, %get3A_203 : f32
    %mul3A_242 = vector.broadcast %mul3A_241 : f32 to vector<512x128xf32>
    %mul3A_243 = arith.mulf %mul3A_242, %sub3A_229 : vector<512x128xf32>
    %mul3A_244 = vector.broadcast %mul3A_241 : f32 to vector<512x128xf32>
    %mul3A_245 = arith.mulf %mul3A_244, %sub3A_234 : vector<512x128xf32>
    %mul3A_246 = vector.broadcast %mul3A_241 : f32 to vector<512x128xf32>
    %mul3A_247 = arith.mulf %mul3A_246, %sub3A_239 : vector<512x128xf32>
    %mul3A_248 = vector.broadcast %neg3A_213 : f32 to vector<512x128xf32>
    %mul3A_249 = arith.mulf %mul3A_248, %sub3A_239 : vector<512x128xf32>
    %mul3A_250 = vector.broadcast %neg3A_218 : f32 to vector<512x128xf32>
    %mul3A_251 = arith.mulf %mul3A_250, %sub3A_234 : vector<512x128xf32>
    %sub3A_252 = arith.subf %mul3A_249, %mul3A_251 : vector<512x128xf32>
    %mul3A_253 = vector.broadcast %neg3A_218 : f32 to vector<512x128xf32>
    %mul3A_254 = arith.mulf %mul3A_253, %sub3A_229 : vector<512x128xf32>
    %mul3A_255 = vector.broadcast %neg3A_208 : f32 to vector<512x128xf32>
    %mul3A_256 = arith.mulf %mul3A_255, %sub3A_239 : vector<512x128xf32>
    %sub3A_257 = arith.subf %mul3A_254, %mul3A_256 : vector<512x128xf32>
    %mul3A_258 = vector.broadcast %neg3A_208 : f32 to vector<512x128xf32>
    %mul3A_259 = arith.mulf %mul3A_258, %sub3A_234 : vector<512x128xf32>
    %mul3A_260 = vector.broadcast %neg3A_213 : f32 to vector<512x128xf32>
    %mul3A_261 = arith.mulf %mul3A_260, %sub3A_229 : vector<512x128xf32>
    %sub3A_262 = arith.subf %mul3A_259, %mul3A_261 : vector<512x128xf32>
    %add3A_263 = arith.addf %sub3A_220, %mul3A_243 : vector<512x128xf32>
    %add3A_264 = arith.addf %sub3A_252, %sub3A_252 : vector<512x128xf32>
    %add3A_265 = arith.addf %add3A_263, %add3A_264 : vector<512x128xf32>
    %add3A_266 = arith.addf %sub3A_222, %mul3A_245 : vector<512x128xf32>
    %add3A_267 = arith.addf %sub3A_257, %sub3A_257 : vector<512x128xf32>
    %add3A_268 = arith.addf %add3A_266, %add3A_267 : vector<512x128xf32>
    %add3A_269 = arith.addf %sub3A_224, %mul3A_247 : vector<512x128xf32>
    %add3A_270 = arith.addf %sub3A_262, %sub3A_262 : vector<512x128xf32>
    %add3A_271 = arith.addf %add3A_269, %add3A_270 : vector<512x128xf32>
    %sub3A_272 = arith.constant -3.200000e+00 : f32
    %sub3A_273 = vector.broadcast %sub3A_272 : f32 to vector<512x128xf32>
    %sub3A_274 = arith.subf %add3A_265, %sub3A_273 : vector<512x128xf32>
    %div3A_275 = arith.constant 1.000000e-01 : f32
    %div3A_276 = vector.broadcast %div3A_275 : f32 to vector<512x128xf32>
    %div3A_277 = arith.divf %sub3A_274, %div3A_276 : vector<512x128xf32>
    %sub3A_278 = arith.constant -2.400000e+00 : f32
    %sub3A_279 = vector.broadcast %sub3A_278 : f32 to vector<512x128xf32>
    %sub3A_280 = arith.subf %add3A_268, %sub3A_279 : vector<512x128xf32>
    %div3A_281 = arith.constant 1.000000e-01 : f32
    %div3A_282 = vector.broadcast %div3A_281 : f32 to vector<512x128xf32>
    %div3A_283 = arith.divf %sub3A_280, %div3A_282 : vector<512x128xf32>
    %sub3A_284 = arith.constant -6.000000e-01 : f32
    %sub3A_285 = vector.broadcast %sub3A_284 : f32 to vector<512x128xf32>
    %sub3A_286 = arith.subf %add3A_271, %sub3A_285 : vector<512x128xf32>
    %div3A_287 = arith.constant 1.000000e-01 : f32
    %div3A_288 = vector.broadcast %div3A_287 : f32 to vector<512x128xf32>
    %div3A_289 = arith.divf %sub3A_286, %div3A_288 : vector<512x128xf32>
    %gt3A_290 = arith.constant -1.000000e+00 : f32
    %gt3A_291 = vector.broadcast %gt3A_290 : f32 to vector<512x128xf32>
    %gt3A_292 = arith.cmpf ogt, %div3A_277, %gt3A_291 : vector<512x128xf32>
    %lt3A_293 = arith.constant 6.400000e+01 : f32
    %lt3A_294 = vector.broadcast %lt3A_293 : f32 to vector<512x128xf32>
    %lt3A_295 = arith.cmpf olt, %div3A_277, %lt3A_294 : vector<512x128xf32>
    %and3A_296 = arith.andi %gt3A_292, %lt3A_295 : vector<512x128xi1>
    %gt3A_297 = arith.constant -1.000000e+00 : f32
    %gt3A_298 = vector.broadcast %gt3A_297 : f32 to vector<512x128xf32>
    %gt3A_299 = arith.cmpf ogt, %div3A_283, %gt3A_298 : vector<512x128xf32>
    %and3A_300 = arith.andi %and3A_296, %gt3A_299 : vector<512x128xi1>
    %lt3A_301 = arith.constant 4.800000e+01 : f32
    %lt3A_302 = vector.broadcast %lt3A_301 : f32 to vector<512x128xf32>
    %lt3A_303 = arith.cmpf olt, %div3A_283, %lt3A_302 : vector<512x128xf32>
    %and3A_304 = arith.andi %and3A_300, %lt3A_303 : vector<512x128xi1>
    %gt3A_305 = arith.constant -1.000000e+00 : f32
    %gt3A_306 = vector.broadcast %gt3A_305 : f32 to vector<512x128xf32>
    %gt3A_307 = arith.cmpf ogt, %div3A_289, %gt3A_306 : vector<512x128xf32>
    %and3A_308 = arith.andi %and3A_304, %gt3A_307 : vector<512x128xi1>
    %lt3A_309 = arith.constant 1.200000e+01 : f32
    %lt3A_310 = vector.broadcast %lt3A_309 : f32 to vector<512x128xf32>
    %lt3A_311 = arith.cmpf olt, %div3A_289, %lt3A_310 : vector<512x128xf32>
    %and3A_312 = arith.andi %and3A_308, %lt3A_311 : vector<512x128xi1>
    %jit3A_313 = arith.constant 0.000000e+00 : f32
    %jit3A_314 = arith.constant 6.300000e+01 : f32
    %max3A_315 = vector.broadcast %jit3A_313 : f32 to vector<512x128xf32>
    %max3A_316 = arith.maximumf %max3A_315, %div3A_277 : vector<512x128xf32>
    %min3A_317 = vector.broadcast %jit3A_314 : f32 to vector<512x128xf32>
    %min3A_318 = arith.minimumf %min3A_317, %max3A_316 : vector<512x128xf32>
    %floor3A_319 = math.floor %min3A_318 : vector<512x128xf32>
    %jit3A_320 = arith.constant 0.000000e+00 : f32
    %jit3A_321 = arith.constant 4.700000e+01 : f32
    %max3A_322 = vector.broadcast %jit3A_320 : f32 to vector<512x128xf32>
    %max3A_323 = arith.maximumf %max3A_322, %div3A_283 : vector<512x128xf32>
    %min3A_324 = vector.broadcast %jit3A_321 : f32 to vector<512x128xf32>
    %min3A_325 = arith.minimumf %min3A_324, %max3A_323 : vector<512x128xf32>
    %floor3A_326 = math.floor %min3A_325 : vector<512x128xf32>
    %jit3A_327 = arith.constant 0.000000e+00 : f32
    %jit3A_328 = arith.constant 1.100000e+01 : f32
    %max3A_329 = vector.broadcast %jit3A_327 : f32 to vector<512x128xf32>
    %max3A_330 = arith.maximumf %max3A_329, %div3A_289 : vector<512x128xf32>
    %min3A_331 = vector.broadcast %jit3A_328 : f32 to vector<512x128xf32>
    %min3A_332 = arith.minimumf %min3A_331, %max3A_330 : vector<512x128xf32>
    %floor3A_333 = math.floor %min3A_332 : vector<512x128xf32>
    %mul3A_334 = arith.constant 5.760000e+02 : f32
    %mul3A_335 = vector.broadcast %mul3A_334 : f32 to vector<512x128xf32>
    %mul3A_336 = arith.mulf %floor3A_319, %mul3A_335 : vector<512x128xf32>
    %mul3A_337 = arith.constant 1.200000e+01 : f32
    %mul3A_338 = vector.broadcast %mul3A_337 : f32 to vector<512x128xf32>
    %mul3A_339 = arith.mulf %floor3A_326, %mul3A_338 : vector<512x128xf32>
    %add3A_340 = arith.addf %mul3A_336, %mul3A_339 : vector<512x128xf32>
    %add3A_341 = arith.addf %add3A_340, %floor3A_333 : vector<512x128xf32>
    %convert_element_type3A_342 = arith.fptosi %add3A_341 : vector<512x128xf32> to vector<512x128xi32>
    %select_n3A_343 = arith.select %and3A_312, %convert_element_type3A_342, %add3A_3 : vector<512x128xi1>, vector<512x128xi32>
    %swap3A_344 = arith.constant 1 : index
    %swap3A_345 = arith.constant 0 : index
    %swap3A_346 = arith.constant 0 : index
    %swap3A_347 = vector.load %arg4[%swap3A_344, %swap3A_345, %swap3A_346] : memref<8x512x128xi32, #tpu.memory_space<vmem>>, vector<1x512x128xi32>
    %swap3A_348 = vector.shape_cast %swap3A_347 : vector<1x512x128xi32> to vector<512x128xi32>
    %swap3A_349 = vector.shape_cast %select_n3A_343 : vector<512x128xi32> to vector<1x512x128xi32>
    tpu.vector_store %arg4[%swap3A_344, %swap3A_345, %swap3A_346], %swap3A_349 {strides = array<i32>} : memref<8x512x128xi32, #tpu.memory_space<vmem>>, vector<1x512x128xi32>,
    %mul3A_350 = arith.constant 8 : i32
    %mul3A_351 = arith.muli %arg0, %mul3A_350 : i32
    %add3A_352 = arith.constant 2 : i32
    %add3A_353 = arith.addi %mul3A_351, %add3A_352 : i32
    %get3A_354 = arith.constant 2 : index
    %get3A_355 = arith.constant 0 : index
    %get3A_356 = arith.constant 0 : index
    %get3A_357 = arith.constant 0 : index
    %get3A_358 = vector.load %arg3[%get3A_354, %get3A_355, %get3A_356, %get3A_357] : memref<8x3x512x128xf32, #tpu.memory_space<vmem>>, vector<1x1x512x128xf32>
    %get3A_359 = vector.shape_cast %get3A_358 : vector<1x1x512x128xf32> to vector<512x128xf32>
    %get3A_360 = arith.constant 2 : index
    %get3A_361 = arith.constant 1 : index
    %get3A_362 = arith.constant 0 : index
    %get3A_363 = arith.constant 0 : index
    %get3A_364 = vector.load %arg3[%get3A_360, %get3A_361, %get3A_362, %get3A_363] : memref<8x3x512x128xf32, #tpu.memory_space<vmem>>, vector<1x1x512x128xf32>
    %get3A_365 = vector.shape_cast %get3A_364 : vector<1x1x512x128xf32> to vector<512x128xf32>
    %get3A_366 = arith.constant 2 : index
    %get3A_367 = arith.constant 2 : index
    %get3A_368 = arith.constant 0 : index
    %get3A_369 = arith.constant 0 : index
    %get3A_370 = vector.load %arg3[%get3A_366, %get3A_367, %get3A_368, %get3A_369] : memref<8x3x512x128xf32, #tpu.memory_space<vmem>>, vector<1x1x512x128xf32>
    %get3A_371 = vector.shape_cast %get3A_370 : vector<1x1x512x128xf32> to vector<512x128xf32>
    %get3A_372 = arith.index_cast %add3A_353 : i32 to index
    %get3A_373 = arith.constant 0 : index
    %get3A_374 = memref.load %arg1[%get3A_372, %get3A_373] : memref<64x3xf32, #tpu.memory_space<smem>>
    %get3A_375 = arith.index_cast %add3A_353 : i32 to index
    %get3A_376 = arith.constant 1 : index
    %get3A_377 = memref.load %arg1[%get3A_375, %get3A_376] : memref<64x3xf32, #tpu.memory_space<smem>>
    %get3A_378 = arith.index_cast %add3A_353 : i32 to index
    %get3A_379 = arith.constant 2 : index
    %get3A_380 = memref.load %arg1[%get3A_378, %get3A_379] : memref<64x3xf32, #tpu.memory_space<smem>>
    %get3A_381 = arith.index_cast %add3A_353 : i32 to index
    %get3A_382 = arith.constant 0 : index
    %get3A_383 = memref.load %arg2[%get3A_381, %get3A_382] : memref<64x4xf32, #tpu.memory_space<smem>>
    %get3A_384 = arith.index_cast %add3A_353 : i32 to index
    %get3A_385 = arith.constant 1 : index
    %get3A_386 = memref.load %arg2[%get3A_384, %get3A_385] : memref<64x4xf32, #tpu.memory_space<smem>>
    %neg3A_387 = arith.constant 0.000000e+00 : f32
    %neg3A_388 = arith.subf %neg3A_387, %get3A_386 : f32
    %get3A_389 = arith.index_cast %add3A_353 : i32 to index
    %get3A_390 = arith.constant 2 : index
    %get3A_391 = memref.load %arg2[%get3A_389, %get3A_390] : memref<64x4xf32, #tpu.memory_space<smem>>
    %neg3A_392 = arith.constant 0.000000e+00 : f32
    %neg3A_393 = arith.subf %neg3A_392, %get3A_391 : f32
    %get3A_394 = arith.index_cast %add3A_353 : i32 to index
    %get3A_395 = arith.constant 3 : index
    %get3A_396 = memref.load %arg2[%get3A_394, %get3A_395] : memref<64x4xf32, #tpu.memory_space<smem>>
    %neg3A_397 = arith.constant 0.000000e+00 : f32
    %neg3A_398 = arith.subf %neg3A_397, %get3A_396 : f32
    %sub3A_399 = vector.broadcast %get3A_374 : f32 to vector<512x128xf32>
    %sub3A_400 = arith.subf %get3A_359, %sub3A_399 : vector<512x128xf32>
    %sub3A_401 = vector.broadcast %get3A_377 : f32 to vector<512x128xf32>
    %sub3A_402 = arith.subf %get3A_365, %sub3A_401 : vector<512x128xf32>
    %sub3A_403 = vector.broadcast %get3A_380 : f32 to vector<512x128xf32>
    %sub3A_404 = arith.subf %get3A_371, %sub3A_403 : vector<512x128xf32>
    %mul3A_405 = vector.broadcast %neg3A_393 : f32 to vector<512x128xf32>
    %mul3A_406 = arith.mulf %mul3A_405, %sub3A_404 : vector<512x128xf32>
    %mul3A_407 = vector.broadcast %neg3A_398 : f32 to vector<512x128xf32>
    %mul3A_408 = arith.mulf %mul3A_407, %sub3A_402 : vector<512x128xf32>
    %sub3A_409 = arith.subf %mul3A_406, %mul3A_408 : vector<512x128xf32>
    %mul3A_410 = vector.broadcast %neg3A_398 : f32 to vector<512x128xf32>
    %mul3A_411 = arith.mulf %mul3A_410, %sub3A_400 : vector<512x128xf32>
    %mul3A_412 = vector.broadcast %neg3A_388 : f32 to vector<512x128xf32>
    %mul3A_413 = arith.mulf %mul3A_412, %sub3A_404 : vector<512x128xf32>
    %sub3A_414 = arith.subf %mul3A_411, %mul3A_413 : vector<512x128xf32>
    %mul3A_415 = vector.broadcast %neg3A_388 : f32 to vector<512x128xf32>
    %mul3A_416 = arith.mulf %mul3A_415, %sub3A_402 : vector<512x128xf32>
    %mul3A_417 = vector.broadcast %neg3A_393 : f32 to vector<512x128xf32>
    %mul3A_418 = arith.mulf %mul3A_417, %sub3A_400 : vector<512x128xf32>
    %sub3A_419 = arith.subf %mul3A_416, %mul3A_418 : vector<512x128xf32>
    %mul3A_420 = arith.constant 2.000000e+00 : f32
    %mul3A_421 = arith.mulf %mul3A_420, %get3A_383 : f32
    %mul3A_422 = vector.broadcast %mul3A_421 : f32 to vector<512x128xf32>
    %mul3A_423 = arith.mulf %mul3A_422, %sub3A_409 : vector<512x128xf32>
    %mul3A_424 = vector.broadcast %mul3A_421 : f32 to vector<512x128xf32>
    %mul3A_425 = arith.mulf %mul3A_424, %sub3A_414 : vector<512x128xf32>
    %mul3A_426 = vector.broadcast %mul3A_421 : f32 to vector<512x128xf32>
    %mul3A_427 = arith.mulf %mul3A_426, %sub3A_419 : vector<512x128xf32>
    %mul3A_428 = vector.broadcast %neg3A_393 : f32 to vector<512x128xf32>
    %mul3A_429 = arith.mulf %mul3A_428, %sub3A_419 : vector<512x128xf32>
    %mul3A_430 = vector.broadcast %neg3A_398 : f32 to vector<512x128xf32>
    %mul3A_431 = arith.mulf %mul3A_430, %sub3A_414 : vector<512x128xf32>
    %sub3A_432 = arith.subf %mul3A_429, %mul3A_431 : vector<512x128xf32>
    %mul3A_433 = vector.broadcast %neg3A_398 : f32 to vector<512x128xf32>
    %mul3A_434 = arith.mulf %mul3A_433, %sub3A_409 : vector<512x128xf32>
    %mul3A_435 = vector.broadcast %neg3A_388 : f32 to vector<512x128xf32>
    %mul3A_436 = arith.mulf %mul3A_435, %sub3A_419 : vector<512x128xf32>
    %sub3A_437 = arith.subf %mul3A_434, %mul3A_436 : vector<512x128xf32>
    %mul3A_438 = vector.broadcast %neg3A_388 : f32 to vector<512x128xf32>
    %mul3A_439 = arith.mulf %mul3A_438, %sub3A_414 : vector<512x128xf32>
    %mul3A_440 = vector.broadcast %neg3A_393 : f32 to vector<512x128xf32>
    %mul3A_441 = arith.mulf %mul3A_440, %sub3A_409 : vector<512x128xf32>
    %sub3A_442 = arith.subf %mul3A_439, %mul3A_441 : vector<512x128xf32>
    %add3A_443 = arith.addf %sub3A_400, %mul3A_423 : vector<512x128xf32>
    %add3A_444 = arith.addf %sub3A_432, %sub3A_432 : vector<512x128xf32>
    %add3A_445 = arith.addf %add3A_443, %add3A_444 : vector<512x128xf32>
    %add3A_446 = arith.addf %sub3A_402, %mul3A_425 : vector<512x128xf32>
    %add3A_447 = arith.addf %sub3A_437, %sub3A_437 : vector<512x128xf32>
    %add3A_448 = arith.addf %add3A_446, %add3A_447 : vector<512x128xf32>
    %add3A_449 = arith.addf %sub3A_404, %mul3A_427 : vector<512x128xf32>
    %add3A_450 = arith.addf %sub3A_442, %sub3A_442 : vector<512x128xf32>
    %add3A_451 = arith.addf %add3A_449, %add3A_450 : vector<512x128xf32>
    %sub3A_452 = arith.constant -3.200000e+00 : f32
    %sub3A_453 = vector.broadcast %sub3A_452 : f32 to vector<512x128xf32>
    %sub3A_454 = arith.subf %add3A_445, %sub3A_453 : vector<512x128xf32>
    %div3A_455 = arith.constant 1.000000e-01 : f32
    %div3A_456 = vector.broadcast %div3A_455 : f32 to vector<512x128xf32>
    %div3A_457 = arith.divf %sub3A_454, %div3A_456 : vector<512x128xf32>
    %sub3A_458 = arith.constant -2.400000e+00 : f32
    %sub3A_459 = vector.broadcast %sub3A_458 : f32 to vector<512x128xf32>
    %sub3A_460 = arith.subf %add3A_448, %sub3A_459 : vector<512x128xf32>
    %div3A_461 = arith.constant 1.000000e-01 : f32
    %div3A_462 = vector.broadcast %div3A_461 : f32 to vector<512x128xf32>
    %div3A_463 = arith.divf %sub3A_460, %div3A_462 : vector<512x128xf32>
    %sub3A_464 = arith.constant -6.000000e-01 : f32
    %sub3A_465 = vector.broadcast %sub3A_464 : f32 to vector<512x128xf32>
    %sub3A_466 = arith.subf %add3A_451, %sub3A_465 : vector<512x128xf32>
    %div3A_467 = arith.constant 1.000000e-01 : f32
    %div3A_468 = vector.broadcast %div3A_467 : f32 to vector<512x128xf32>
    %div3A_469 = arith.divf %sub3A_466, %div3A_468 : vector<512x128xf32>
    %gt3A_470 = arith.constant -1.000000e+00 : f32
    %gt3A_471 = vector.broadcast %gt3A_470 : f32 to vector<512x128xf32>
    %gt3A_472 = arith.cmpf ogt, %div3A_457, %gt3A_471 : vector<512x128xf32>
    %lt3A_473 = arith.constant 6.400000e+01 : f32
    %lt3A_474 = vector.broadcast %lt3A_473 : f32 to vector<512x128xf32>
    %lt3A_475 = arith.cmpf olt, %div3A_457, %lt3A_474 : vector<512x128xf32>
    %and3A_476 = arith.andi %gt3A_472, %lt3A_475 : vector<512x128xi1>
    %gt3A_477 = arith.constant -1.000000e+00 : f32
    %gt3A_478 = vector.broadcast %gt3A_477 : f32 to vector<512x128xf32>
    %gt3A_479 = arith.cmpf ogt, %div3A_463, %gt3A_478 : vector<512x128xf32>
    %and3A_480 = arith.andi %and3A_476, %gt3A_479 : vector<512x128xi1>
    %lt3A_481 = arith.constant 4.800000e+01 : f32
    %lt3A_482 = vector.broadcast %lt3A_481 : f32 to vector<512x128xf32>
    %lt3A_483 = arith.cmpf olt, %div3A_463, %lt3A_482 : vector<512x128xf32>
    %and3A_484 = arith.andi %and3A_480, %lt3A_483 : vector<512x128xi1>
    %gt3A_485 = arith.constant -1.000000e+00 : f32
    %gt3A_486 = vector.broadcast %gt3A_485 : f32 to vector<512x128xf32>
    %gt3A_487 = arith.cmpf ogt, %div3A_469, %gt3A_486 : vector<512x128xf32>
    %and3A_488 = arith.andi %and3A_484, %gt3A_487 : vector<512x128xi1>
    %lt3A_489 = arith.constant 1.200000e+01 : f32
    %lt3A_490 = vector.broadcast %lt3A_489 : f32 to vector<512x128xf32>
    %lt3A_491 = arith.cmpf olt, %div3A_469, %lt3A_490 : vector<512x128xf32>
    %and3A_492 = arith.andi %and3A_488, %lt3A_491 : vector<512x128xi1>
    %jit3A_493 = arith.constant 0.000000e+00 : f32
    %jit3A_494 = arith.constant 6.300000e+01 : f32
    %max3A_495 = vector.broadcast %jit3A_493 : f32 to vector<512x128xf32>
    %max3A_496 = arith.maximumf %max3A_495, %div3A_457 : vector<512x128xf32>
    %min3A_497 = vector.broadcast %jit3A_494 : f32 to vector<512x128xf32>
    %min3A_498 = arith.minimumf %min3A_497, %max3A_496 : vector<512x128xf32>
    %floor3A_499 = math.floor %min3A_498 : vector<512x128xf32>
    %jit3A_500 = arith.constant 0.000000e+00 : f32
    %jit3A_501 = arith.constant 4.700000e+01 : f32
    %max3A_502 = vector.broadcast %jit3A_500 : f32 to vector<512x128xf32>
    %max3A_503 = arith.maximumf %max3A_502, %div3A_463 : vector<512x128xf32>
    %min3A_504 = vector.broadcast %jit3A_501 : f32 to vector<512x128xf32>
    %min3A_505 = arith.minimumf %min3A_504, %max3A_503 : vector<512x128xf32>
    %floor3A_506 = math.floor %min3A_505 : vector<512x128xf32>
    %jit3A_507 = arith.constant 0.000000e+00 : f32
    %jit3A_508 = arith.constant 1.100000e+01 : f32
    %max3A_509 = vector.broadcast %jit3A_507 : f32 to vector<512x128xf32>
    %max3A_510 = arith.maximumf %max3A_509, %div3A_469 : vector<512x128xf32>
    %min3A_511 = vector.broadcast %jit3A_508 : f32 to vector<512x128xf32>
    %min3A_512 = arith.minimumf %min3A_511, %max3A_510 : vector<512x128xf32>
    %floor3A_513 = math.floor %min3A_512 : vector<512x128xf32>
    %mul3A_514 = arith.constant 5.760000e+02 : f32
    %mul3A_515 = vector.broadcast %mul3A_514 : f32 to vector<512x128xf32>
    %mul3A_516 = arith.mulf %floor3A_499, %mul3A_515 : vector<512x128xf32>
    %mul3A_517 = arith.constant 1.200000e+01 : f32
    %mul3A_518 = vector.broadcast %mul3A_517 : f32 to vector<512x128xf32>
    %mul3A_519 = arith.mulf %floor3A_506, %mul3A_518 : vector<512x128xf32>
    %add3A_520 = arith.addf %mul3A_516, %mul3A_519 : vector<512x128xf32>
    %add3A_521 = arith.addf %add3A_520, %floor3A_513 : vector<512x128xf32>
    %convert_element_type3A_522 = arith.fptosi %add3A_521 : vector<512x128xf32> to vector<512x128xi32>
    %select_n3A_523 = arith.select %and3A_492, %convert_element_type3A_522, %add3A_3 : vector<512x128xi1>, vector<512x128xi32>
    %swap3A_524 = arith.constant 2 : index
    %swap3A_525 = arith.constant 0 : index
    %swap3A_526 = arith.constant 0 : index
    %swap3A_527 = vector.load %arg4[%swap3A_524, %swap3A_525, %swap3A_526] : memref<8x512x128xi32, #tpu.memory_space<vmem>>, vector<1x512x128xi32>
    %swap3A_528 = vector.shape_cast %swap3A_527 : vector<1x512x128xi32> to vector<512x128xi32>
    %swap3A_529 = vector.shape_cast %select_n3A_523 : vector<512x128xi32> to vector<1x512x128xi32>
    tpu.vector_store %arg4[%swap3A_524, %swap3A_525, %swap3A_526], %swap3A_529 {strides = array<i32>} : memref<8x512x128xi32, #tpu.memory_space<vmem>>, vector<1x512x128xi32>,
    %mul3A_530 = arith.constant 8 : i32
    %mul3A_531 = arith.muli %arg0, %mul3A_530 : i32
    %add3A_532 = arith.constant 3 : i32
    %add3A_533 = arith.addi %mul3A_531, %add3A_532 : i32
    %get3A_534 = arith.constant 3 : index
    %get3A_535 = arith.constant 0 : index
    %get3A_536 = arith.constant 0 : index
    %get3A_537 = arith.constant 0 : index
    %get3A_538 = vector.load %arg3[%get3A_534, %get3A_535, %get3A_536, %get3A_537] : memref<8x3x512x128xf32, #tpu.memory_space<vmem>>, vector<1x1x512x128xf32>
    %get3A_539 = vector.shape_cast %get3A_538 : vector<1x1x512x128xf32> to vector<512x128xf32>
    %get3A_540 = arith.constant 3 : index
    %get3A_541 = arith.constant 1 : index
    %get3A_542 = arith.constant 0 : index
    %get3A_543 = arith.constant 0 : index
    %get3A_544 = vector.load %arg3[%get3A_540, %get3A_541, %get3A_542, %get3A_543] : memref<8x3x512x128xf32, #tpu.memory_space<vmem>>, vector<1x1x512x128xf32>
    %get3A_545 = vector.shape_cast %get3A_544 : vector<1x1x512x128xf32> to vector<512x128xf32>
    %get3A_546 = arith.constant 3 : index
    %get3A_547 = arith.constant 2 : index
    %get3A_548 = arith.constant 0 : index
    %get3A_549 = arith.constant 0 : index
    %get3A_550 = vector.load %arg3[%get3A_546, %get3A_547, %get3A_548, %get3A_549] : memref<8x3x512x128xf32, #tpu.memory_space<vmem>>, vector<1x1x512x128xf32>
    %get3A_551 = vector.shape_cast %get3A_550 : vector<1x1x512x128xf32> to vector<512x128xf32>
    %get3A_552 = arith.index_cast %add3A_533 : i32 to index
    %get3A_553 = arith.constant 0 : index
    %get3A_554 = memref.load %arg1[%get3A_552, %get3A_553] : memref<64x3xf32, #tpu.memory_space<smem>>
    %get3A_555 = arith.index_cast %add3A_533 : i32 to index
    %get3A_556 = arith.constant 1 : index
    %get3A_557 = memref.load %arg1[%get3A_555, %get3A_556] : memref<64x3xf32, #tpu.memory_space<smem>>
    %get3A_558 = arith.index_cast %add3A_533 : i32 to index
    %get3A_559 = arith.constant 2 : index
    %get3A_560 = memref.load %arg1[%get3A_558, %get3A_559] : memref<64x3xf32, #tpu.memory_space<smem>>
    %get3A_561 = arith.index_cast %add3A_533 : i32 to index
    %get3A_562 = arith.constant 0 : index
    %get3A_563 = memref.load %arg2[%get3A_561, %get3A_562] : memref<64x4xf32, #tpu.memory_space<smem>>
    %get3A_564 = arith.index_cast %add3A_533 : i32 to index
    %get3A_565 = arith.constant 1 : index
    %get3A_566 = memref.load %arg2[%get3A_564, %get3A_565] : memref<64x4xf32, #tpu.memory_space<smem>>
    %neg3A_567 = arith.constant 0.000000e+00 : f32
    %neg3A_568 = arith.subf %neg3A_567, %get3A_566 : f32
    %get3A_569 = arith.index_cast %add3A_533 : i32 to index
    %get3A_570 = arith.constant 2 : index
    %get3A_571 = memref.load %arg2[%get3A_569, %get3A_570] : memref<64x4xf32, #tpu.memory_space<smem>>
    %neg3A_572 = arith.constant 0.000000e+00 : f32
    %neg3A_573 = arith.subf %neg3A_572, %get3A_571 : f32
    %get3A_574 = arith.index_cast %add3A_533 : i32 to index
    %get3A_575 = arith.constant 3 : index
    %get3A_576 = memref.load %arg2[%get3A_574, %get3A_575] : memref<64x4xf32, #tpu.memory_space<smem>>
    %neg3A_577 = arith.constant 0.000000e+00 : f32
    %neg3A_578 = arith.subf %neg3A_577, %get3A_576 : f32
    %sub3A_579 = vector.broadcast %get3A_554 : f32 to vector<512x128xf32>
    %sub3A_580 = arith.subf %get3A_539, %sub3A_579 : vector<512x128xf32>
    %sub3A_581 = vector.broadcast %get3A_557 : f32 to vector<512x128xf32>
    %sub3A_582 = arith.subf %get3A_545, %sub3A_581 : vector<512x128xf32>
    %sub3A_583 = vector.broadcast %get3A_560 : f32 to vector<512x128xf32>
    %sub3A_584 = arith.subf %get3A_551, %sub3A_583 : vector<512x128xf32>
    %mul3A_585 = vector.broadcast %neg3A_573 : f32 to vector<512x128xf32>
    %mul3A_586 = arith.mulf %mul3A_585, %sub3A_584 : vector<512x128xf32>
    %mul3A_587 = vector.broadcast %neg3A_578 : f32 to vector<512x128xf32>
    %mul3A_588 = arith.mulf %mul3A_587, %sub3A_582 : vector<512x128xf32>
    %sub3A_589 = arith.subf %mul3A_586, %mul3A_588 : vector<512x128xf32>
    %mul3A_590 = vector.broadcast %neg3A_578 : f32 to vector<512x128xf32>
    %mul3A_591 = arith.mulf %mul3A_590, %sub3A_580 : vector<512x128xf32>
    %mul3A_592 = vector.broadcast %neg3A_568 : f32 to vector<512x128xf32>
    %mul3A_593 = arith.mulf %mul3A_592, %sub3A_584 : vector<512x128xf32>
    %sub3A_594 = arith.subf %mul3A_591, %mul3A_593 : vector<512x128xf32>
    %mul3A_595 = vector.broadcast %neg3A_568 : f32 to vector<512x128xf32>
    %mul3A_596 = arith.mulf %mul3A_595, %sub3A_582 : vector<512x128xf32>
    %mul3A_597 = vector.broadcast %neg3A_573 : f32 to vector<512x128xf32>
    %mul3A_598 = arith.mulf %mul3A_597, %sub3A_580 : vector<512x128xf32>
    %sub3A_599 = arith.subf %mul3A_596, %mul3A_598 : vector<512x128xf32>
    %mul3A_600 = arith.constant 2.000000e+00 : f32
    %mul3A_601 = arith.mulf %mul3A_600, %get3A_563 : f32
    %mul3A_602 = vector.broadcast %mul3A_601 : f32 to vector<512x128xf32>
    %mul3A_603 = arith.mulf %mul3A_602, %sub3A_589 : vector<512x128xf32>
    %mul3A_604 = vector.broadcast %mul3A_601 : f32 to vector<512x128xf32>
    %mul3A_605 = arith.mulf %mul3A_604, %sub3A_594 : vector<512x128xf32>
    %mul3A_606 = vector.broadcast %mul3A_601 : f32 to vector<512x128xf32>
    %mul3A_607 = arith.mulf %mul3A_606, %sub3A_599 : vector<512x128xf32>
    %mul3A_608 = vector.broadcast %neg3A_573 : f32 to vector<512x128xf32>
    %mul3A_609 = arith.mulf %mul3A_608, %sub3A_599 : vector<512x128xf32>
    %mul3A_610 = vector.broadcast %neg3A_578 : f32 to vector<512x128xf32>
    %mul3A_611 = arith.mulf %mul3A_610, %sub3A_594 : vector<512x128xf32>
    %sub3A_612 = arith.subf %mul3A_609, %mul3A_611 : vector<512x128xf32>
    %mul3A_613 = vector.broadcast %neg3A_578 : f32 to vector<512x128xf32>
    %mul3A_614 = arith.mulf %mul3A_613, %sub3A_589 : vector<512x128xf32>
    %mul3A_615 = vector.broadcast %neg3A_568 : f32 to vector<512x128xf32>
    %mul3A_616 = arith.mulf %mul3A_615, %sub3A_599 : vector<512x128xf32>
    %sub3A_617 = arith.subf %mul3A_614, %mul3A_616 : vector<512x128xf32>
    %mul3A_618 = vector.broadcast %neg3A_568 : f32 to vector<512x128xf32>
    %mul3A_619 = arith.mulf %mul3A_618, %sub3A_594 : vector<512x128xf32>
    %mul3A_620 = vector.broadcast %neg3A_573 : f32 to vector<512x128xf32>
    %mul3A_621 = arith.mulf %mul3A_620, %sub3A_589 : vector<512x128xf32>
    %sub3A_622 = arith.subf %mul3A_619, %mul3A_621 : vector<512x128xf32>
    %add3A_623 = arith.addf %sub3A_580, %mul3A_603 : vector<512x128xf32>
    %add3A_624 = arith.addf %sub3A_612, %sub3A_612 : vector<512x128xf32>
    %add3A_625 = arith.addf %add3A_623, %add3A_624 : vector<512x128xf32>
    %add3A_626 = arith.addf %sub3A_582, %mul3A_605 : vector<512x128xf32>
    %add3A_627 = arith.addf %sub3A_617, %sub3A_617 : vector<512x128xf32>
    %add3A_628 = arith.addf %add3A_626, %add3A_627 : vector<512x128xf32>
    %add3A_629 = arith.addf %sub3A_584, %mul3A_607 : vector<512x128xf32>
    %add3A_630 = arith.addf %sub3A_622, %sub3A_622 : vector<512x128xf32>
    %add3A_631 = arith.addf %add3A_629, %add3A_630 : vector<512x128xf32>
    %sub3A_632 = arith.constant -3.200000e+00 : f32
    %sub3A_633 = vector.broadcast %sub3A_632 : f32 to vector<512x128xf32>
    %sub3A_634 = arith.subf %add3A_625, %sub3A_633 : vector<512x128xf32>
    %div3A_635 = arith.constant 1.000000e-01 : f32
    %div3A_636 = vector.broadcast %div3A_635 : f32 to vector<512x128xf32>
    %div3A_637 = arith.divf %sub3A_634, %div3A_636 : vector<512x128xf32>
    %sub3A_638 = arith.constant -2.400000e+00 : f32
    %sub3A_639 = vector.broadcast %sub3A_638 : f32 to vector<512x128xf32>
    %sub3A_640 = arith.subf %add3A_628, %sub3A_639 : vector<512x128xf32>
    %div3A_641 = arith.constant 1.000000e-01 : f32
    %div3A_642 = vector.broadcast %div3A_641 : f32 to vector<512x128xf32>
    %div3A_643 = arith.divf %sub3A_640, %div3A_642 : vector<512x128xf32>
    %sub3A_644 = arith.constant -6.000000e-01 : f32
    %sub3A_645 = vector.broadcast %sub3A_644 : f32 to vector<512x128xf32>
    %sub3A_646 = arith.subf %add3A_631, %sub3A_645 : vector<512x128xf32>
    %div3A_647 = arith.constant 1.000000e-01 : f32
    %div3A_648 = vector.broadcast %div3A_647 : f32 to vector<512x128xf32>
    %div3A_649 = arith.divf %sub3A_646, %div3A_648 : vector<512x128xf32>
    %gt3A_650 = arith.constant -1.000000e+00 : f32
    %gt3A_651 = vector.broadcast %gt3A_650 : f32 to vector<512x128xf32>
    %gt3A_652 = arith.cmpf ogt, %div3A_637, %gt3A_651 : vector<512x128xf32>
    %lt3A_653 = arith.constant 6.400000e+01 : f32
    %lt3A_654 = vector.broadcast %lt3A_653 : f32 to vector<512x128xf32>
    %lt3A_655 = arith.cmpf olt, %div3A_637, %lt3A_654 : vector<512x128xf32>
    %and3A_656 = arith.andi %gt3A_652, %lt3A_655 : vector<512x128xi1>
    %gt3A_657 = arith.constant -1.000000e+00 : f32
    %gt3A_658 = vector.broadcast %gt3A_657 : f32 to vector<512x128xf32>
    %gt3A_659 = arith.cmpf ogt, %div3A_643, %gt3A_658 : vector<512x128xf32>
    %and3A_660 = arith.andi %and3A_656, %gt3A_659 : vector<512x128xi1>
    %lt3A_661 = arith.constant 4.800000e+01 : f32
    %lt3A_662 = vector.broadcast %lt3A_661 : f32 to vector<512x128xf32>
    %lt3A_663 = arith.cmpf olt, %div3A_643, %lt3A_662 : vector<512x128xf32>
    %and3A_664 = arith.andi %and3A_660, %lt3A_663 : vector<512x128xi1>
    %gt3A_665 = arith.constant -1.000000e+00 : f32
    %gt3A_666 = vector.broadcast %gt3A_665 : f32 to vector<512x128xf32>
    %gt3A_667 = arith.cmpf ogt, %div3A_649, %gt3A_666 : vector<512x128xf32>
    %and3A_668 = arith.andi %and3A_664, %gt3A_667 : vector<512x128xi1>
    %lt3A_669 = arith.constant 1.200000e+01 : f32
    %lt3A_670 = vector.broadcast %lt3A_669 : f32 to vector<512x128xf32>
    %lt3A_671 = arith.cmpf olt, %div3A_649, %lt3A_670 : vector<512x128xf32>
    %and3A_672 = arith.andi %and3A_668, %lt3A_671 : vector<512x128xi1>
    %jit3A_673 = arith.constant 0.000000e+00 : f32
    %jit3A_674 = arith.constant 6.300000e+01 : f32
    %max3A_675 = vector.broadcast %jit3A_673 : f32 to vector<512x128xf32>
    %max3A_676 = arith.maximumf %max3A_675, %div3A_637 : vector<512x128xf32>
    %min3A_677 = vector.broadcast %jit3A_674 : f32 to vector<512x128xf32>
    %min3A_678 = arith.minimumf %min3A_677, %max3A_676 : vector<512x128xf32>
    %floor3A_679 = math.floor %min3A_678 : vector<512x128xf32>
    %jit3A_680 = arith.constant 0.000000e+00 : f32
    %jit3A_681 = arith.constant 4.700000e+01 : f32
    %max3A_682 = vector.broadcast %jit3A_680 : f32 to vector<512x128xf32>
    %max3A_683 = arith.maximumf %max3A_682, %div3A_643 : vector<512x128xf32>
    %min3A_684 = vector.broadcast %jit3A_681 : f32 to vector<512x128xf32>
    %min3A_685 = arith.minimumf %min3A_684, %max3A_683 : vector<512x128xf32>
    %floor3A_686 = math.floor %min3A_685 : vector<512x128xf32>
    %jit3A_687 = arith.constant 0.000000e+00 : f32
    %jit3A_688 = arith.constant 1.100000e+01 : f32
    %max3A_689 = vector.broadcast %jit3A_687 : f32 to vector<512x128xf32>
    %max3A_690 = arith.maximumf %max3A_689, %div3A_649 : vector<512x128xf32>
    %min3A_691 = vector.broadcast %jit3A_688 : f32 to vector<512x128xf32>
    %min3A_692 = arith.minimumf %min3A_691, %max3A_690 : vector<512x128xf32>
    %floor3A_693 = math.floor %min3A_692 : vector<512x128xf32>
    %mul3A_694 = arith.constant 5.760000e+02 : f32
    %mul3A_695 = vector.broadcast %mul3A_694 : f32 to vector<512x128xf32>
    %mul3A_696 = arith.mulf %floor3A_679, %mul3A_695 : vector<512x128xf32>
    %mul3A_697 = arith.constant 1.200000e+01 : f32
    %mul3A_698 = vector.broadcast %mul3A_697 : f32 to vector<512x128xf32>
    %mul3A_699 = arith.mulf %floor3A_686, %mul3A_698 : vector<512x128xf32>
    %add3A_700 = arith.addf %mul3A_696, %mul3A_699 : vector<512x128xf32>
    %add3A_701 = arith.addf %add3A_700, %floor3A_693 : vector<512x128xf32>
    %convert_element_type3A_702 = arith.fptosi %add3A_701 : vector<512x128xf32> to vector<512x128xi32>
    %select_n3A_703 = arith.select %and3A_672, %convert_element_type3A_702, %add3A_3 : vector<512x128xi1>, vector<512x128xi32>
    %swap3A_704 = arith.constant 3 : index
    %swap3A_705 = arith.constant 0 : index
    %swap3A_706 = arith.constant 0 : index
    %swap3A_707 = vector.load %arg4[%swap3A_704, %swap3A_705, %swap3A_706] : memref<8x512x128xi32, #tpu.memory_space<vmem>>, vector<1x512x128xi32>
    %swap3A_708 = vector.shape_cast %swap3A_707 : vector<1x512x128xi32> to vector<512x128xi32>
    %swap3A_709 = vector.shape_cast %select_n3A_703 : vector<512x128xi32> to vector<1x512x128xi32>
    tpu.vector_store %arg4[%swap3A_704, %swap3A_705, %swap3A_706], %swap3A_709 {strides = array<i32>} : memref<8x512x128xi32, #tpu.memory_space<vmem>>, vector<1x512x128xi32>,
    %mul3A_710 = arith.constant 8 : i32
    %mul3A_711 = arith.muli %arg0, %mul3A_710 : i32
    %add3A_712 = arith.constant 4 : i32
    %add3A_713 = arith.addi %mul3A_711, %add3A_712 : i32
    %get3A_714 = arith.constant 4 : index
    %get3A_715 = arith.constant 0 : index
    %get3A_716 = arith.constant 0 : index
    %get3A_717 = arith.constant 0 : index
    %get3A_718 = vector.load %arg3[%get3A_714, %get3A_715, %get3A_716, %get3A_717] : memref<8x3x512x128xf32, #tpu.memory_space<vmem>>, vector<1x1x512x128xf32>
    %get3A_719 = vector.shape_cast %get3A_718 : vector<1x1x512x128xf32> to vector<512x128xf32>
    %get3A_720 = arith.constant 4 : index
    %get3A_721 = arith.constant 1 : index
    %get3A_722 = arith.constant 0 : index
    %get3A_723 = arith.constant 0 : index
    %get3A_724 = vector.load %arg3[%get3A_720, %get3A_721, %get3A_722, %get3A_723] : memref<8x3x512x128xf32, #tpu.memory_space<vmem>>, vector<1x1x512x128xf32>
    %get3A_725 = vector.shape_cast %get3A_724 : vector<1x1x512x128xf32> to vector<512x128xf32>
    %get3A_726 = arith.constant 4 : index
    %get3A_727 = arith.constant 2 : index
    %get3A_728 = arith.constant 0 : index
    %get3A_729 = arith.constant 0 : index
    %get3A_730 = vector.load %arg3[%get3A_726, %get3A_727, %get3A_728, %get3A_729] : memref<8x3x512x128xf32, #tpu.memory_space<vmem>>, vector<1x1x512x128xf32>
    %get3A_731 = vector.shape_cast %get3A_730 : vector<1x1x512x128xf32> to vector<512x128xf32>
    %get3A_732 = arith.index_cast %add3A_713 : i32 to index
    %get3A_733 = arith.constant 0 : index
    %get3A_734 = memref.load %arg1[%get3A_732, %get3A_733] : memref<64x3xf32, #tpu.memory_space<smem>>
    %get3A_735 = arith.index_cast %add3A_713 : i32 to index
    %get3A_736 = arith.constant 1 : index
    %get3A_737 = memref.load %arg1[%get3A_735, %get3A_736] : memref<64x3xf32, #tpu.memory_space<smem>>
    %get3A_738 = arith.index_cast %add3A_713 : i32 to index
    %get3A_739 = arith.constant 2 : index
    %get3A_740 = memref.load %arg1[%get3A_738, %get3A_739] : memref<64x3xf32, #tpu.memory_space<smem>>
    %get3A_741 = arith.index_cast %add3A_713 : i32 to index
    %get3A_742 = arith.constant 0 : index
    %get3A_743 = memref.load %arg2[%get3A_741, %get3A_742] : memref<64x4xf32, #tpu.memory_space<smem>>
    %get3A_744 = arith.index_cast %add3A_713 : i32 to index
    %get3A_745 = arith.constant 1 : index
    %get3A_746 = memref.load %arg2[%get3A_744, %get3A_745] : memref<64x4xf32, #tpu.memory_space<smem>>
    %neg3A_747 = arith.constant 0.000000e+00 : f32
    %neg3A_748 = arith.subf %neg3A_747, %get3A_746 : f32
    %get3A_749 = arith.index_cast %add3A_713 : i32 to index
    %get3A_750 = arith.constant 2 : index
    %get3A_751 = memref.load %arg2[%get3A_749, %get3A_750] : memref<64x4xf32, #tpu.memory_space<smem>>
    %neg3A_752 = arith.constant 0.000000e+00 : f32
    %neg3A_753 = arith.subf %neg3A_752, %get3A_751 : f32
    %get3A_754 = arith.index_cast %add3A_713 : i32 to index
    %get3A_755 = arith.constant 3 : index
    %get3A_756 = memref.load %arg2[%get3A_754, %get3A_755] : memref<64x4xf32, #tpu.memory_space<smem>>
    %neg3A_757 = arith.constant 0.000000e+00 : f32
    %neg3A_758 = arith.subf %neg3A_757, %get3A_756 : f32
    %sub3A_759 = vector.broadcast %get3A_734 : f32 to vector<512x128xf32>
    %sub3A_760 = arith.subf %get3A_719, %sub3A_759 : vector<512x128xf32>
    %sub3A_761 = vector.broadcast %get3A_737 : f32 to vector<512x128xf32>
    %sub3A_762 = arith.subf %get3A_725, %sub3A_761 : vector<512x128xf32>
    %sub3A_763 = vector.broadcast %get3A_740 : f32 to vector<512x128xf32>
    %sub3A_764 = arith.subf %get3A_731, %sub3A_763 : vector<512x128xf32>
    %mul3A_765 = vector.broadcast %neg3A_753 : f32 to vector<512x128xf32>
    %mul3A_766 = arith.mulf %mul3A_765, %sub3A_764 : vector<512x128xf32>
    %mul3A_767 = vector.broadcast %neg3A_758 : f32 to vector<512x128xf32>
    %mul3A_768 = arith.mulf %mul3A_767, %sub3A_762 : vector<512x128xf32>
    %sub3A_769 = arith.subf %mul3A_766, %mul3A_768 : vector<512x128xf32>
    %mul3A_770 = vector.broadcast %neg3A_758 : f32 to vector<512x128xf32>
    %mul3A_771 = arith.mulf %mul3A_770, %sub3A_760 : vector<512x128xf32>
    %mul3A_772 = vector.broadcast %neg3A_748 : f32 to vector<512x128xf32>
    %mul3A_773 = arith.mulf %mul3A_772, %sub3A_764 : vector<512x128xf32>
    %sub3A_774 = arith.subf %mul3A_771, %mul3A_773 : vector<512x128xf32>
    %mul3A_775 = vector.broadcast %neg3A_748 : f32 to vector<512x128xf32>
    %mul3A_776 = arith.mulf %mul3A_775, %sub3A_762 : vector<512x128xf32>
    %mul3A_777 = vector.broadcast %neg3A_753 : f32 to vector<512x128xf32>
    %mul3A_778 = arith.mulf %mul3A_777, %sub3A_760 : vector<512x128xf32>
    %sub3A_779 = arith.subf %mul3A_776, %mul3A_778 : vector<512x128xf32>
    %mul3A_780 = arith.constant 2.000000e+00 : f32
    %mul3A_781 = arith.mulf %mul3A_780, %get3A_743 : f32
    %mul3A_782 = vector.broadcast %mul3A_781 : f32 to vector<512x128xf32>
    %mul3A_783 = arith.mulf %mul3A_782, %sub3A_769 : vector<512x128xf32>
    %mul3A_784 = vector.broadcast %mul3A_781 : f32 to vector<512x128xf32>
    %mul3A_785 = arith.mulf %mul3A_784, %sub3A_774 : vector<512x128xf32>
    %mul3A_786 = vector.broadcast %mul3A_781 : f32 to vector<512x128xf32>
    %mul3A_787 = arith.mulf %mul3A_786, %sub3A_779 : vector<512x128xf32>
    %mul3A_788 = vector.broadcast %neg3A_753 : f32 to vector<512x128xf32>
    %mul3A_789 = arith.mulf %mul3A_788, %sub3A_779 : vector<512x128xf32>
    %mul3A_790 = vector.broadcast %neg3A_758 : f32 to vector<512x128xf32>
    %mul3A_791 = arith.mulf %mul3A_790, %sub3A_774 : vector<512x128xf32>
    %sub3A_792 = arith.subf %mul3A_789, %mul3A_791 : vector<512x128xf32>
    %mul3A_793 = vector.broadcast %neg3A_758 : f32 to vector<512x128xf32>
    %mul3A_794 = arith.mulf %mul3A_793, %sub3A_769 : vector<512x128xf32>
    %mul3A_795 = vector.broadcast %neg3A_748 : f32 to vector<512x128xf32>
    %mul3A_796 = arith.mulf %mul3A_795, %sub3A_779 : vector<512x128xf32>
    %sub3A_797 = arith.subf %mul3A_794, %mul3A_796 : vector<512x128xf32>
    %mul3A_798 = vector.broadcast %neg3A_748 : f32 to vector<512x128xf32>
    %mul3A_799 = arith.mulf %mul3A_798, %sub3A_774 : vector<512x128xf32>
    %mul3A_800 = vector.broadcast %neg3A_753 : f32 to vector<512x128xf32>
    %mul3A_801 = arith.mulf %mul3A_800, %sub3A_769 : vector<512x128xf32>
    %sub3A_802 = arith.subf %mul3A_799, %mul3A_801 : vector<512x128xf32>
    %add3A_803 = arith.addf %sub3A_760, %mul3A_783 : vector<512x128xf32>
    %add3A_804 = arith.addf %sub3A_792, %sub3A_792 : vector<512x128xf32>
    %add3A_805 = arith.addf %add3A_803, %add3A_804 : vector<512x128xf32>
    %add3A_806 = arith.addf %sub3A_762, %mul3A_785 : vector<512x128xf32>
    %add3A_807 = arith.addf %sub3A_797, %sub3A_797 : vector<512x128xf32>
    %add3A_808 = arith.addf %add3A_806, %add3A_807 : vector<512x128xf32>
    %add3A_809 = arith.addf %sub3A_764, %mul3A_787 : vector<512x128xf32>
    %add3A_810 = arith.addf %sub3A_802, %sub3A_802 : vector<512x128xf32>
    %add3A_811 = arith.addf %add3A_809, %add3A_810 : vector<512x128xf32>
    %sub3A_812 = arith.constant -3.200000e+00 : f32
    %sub3A_813 = vector.broadcast %sub3A_812 : f32 to vector<512x128xf32>
    %sub3A_814 = arith.subf %add3A_805, %sub3A_813 : vector<512x128xf32>
    %div3A_815 = arith.constant 1.000000e-01 : f32
    %div3A_816 = vector.broadcast %div3A_815 : f32 to vector<512x128xf32>
    %div3A_817 = arith.divf %sub3A_814, %div3A_816 : vector<512x128xf32>
    %sub3A_818 = arith.constant -2.400000e+00 : f32
    %sub3A_819 = vector.broadcast %sub3A_818 : f32 to vector<512x128xf32>
    %sub3A_820 = arith.subf %add3A_808, %sub3A_819 : vector<512x128xf32>
    %div3A_821 = arith.constant 1.000000e-01 : f32
    %div3A_822 = vector.broadcast %div3A_821 : f32 to vector<512x128xf32>
    %div3A_823 = arith.divf %sub3A_820, %div3A_822 : vector<512x128xf32>
    %sub3A_824 = arith.constant -6.000000e-01 : f32
    %sub3A_825 = vector.broadcast %sub3A_824 : f32 to vector<512x128xf32>
    %sub3A_826 = arith.subf %add3A_811, %sub3A_825 : vector<512x128xf32>
    %div3A_827 = arith.constant 1.000000e-01 : f32
    %div3A_828 = vector.broadcast %div3A_827 : f32 to vector<512x128xf32>
    %div3A_829 = arith.divf %sub3A_826, %div3A_828 : vector<512x128xf32>
    %gt3A_830 = arith.constant -1.000000e+00 : f32
    %gt3A_831 = vector.broadcast %gt3A_830 : f32 to vector<512x128xf32>
    %gt3A_832 = arith.cmpf ogt, %div3A_817, %gt3A_831 : vector<512x128xf32>
    %lt3A_833 = arith.constant 6.400000e+01 : f32
    %lt3A_834 = vector.broadcast %lt3A_833 : f32 to vector<512x128xf32>
    %lt3A_835 = arith.cmpf olt, %div3A_817, %lt3A_834 : vector<512x128xf32>
    %and3A_836 = arith.andi %gt3A_832, %lt3A_835 : vector<512x128xi1>
    %gt3A_837 = arith.constant -1.000000e+00 : f32
    %gt3A_838 = vector.broadcast %gt3A_837 : f32 to vector<512x128xf32>
    %gt3A_839 = arith.cmpf ogt, %div3A_823, %gt3A_838 : vector<512x128xf32>
    %and3A_840 = arith.andi %and3A_836, %gt3A_839 : vector<512x128xi1>
    %lt3A_841 = arith.constant 4.800000e+01 : f32
    %lt3A_842 = vector.broadcast %lt3A_841 : f32 to vector<512x128xf32>
    %lt3A_843 = arith.cmpf olt, %div3A_823, %lt3A_842 : vector<512x128xf32>
    %and3A_844 = arith.andi %and3A_840, %lt3A_843 : vector<512x128xi1>
    %gt3A_845 = arith.constant -1.000000e+00 : f32
    %gt3A_846 = vector.broadcast %gt3A_845 : f32 to vector<512x128xf32>
    %gt3A_847 = arith.cmpf ogt, %div3A_829, %gt3A_846 : vector<512x128xf32>
    %and3A_848 = arith.andi %and3A_844, %gt3A_847 : vector<512x128xi1>
    %lt3A_849 = arith.constant 1.200000e+01 : f32
    %lt3A_850 = vector.broadcast %lt3A_849 : f32 to vector<512x128xf32>
    %lt3A_851 = arith.cmpf olt, %div3A_829, %lt3A_850 : vector<512x128xf32>
    %and3A_852 = arith.andi %and3A_848, %lt3A_851 : vector<512x128xi1>
    %jit3A_853 = arith.constant 0.000000e+00 : f32
    %jit3A_854 = arith.constant 6.300000e+01 : f32
    %max3A_855 = vector.broadcast %jit3A_853 : f32 to vector<512x128xf32>
    %max3A_856 = arith.maximumf %max3A_855, %div3A_817 : vector<512x128xf32>
    %min3A_857 = vector.broadcast %jit3A_854 : f32 to vector<512x128xf32>
    %min3A_858 = arith.minimumf %min3A_857, %max3A_856 : vector<512x128xf32>
    %floor3A_859 = math.floor %min3A_858 : vector<512x128xf32>
    %jit3A_860 = arith.constant 0.000000e+00 : f32
    %jit3A_861 = arith.constant 4.700000e+01 : f32
    %max3A_862 = vector.broadcast %jit3A_860 : f32 to vector<512x128xf32>
    %max3A_863 = arith.maximumf %max3A_862, %div3A_823 : vector<512x128xf32>
    %min3A_864 = vector.broadcast %jit3A_861 : f32 to vector<512x128xf32>
    %min3A_865 = arith.minimumf %min3A_864, %max3A_863 : vector<512x128xf32>
    %floor3A_866 = math.floor %min3A_865 : vector<512x128xf32>
    %jit3A_867 = arith.constant 0.000000e+00 : f32
    %jit3A_868 = arith.constant 1.100000e+01 : f32
    %max3A_869 = vector.broadcast %jit3A_867 : f32 to vector<512x128xf32>
    %max3A_870 = arith.maximumf %max3A_869, %div3A_829 : vector<512x128xf32>
    %min3A_871 = vector.broadcast %jit3A_868 : f32 to vector<512x128xf32>
    %min3A_872 = arith.minimumf %min3A_871, %max3A_870 : vector<512x128xf32>
    %floor3A_873 = math.floor %min3A_872 : vector<512x128xf32>
    %mul3A_874 = arith.constant 5.760000e+02 : f32
    %mul3A_875 = vector.broadcast %mul3A_874 : f32 to vector<512x128xf32>
    %mul3A_876 = arith.mulf %floor3A_859, %mul3A_875 : vector<512x128xf32>
    %mul3A_877 = arith.constant 1.200000e+01 : f32
    %mul3A_878 = vector.broadcast %mul3A_877 : f32 to vector<512x128xf32>
    %mul3A_879 = arith.mulf %floor3A_866, %mul3A_878 : vector<512x128xf32>
    %add3A_880 = arith.addf %mul3A_876, %mul3A_879 : vector<512x128xf32>
    %add3A_881 = arith.addf %add3A_880, %floor3A_873 : vector<512x128xf32>
    %convert_element_type3A_882 = arith.fptosi %add3A_881 : vector<512x128xf32> to vector<512x128xi32>
    %select_n3A_883 = arith.select %and3A_852, %convert_element_type3A_882, %add3A_3 : vector<512x128xi1>, vector<512x128xi32>
    %swap3A_884 = arith.constant 4 : index
    %swap3A_885 = arith.constant 0 : index
    %swap3A_886 = arith.constant 0 : index
    %swap3A_887 = vector.load %arg4[%swap3A_884, %swap3A_885, %swap3A_886] : memref<8x512x128xi32, #tpu.memory_space<vmem>>, vector<1x512x128xi32>
    %swap3A_888 = vector.shape_cast %swap3A_887 : vector<1x512x128xi32> to vector<512x128xi32>
    %swap3A_889 = vector.shape_cast %select_n3A_883 : vector<512x128xi32> to vector<1x512x128xi32>
    tpu.vector_store %arg4[%swap3A_884, %swap3A_885, %swap3A_886], %swap3A_889 {strides = array<i32>} : memref<8x512x128xi32, #tpu.memory_space<vmem>>, vector<1x512x128xi32>,
    %mul3A_890 = arith.constant 8 : i32
    %mul3A_891 = arith.muli %arg0, %mul3A_890 : i32
    %add3A_892 = arith.constant 5 : i32
    %add3A_893 = arith.addi %mul3A_891, %add3A_892 : i32
    %get3A_894 = arith.constant 5 : index
    %get3A_895 = arith.constant 0 : index
    %get3A_896 = arith.constant 0 : index
    %get3A_897 = arith.constant 0 : index
    %get3A_898 = vector.load %arg3[%get3A_894, %get3A_895, %get3A_896, %get3A_897] : memref<8x3x512x128xf32, #tpu.memory_space<vmem>>, vector<1x1x512x128xf32>
    %get3A_899 = vector.shape_cast %get3A_898 : vector<1x1x512x128xf32> to vector<512x128xf32>
    %get3A_900 = arith.constant 5 : index
    %get3A_901 = arith.constant 1 : index
    %get3A_902 = arith.constant 0 : index
    %get3A_903 = arith.constant 0 : index
    %get3A_904 = vector.load %arg3[%get3A_900, %get3A_901, %get3A_902, %get3A_903] : memref<8x3x512x128xf32, #tpu.memory_space<vmem>>, vector<1x1x512x128xf32>
    %get3A_905 = vector.shape_cast %get3A_904 : vector<1x1x512x128xf32> to vector<512x128xf32>
    %get3A_906 = arith.constant 5 : index
    %get3A_907 = arith.constant 2 : index
    %get3A_908 = arith.constant 0 : index
    %get3A_909 = arith.constant 0 : index
    %get3A_910 = vector.load %arg3[%get3A_906, %get3A_907, %get3A_908, %get3A_909] : memref<8x3x512x128xf32, #tpu.memory_space<vmem>>, vector<1x1x512x128xf32>
    %get3A_911 = vector.shape_cast %get3A_910 : vector<1x1x512x128xf32> to vector<512x128xf32>
    %get3A_912 = arith.index_cast %add3A_893 : i32 to index
    %get3A_913 = arith.constant 0 : index
    %get3A_914 = memref.load %arg1[%get3A_912, %get3A_913] : memref<64x3xf32, #tpu.memory_space<smem>>
    %get3A_915 = arith.index_cast %add3A_893 : i32 to index
    %get3A_916 = arith.constant 1 : index
    %get3A_917 = memref.load %arg1[%get3A_915, %get3A_916] : memref<64x3xf32, #tpu.memory_space<smem>>
    %get3A_918 = arith.index_cast %add3A_893 : i32 to index
    %get3A_919 = arith.constant 2 : index
    %get3A_920 = memref.load %arg1[%get3A_918, %get3A_919] : memref<64x3xf32, #tpu.memory_space<smem>>
    %get3A_921 = arith.index_cast %add3A_893 : i32 to index
    %get3A_922 = arith.constant 0 : index
    %get3A_923 = memref.load %arg2[%get3A_921, %get3A_922] : memref<64x4xf32, #tpu.memory_space<smem>>
    %get3A_924 = arith.index_cast %add3A_893 : i32 to index
    %get3A_925 = arith.constant 1 : index
    %get3A_926 = memref.load %arg2[%get3A_924, %get3A_925] : memref<64x4xf32, #tpu.memory_space<smem>>
    %neg3A_927 = arith.constant 0.000000e+00 : f32
    %neg3A_928 = arith.subf %neg3A_927, %get3A_926 : f32
    %get3A_929 = arith.index_cast %add3A_893 : i32 to index
    %get3A_930 = arith.constant 2 : index
    %get3A_931 = memref.load %arg2[%get3A_929, %get3A_930] : memref<64x4xf32, #tpu.memory_space<smem>>
    %neg3A_932 = arith.constant 0.000000e+00 : f32
    %neg3A_933 = arith.subf %neg3A_932, %get3A_931 : f32
    %get3A_934 = arith.index_cast %add3A_893 : i32 to index
    %get3A_935 = arith.constant 3 : index
    %get3A_936 = memref.load %arg2[%get3A_934, %get3A_935] : memref<64x4xf32, #tpu.memory_space<smem>>
    %neg3A_937 = arith.constant 0.000000e+00 : f32
    %neg3A_938 = arith.subf %neg3A_937, %get3A_936 : f32
    %sub3A_939 = vector.broadcast %get3A_914 : f32 to vector<512x128xf32>
    %sub3A_940 = arith.subf %get3A_899, %sub3A_939 : vector<512x128xf32>
    %sub3A_941 = vector.broadcast %get3A_917 : f32 to vector<512x128xf32>
    %sub3A_942 = arith.subf %get3A_905, %sub3A_941 : vector<512x128xf32>
    %sub3A_943 = vector.broadcast %get3A_920 : f32 to vector<512x128xf32>
    %sub3A_944 = arith.subf %get3A_911, %sub3A_943 : vector<512x128xf32>
    %mul3A_945 = vector.broadcast %neg3A_933 : f32 to vector<512x128xf32>
    %mul3A_946 = arith.mulf %mul3A_945, %sub3A_944 : vector<512x128xf32>
    %mul3A_947 = vector.broadcast %neg3A_938 : f32 to vector<512x128xf32>
    %mul3A_948 = arith.mulf %mul3A_947, %sub3A_942 : vector<512x128xf32>
    %sub3A_949 = arith.subf %mul3A_946, %mul3A_948 : vector<512x128xf32>
    %mul3A_950 = vector.broadcast %neg3A_938 : f32 to vector<512x128xf32>
    %mul3A_951 = arith.mulf %mul3A_950, %sub3A_940 : vector<512x128xf32>
    %mul3A_952 = vector.broadcast %neg3A_928 : f32 to vector<512x128xf32>
    %mul3A_953 = arith.mulf %mul3A_952, %sub3A_944 : vector<512x128xf32>
    %sub3A_954 = arith.subf %mul3A_951, %mul3A_953 : vector<512x128xf32>
    %mul3A_955 = vector.broadcast %neg3A_928 : f32 to vector<512x128xf32>
    %mul3A_956 = arith.mulf %mul3A_955, %sub3A_942 : vector<512x128xf32>
    %mul3A_957 = vector.broadcast %neg3A_933 : f32 to vector<512x128xf32>
    %mul3A_958 = arith.mulf %mul3A_957, %sub3A_940 : vector<512x128xf32>
    %sub3A_959 = arith.subf %mul3A_956, %mul3A_958 : vector<512x128xf32>
    %mul3A_960 = arith.constant 2.000000e+00 : f32
    %mul3A_961 = arith.mulf %mul3A_960, %get3A_923 : f32
    %mul3A_962 = vector.broadcast %mul3A_961 : f32 to vector<512x128xf32>
    %mul3A_963 = arith.mulf %mul3A_962, %sub3A_949 : vector<512x128xf32>
    %mul3A_964 = vector.broadcast %mul3A_961 : f32 to vector<512x128xf32>
    %mul3A_965 = arith.mulf %mul3A_964, %sub3A_954 : vector<512x128xf32>
    %mul3A_966 = vector.broadcast %mul3A_961 : f32 to vector<512x128xf32>
    %mul3A_967 = arith.mulf %mul3A_966, %sub3A_959 : vector<512x128xf32>
    %mul3A_968 = vector.broadcast %neg3A_933 : f32 to vector<512x128xf32>
    %mul3A_969 = arith.mulf %mul3A_968, %sub3A_959 : vector<512x128xf32>
    %mul3A_970 = vector.broadcast %neg3A_938 : f32 to vector<512x128xf32>
    %mul3A_971 = arith.mulf %mul3A_970, %sub3A_954 : vector<512x128xf32>
    %sub3A_972 = arith.subf %mul3A_969, %mul3A_971 : vector<512x128xf32>
    %mul3A_973 = vector.broadcast %neg3A_938 : f32 to vector<512x128xf32>
    %mul3A_974 = arith.mulf %mul3A_973, %sub3A_949 : vector<512x128xf32>
    %mul3A_975 = vector.broadcast %neg3A_928 : f32 to vector<512x128xf32>
    %mul3A_976 = arith.mulf %mul3A_975, %sub3A_959 : vector<512x128xf32>
    %sub3A_977 = arith.subf %mul3A_974, %mul3A_976 : vector<512x128xf32>
    %mul3A_978 = vector.broadcast %neg3A_928 : f32 to vector<512x128xf32>
    %mul3A_979 = arith.mulf %mul3A_978, %sub3A_954 : vector<512x128xf32>
    %mul3A_980 = vector.broadcast %neg3A_933 : f32 to vector<512x128xf32>
    %mul3A_981 = arith.mulf %mul3A_980, %sub3A_949 : vector<512x128xf32>
    %sub3A_982 = arith.subf %mul3A_979, %mul3A_981 : vector<512x128xf32>
    %add3A_983 = arith.addf %sub3A_940, %mul3A_963 : vector<512x128xf32>
    %add3A_984 = arith.addf %sub3A_972, %sub3A_972 : vector<512x128xf32>
    %add3A_985 = arith.addf %add3A_983, %add3A_984 : vector<512x128xf32>
    %add3A_986 = arith.addf %sub3A_942, %mul3A_965 : vector<512x128xf32>
    %add3A_987 = arith.addf %sub3A_977, %sub3A_977 : vector<512x128xf32>
    %add3A_988 = arith.addf %add3A_986, %add3A_987 : vector<512x128xf32>
    %add3A_989 = arith.addf %sub3A_944, %mul3A_967 : vector<512x128xf32>
    %add3A_990 = arith.addf %sub3A_982, %sub3A_982 : vector<512x128xf32>
    %add3A_991 = arith.addf %add3A_989, %add3A_990 : vector<512x128xf32>
    %sub3A_992 = arith.constant -3.200000e+00 : f32
    %sub3A_993 = vector.broadcast %sub3A_992 : f32 to vector<512x128xf32>
    %sub3A_994 = arith.subf %add3A_985, %sub3A_993 : vector<512x128xf32>
    %div3A_995 = arith.constant 1.000000e-01 : f32
    %div3A_996 = vector.broadcast %div3A_995 : f32 to vector<512x128xf32>
    %div3A_997 = arith.divf %sub3A_994, %div3A_996 : vector<512x128xf32>
    %sub3A_998 = arith.constant -2.400000e+00 : f32
    %sub3A_999 = vector.broadcast %sub3A_998 : f32 to vector<512x128xf32>
    %sub3A_1000 = arith.subf %add3A_988, %sub3A_999 : vector<512x128xf32>
    %div3A_1001 = arith.constant 1.000000e-01 : f32
    %div3A_1002 = vector.broadcast %div3A_1001 : f32 to vector<512x128xf32>
    %div3A_1003 = arith.divf %sub3A_1000, %div3A_1002 : vector<512x128xf32>
    %sub3A_1004 = arith.constant -6.000000e-01 : f32
    %sub3A_1005 = vector.broadcast %sub3A_1004 : f32 to vector<512x128xf32>
    %sub3A_1006 = arith.subf %add3A_991, %sub3A_1005 : vector<512x128xf32>
    %div3A_1007 = arith.constant 1.000000e-01 : f32
    %div3A_1008 = vector.broadcast %div3A_1007 : f32 to vector<512x128xf32>
    %div3A_1009 = arith.divf %sub3A_1006, %div3A_1008 : vector<512x128xf32>
    %gt3A_1010 = arith.constant -1.000000e+00 : f32
    %gt3A_1011 = vector.broadcast %gt3A_1010 : f32 to vector<512x128xf32>
    %gt3A_1012 = arith.cmpf ogt, %div3A_997, %gt3A_1011 : vector<512x128xf32>
    %lt3A_1013 = arith.constant 6.400000e+01 : f32
    %lt3A_1014 = vector.broadcast %lt3A_1013 : f32 to vector<512x128xf32>
    %lt3A_1015 = arith.cmpf olt, %div3A_997, %lt3A_1014 : vector<512x128xf32>
    %and3A_1016 = arith.andi %gt3A_1012, %lt3A_1015 : vector<512x128xi1>
    %gt3A_1017 = arith.constant -1.000000e+00 : f32
    %gt3A_1018 = vector.broadcast %gt3A_1017 : f32 to vector<512x128xf32>
    %gt3A_1019 = arith.cmpf ogt, %div3A_1003, %gt3A_1018 : vector<512x128xf32>
    %and3A_1020 = arith.andi %and3A_1016, %gt3A_1019 : vector<512x128xi1>
    %lt3A_1021 = arith.constant 4.800000e+01 : f32
    %lt3A_1022 = vector.broadcast %lt3A_1021 : f32 to vector<512x128xf32>
    %lt3A_1023 = arith.cmpf olt, %div3A_1003, %lt3A_1022 : vector<512x128xf32>
    %and3A_1024 = arith.andi %and3A_1020, %lt3A_1023 : vector<512x128xi1>
    %gt3A_1025 = arith.constant -1.000000e+00 : f32
    %gt3A_1026 = vector.broadcast %gt3A_1025 : f32 to vector<512x128xf32>
    %gt3A_1027 = arith.cmpf ogt, %div3A_1009, %gt3A_1026 : vector<512x128xf32>
    %and3A_1028 = arith.andi %and3A_1024, %gt3A_1027 : vector<512x128xi1>
    %lt3A_1029 = arith.constant 1.200000e+01 : f32
    %lt3A_1030 = vector.broadcast %lt3A_1029 : f32 to vector<512x128xf32>
    %lt3A_1031 = arith.cmpf olt, %div3A_1009, %lt3A_1030 : vector<512x128xf32>
    %and3A_1032 = arith.andi %and3A_1028, %lt3A_1031 : vector<512x128xi1>
    %jit3A_1033 = arith.constant 0.000000e+00 : f32
    %jit3A_1034 = arith.constant 6.300000e+01 : f32
    %max3A_1035 = vector.broadcast %jit3A_1033 : f32 to vector<512x128xf32>
    %max3A_1036 = arith.maximumf %max3A_1035, %div3A_997 : vector<512x128xf32>
    %min3A_1037 = vector.broadcast %jit3A_1034 : f32 to vector<512x128xf32>
    %min3A_1038 = arith.minimumf %min3A_1037, %max3A_1036 : vector<512x128xf32>
    %floor3A_1039 = math.floor %min3A_1038 : vector<512x128xf32>
    %jit3A_1040 = arith.constant 0.000000e+00 : f32
    %jit3A_1041 = arith.constant 4.700000e+01 : f32
    %max3A_1042 = vector.broadcast %jit3A_1040 : f32 to vector<512x128xf32>
    %max3A_1043 = arith.maximumf %max3A_1042, %div3A_1003 : vector<512x128xf32>
    %min3A_1044 = vector.broadcast %jit3A_1041 : f32 to vector<512x128xf32>
    %min3A_1045 = arith.minimumf %min3A_1044, %max3A_1043 : vector<512x128xf32>
    %floor3A_1046 = math.floor %min3A_1045 : vector<512x128xf32>
    %jit3A_1047 = arith.constant 0.000000e+00 : f32
    %jit3A_1048 = arith.constant 1.100000e+01 : f32
    %max3A_1049 = vector.broadcast %jit3A_1047 : f32 to vector<512x128xf32>
    %max3A_1050 = arith.maximumf %max3A_1049, %div3A_1009 : vector<512x128xf32>
    %min3A_1051 = vector.broadcast %jit3A_1048 : f32 to vector<512x128xf32>
    %min3A_1052 = arith.minimumf %min3A_1051, %max3A_1050 : vector<512x128xf32>
    %floor3A_1053 = math.floor %min3A_1052 : vector<512x128xf32>
    %mul3A_1054 = arith.constant 5.760000e+02 : f32
    %mul3A_1055 = vector.broadcast %mul3A_1054 : f32 to vector<512x128xf32>
    %mul3A_1056 = arith.mulf %floor3A_1039, %mul3A_1055 : vector<512x128xf32>
    %mul3A_1057 = arith.constant 1.200000e+01 : f32
    %mul3A_1058 = vector.broadcast %mul3A_1057 : f32 to vector<512x128xf32>
    %mul3A_1059 = arith.mulf %floor3A_1046, %mul3A_1058 : vector<512x128xf32>
    %add3A_1060 = arith.addf %mul3A_1056, %mul3A_1059 : vector<512x128xf32>
    %add3A_1061 = arith.addf %add3A_1060, %floor3A_1053 : vector<512x128xf32>
    %convert_element_type3A_1062 = arith.fptosi %add3A_1061 : vector<512x128xf32> to vector<512x128xi32>
    %select_n3A_1063 = arith.select %and3A_1032, %convert_element_type3A_1062, %add3A_3 : vector<512x128xi1>, vector<512x128xi32>
    %swap3A_1064 = arith.constant 5 : index
    %swap3A_1065 = arith.constant 0 : index
    %swap3A_1066 = arith.constant 0 : index
    %swap3A_1067 = vector.load %arg4[%swap3A_1064, %swap3A_1065, %swap3A_1066] : memref<8x512x128xi32, #tpu.memory_space<vmem>>, vector<1x512x128xi32>
    %swap3A_1068 = vector.shape_cast %swap3A_1067 : vector<1x512x128xi32> to vector<512x128xi32>
    %swap3A_1069 = vector.shape_cast %select_n3A_1063 : vector<512x128xi32> to vector<1x512x128xi32>
    tpu.vector_store %arg4[%swap3A_1064, %swap3A_1065, %swap3A_1066], %swap3A_1069 {strides = array<i32>} : memref<8x512x128xi32, #tpu.memory_space<vmem>>, vector<1x512x128xi32>,
    %mul3A_1070 = arith.constant 8 : i32
    %mul3A_1071 = arith.muli %arg0, %mul3A_1070 : i32
    %add3A_1072 = arith.constant 6 : i32
    %add3A_1073 = arith.addi %mul3A_1071, %add3A_1072 : i32
    %get3A_1074 = arith.constant 6 : index
    %get3A_1075 = arith.constant 0 : index
    %get3A_1076 = arith.constant 0 : index
    %get3A_1077 = arith.constant 0 : index
    %get3A_1078 = vector.load %arg3[%get3A_1074, %get3A_1075, %get3A_1076, %get3A_1077] : memref<8x3x512x128xf32, #tpu.memory_space<vmem>>, vector<1x1x512x128xf32>
    %get3A_1079 = vector.shape_cast %get3A_1078 : vector<1x1x512x128xf32> to vector<512x128xf32>
    %get3A_1080 = arith.constant 6 : index
    %get3A_1081 = arith.constant 1 : index
    %get3A_1082 = arith.constant 0 : index
    %get3A_1083 = arith.constant 0 : index
    %get3A_1084 = vector.load %arg3[%get3A_1080, %get3A_1081, %get3A_1082, %get3A_1083] : memref<8x3x512x128xf32, #tpu.memory_space<vmem>>, vector<1x1x512x128xf32>
    %get3A_1085 = vector.shape_cast %get3A_1084 : vector<1x1x512x128xf32> to vector<512x128xf32>
    %get3A_1086 = arith.constant 6 : index
    %get3A_1087 = arith.constant 2 : index
    %get3A_1088 = arith.constant 0 : index
    %get3A_1089 = arith.constant 0 : index
    %get3A_1090 = vector.load %arg3[%get3A_1086, %get3A_1087, %get3A_1088, %get3A_1089] : memref<8x3x512x128xf32, #tpu.memory_space<vmem>>, vector<1x1x512x128xf32>
    %get3A_1091 = vector.shape_cast %get3A_1090 : vector<1x1x512x128xf32> to vector<512x128xf32>
    %get3A_1092 = arith.index_cast %add3A_1073 : i32 to index
    %get3A_1093 = arith.constant 0 : index
    %get3A_1094 = memref.load %arg1[%get3A_1092, %get3A_1093] : memref<64x3xf32, #tpu.memory_space<smem>>
    %get3A_1095 = arith.index_cast %add3A_1073 : i32 to index
    %get3A_1096 = arith.constant 1 : index
    %get3A_1097 = memref.load %arg1[%get3A_1095, %get3A_1096] : memref<64x3xf32, #tpu.memory_space<smem>>
    %get3A_1098 = arith.index_cast %add3A_1073 : i32 to index
    %get3A_1099 = arith.constant 2 : index
    %get3A_1100 = memref.load %arg1[%get3A_1098, %get3A_1099] : memref<64x3xf32, #tpu.memory_space<smem>>
    %get3A_1101 = arith.index_cast %add3A_1073 : i32 to index
    %get3A_1102 = arith.constant 0 : index
    %get3A_1103 = memref.load %arg2[%get3A_1101, %get3A_1102] : memref<64x4xf32, #tpu.memory_space<smem>>
    %get3A_1104 = arith.index_cast %add3A_1073 : i32 to index
    %get3A_1105 = arith.constant 1 : index
    %get3A_1106 = memref.load %arg2[%get3A_1104, %get3A_1105] : memref<64x4xf32, #tpu.memory_space<smem>>
    %neg3A_1107 = arith.constant 0.000000e+00 : f32
    %neg3A_1108 = arith.subf %neg3A_1107, %get3A_1106 : f32
    %get3A_1109 = arith.index_cast %add3A_1073 : i32 to index
    %get3A_1110 = arith.constant 2 : index
    %get3A_1111 = memref.load %arg2[%get3A_1109, %get3A_1110] : memref<64x4xf32, #tpu.memory_space<smem>>
    %neg3A_1112 = arith.constant 0.000000e+00 : f32
    %neg3A_1113 = arith.subf %neg3A_1112, %get3A_1111 : f32
    %get3A_1114 = arith.index_cast %add3A_1073 : i32 to index
    %get3A_1115 = arith.constant 3 : index
    %get3A_1116 = memref.load %arg2[%get3A_1114, %get3A_1115] : memref<64x4xf32, #tpu.memory_space<smem>>
    %neg3A_1117 = arith.constant 0.000000e+00 : f32
    %neg3A_1118 = arith.subf %neg3A_1117, %get3A_1116 : f32
    %sub3A_1119 = vector.broadcast %get3A_1094 : f32 to vector<512x128xf32>
    %sub3A_1120 = arith.subf %get3A_1079, %sub3A_1119 : vector<512x128xf32>
    %sub3A_1121 = vector.broadcast %get3A_1097 : f32 to vector<512x128xf32>
    %sub3A_1122 = arith.subf %get3A_1085, %sub3A_1121 : vector<512x128xf32>
    %sub3A_1123 = vector.broadcast %get3A_1100 : f32 to vector<512x128xf32>
    %sub3A_1124 = arith.subf %get3A_1091, %sub3A_1123 : vector<512x128xf32>
    %mul3A_1125 = vector.broadcast %neg3A_1113 : f32 to vector<512x128xf32>
    %mul3A_1126 = arith.mulf %mul3A_1125, %sub3A_1124 : vector<512x128xf32>
    %mul3A_1127 = vector.broadcast %neg3A_1118 : f32 to vector<512x128xf32>
    %mul3A_1128 = arith.mulf %mul3A_1127, %sub3A_1122 : vector<512x128xf32>
    %sub3A_1129 = arith.subf %mul3A_1126, %mul3A_1128 : vector<512x128xf32>
    %mul3A_1130 = vector.broadcast %neg3A_1118 : f32 to vector<512x128xf32>
    %mul3A_1131 = arith.mulf %mul3A_1130, %sub3A_1120 : vector<512x128xf32>
    %mul3A_1132 = vector.broadcast %neg3A_1108 : f32 to vector<512x128xf32>
    %mul3A_1133 = arith.mulf %mul3A_1132, %sub3A_1124 : vector<512x128xf32>
    %sub3A_1134 = arith.subf %mul3A_1131, %mul3A_1133 : vector<512x128xf32>
    %mul3A_1135 = vector.broadcast %neg3A_1108 : f32 to vector<512x128xf32>
    %mul3A_1136 = arith.mulf %mul3A_1135, %sub3A_1122 : vector<512x128xf32>
    %mul3A_1137 = vector.broadcast %neg3A_1113 : f32 to vector<512x128xf32>
    %mul3A_1138 = arith.mulf %mul3A_1137, %sub3A_1120 : vector<512x128xf32>
    %sub3A_1139 = arith.subf %mul3A_1136, %mul3A_1138 : vector<512x128xf32>
    %mul3A_1140 = arith.constant 2.000000e+00 : f32
    %mul3A_1141 = arith.mulf %mul3A_1140, %get3A_1103 : f32
    %mul3A_1142 = vector.broadcast %mul3A_1141 : f32 to vector<512x128xf32>
    %mul3A_1143 = arith.mulf %mul3A_1142, %sub3A_1129 : vector<512x128xf32>
    %mul3A_1144 = vector.broadcast %mul3A_1141 : f32 to vector<512x128xf32>
    %mul3A_1145 = arith.mulf %mul3A_1144, %sub3A_1134 : vector<512x128xf32>
    %mul3A_1146 = vector.broadcast %mul3A_1141 : f32 to vector<512x128xf32>
    %mul3A_1147 = arith.mulf %mul3A_1146, %sub3A_1139 : vector<512x128xf32>
    %mul3A_1148 = vector.broadcast %neg3A_1113 : f32 to vector<512x128xf32>
    %mul3A_1149 = arith.mulf %mul3A_1148, %sub3A_1139 : vector<512x128xf32>
    %mul3A_1150 = vector.broadcast %neg3A_1118 : f32 to vector<512x128xf32>
    %mul3A_1151 = arith.mulf %mul3A_1150, %sub3A_1134 : vector<512x128xf32>
    %sub3A_1152 = arith.subf %mul3A_1149, %mul3A_1151 : vector<512x128xf32>
    %mul3A_1153 = vector.broadcast %neg3A_1118 : f32 to vector<512x128xf32>
    %mul3A_1154 = arith.mulf %mul3A_1153, %sub3A_1129 : vector<512x128xf32>
    %mul3A_1155 = vector.broadcast %neg3A_1108 : f32 to vector<512x128xf32>
    %mul3A_1156 = arith.mulf %mul3A_1155, %sub3A_1139 : vector<512x128xf32>
    %sub3A_1157 = arith.subf %mul3A_1154, %mul3A_1156 : vector<512x128xf32>
    %mul3A_1158 = vector.broadcast %neg3A_1108 : f32 to vector<512x128xf32>
    %mul3A_1159 = arith.mulf %mul3A_1158, %sub3A_1134 : vector<512x128xf32>
    %mul3A_1160 = vector.broadcast %neg3A_1113 : f32 to vector<512x128xf32>
    %mul3A_1161 = arith.mulf %mul3A_1160, %sub3A_1129 : vector<512x128xf32>
    %sub3A_1162 = arith.subf %mul3A_1159, %mul3A_1161 : vector<512x128xf32>
    %add3A_1163 = arith.addf %sub3A_1120, %mul3A_1143 : vector<512x128xf32>
    %add3A_1164 = arith.addf %sub3A_1152, %sub3A_1152 : vector<512x128xf32>
    %add3A_1165 = arith.addf %add3A_1163, %add3A_1164 : vector<512x128xf32>
    %add3A_1166 = arith.addf %sub3A_1122, %mul3A_1145 : vector<512x128xf32>
    %add3A_1167 = arith.addf %sub3A_1157, %sub3A_1157 : vector<512x128xf32>
    %add3A_1168 = arith.addf %add3A_1166, %add3A_1167 : vector<512x128xf32>
    %add3A_1169 = arith.addf %sub3A_1124, %mul3A_1147 : vector<512x128xf32>
    %add3A_1170 = arith.addf %sub3A_1162, %sub3A_1162 : vector<512x128xf32>
    %add3A_1171 = arith.addf %add3A_1169, %add3A_1170 : vector<512x128xf32>
    %sub3A_1172 = arith.constant -3.200000e+00 : f32
    %sub3A_1173 = vector.broadcast %sub3A_1172 : f32 to vector<512x128xf32>
    %sub3A_1174 = arith.subf %add3A_1165, %sub3A_1173 : vector<512x128xf32>
    %div3A_1175 = arith.constant 1.000000e-01 : f32
    %div3A_1176 = vector.broadcast %div3A_1175 : f32 to vector<512x128xf32>
    %div3A_1177 = arith.divf %sub3A_1174, %div3A_1176 : vector<512x128xf32>
    %sub3A_1178 = arith.constant -2.400000e+00 : f32
    %sub3A_1179 = vector.broadcast %sub3A_1178 : f32 to vector<512x128xf32>
    %sub3A_1180 = arith.subf %add3A_1168, %sub3A_1179 : vector<512x128xf32>
    %div3A_1181 = arith.constant 1.000000e-01 : f32
    %div3A_1182 = vector.broadcast %div3A_1181 : f32 to vector<512x128xf32>
    %div3A_1183 = arith.divf %sub3A_1180, %div3A_1182 : vector<512x128xf32>
    %sub3A_1184 = arith.constant -6.000000e-01 : f32
    %sub3A_1185 = vector.broadcast %sub3A_1184 : f32 to vector<512x128xf32>
    %sub3A_1186 = arith.subf %add3A_1171, %sub3A_1185 : vector<512x128xf32>
    %div3A_1187 = arith.constant 1.000000e-01 : f32
    %div3A_1188 = vector.broadcast %div3A_1187 : f32 to vector<512x128xf32>
    %div3A_1189 = arith.divf %sub3A_1186, %div3A_1188 : vector<512x128xf32>
    %gt3A_1190 = arith.constant -1.000000e+00 : f32
    %gt3A_1191 = vector.broadcast %gt3A_1190 : f32 to vector<512x128xf32>
    %gt3A_1192 = arith.cmpf ogt, %div3A_1177, %gt3A_1191 : vector<512x128xf32>
    %lt3A_1193 = arith.constant 6.400000e+01 : f32
    %lt3A_1194 = vector.broadcast %lt3A_1193 : f32 to vector<512x128xf32>
    %lt3A_1195 = arith.cmpf olt, %div3A_1177, %lt3A_1194 : vector<512x128xf32>
    %and3A_1196 = arith.andi %gt3A_1192, %lt3A_1195 : vector<512x128xi1>
    %gt3A_1197 = arith.constant -1.000000e+00 : f32
    %gt3A_1198 = vector.broadcast %gt3A_1197 : f32 to vector<512x128xf32>
    %gt3A_1199 = arith.cmpf ogt, %div3A_1183, %gt3A_1198 : vector<512x128xf32>
    %and3A_1200 = arith.andi %and3A_1196, %gt3A_1199 : vector<512x128xi1>
    %lt3A_1201 = arith.constant 4.800000e+01 : f32
    %lt3A_1202 = vector.broadcast %lt3A_1201 : f32 to vector<512x128xf32>
    %lt3A_1203 = arith.cmpf olt, %div3A_1183, %lt3A_1202 : vector<512x128xf32>
    %and3A_1204 = arith.andi %and3A_1200, %lt3A_1203 : vector<512x128xi1>
    %gt3A_1205 = arith.constant -1.000000e+00 : f32
    %gt3A_1206 = vector.broadcast %gt3A_1205 : f32 to vector<512x128xf32>
    %gt3A_1207 = arith.cmpf ogt, %div3A_1189, %gt3A_1206 : vector<512x128xf32>
    %and3A_1208 = arith.andi %and3A_1204, %gt3A_1207 : vector<512x128xi1>
    %lt3A_1209 = arith.constant 1.200000e+01 : f32
    %lt3A_1210 = vector.broadcast %lt3A_1209 : f32 to vector<512x128xf32>
    %lt3A_1211 = arith.cmpf olt, %div3A_1189, %lt3A_1210 : vector<512x128xf32>
    %and3A_1212 = arith.andi %and3A_1208, %lt3A_1211 : vector<512x128xi1>
    %jit3A_1213 = arith.constant 0.000000e+00 : f32
    %jit3A_1214 = arith.constant 6.300000e+01 : f32
    %max3A_1215 = vector.broadcast %jit3A_1213 : f32 to vector<512x128xf32>
    %max3A_1216 = arith.maximumf %max3A_1215, %div3A_1177 : vector<512x128xf32>
    %min3A_1217 = vector.broadcast %jit3A_1214 : f32 to vector<512x128xf32>
    %min3A_1218 = arith.minimumf %min3A_1217, %max3A_1216 : vector<512x128xf32>
    %floor3A_1219 = math.floor %min3A_1218 : vector<512x128xf32>
    %jit3A_1220 = arith.constant 0.000000e+00 : f32
    %jit3A_1221 = arith.constant 4.700000e+01 : f32
    %max3A_1222 = vector.broadcast %jit3A_1220 : f32 to vector<512x128xf32>
    %max3A_1223 = arith.maximumf %max3A_1222, %div3A_1183 : vector<512x128xf32>
    %min3A_1224 = vector.broadcast %jit3A_1221 : f32 to vector<512x128xf32>
    %min3A_1225 = arith.minimumf %min3A_1224, %max3A_1223 : vector<512x128xf32>
    %floor3A_1226 = math.floor %min3A_1225 : vector<512x128xf32>
    %jit3A_1227 = arith.constant 0.000000e+00 : f32
    %jit3A_1228 = arith.constant 1.100000e+01 : f32
    %max3A_1229 = vector.broadcast %jit3A_1227 : f32 to vector<512x128xf32>
    %max3A_1230 = arith.maximumf %max3A_1229, %div3A_1189 : vector<512x128xf32>
    %min3A_1231 = vector.broadcast %jit3A_1228 : f32 to vector<512x128xf32>
    %min3A_1232 = arith.minimumf %min3A_1231, %max3A_1230 : vector<512x128xf32>
    %floor3A_1233 = math.floor %min3A_1232 : vector<512x128xf32>
    %mul3A_1234 = arith.constant 5.760000e+02 : f32
    %mul3A_1235 = vector.broadcast %mul3A_1234 : f32 to vector<512x128xf32>
    %mul3A_1236 = arith.mulf %floor3A_1219, %mul3A_1235 : vector<512x128xf32>
    %mul3A_1237 = arith.constant 1.200000e+01 : f32
    %mul3A_1238 = vector.broadcast %mul3A_1237 : f32 to vector<512x128xf32>
    %mul3A_1239 = arith.mulf %floor3A_1226, %mul3A_1238 : vector<512x128xf32>
    %add3A_1240 = arith.addf %mul3A_1236, %mul3A_1239 : vector<512x128xf32>
    %add3A_1241 = arith.addf %add3A_1240, %floor3A_1233 : vector<512x128xf32>
    %convert_element_type3A_1242 = arith.fptosi %add3A_1241 : vector<512x128xf32> to vector<512x128xi32>
    %select_n3A_1243 = arith.select %and3A_1212, %convert_element_type3A_1242, %add3A_3 : vector<512x128xi1>, vector<512x128xi32>
    %swap3A_1244 = arith.constant 6 : index
    %swap3A_1245 = arith.constant 0 : index
    %swap3A_1246 = arith.constant 0 : index
    %swap3A_1247 = vector.load %arg4[%swap3A_1244, %swap3A_1245, %swap3A_1246] : memref<8x512x128xi32, #tpu.memory_space<vmem>>, vector<1x512x128xi32>
    %swap3A_1248 = vector.shape_cast %swap3A_1247 : vector<1x512x128xi32> to vector<512x128xi32>
    %swap3A_1249 = vector.shape_cast %select_n3A_1243 : vector<512x128xi32> to vector<1x512x128xi32>
    tpu.vector_store %arg4[%swap3A_1244, %swap3A_1245, %swap3A_1246], %swap3A_1249 {strides = array<i32>} : memref<8x512x128xi32, #tpu.memory_space<vmem>>, vector<1x512x128xi32>,
    %mul3A_1250 = arith.constant 8 : i32
    %mul3A_1251 = arith.muli %arg0, %mul3A_1250 : i32
    %add3A_1252 = arith.constant 7 : i32
    %add3A_1253 = arith.addi %mul3A_1251, %add3A_1252 : i32
    %get3A_1254 = arith.constant 7 : index
    %get3A_1255 = arith.constant 0 : index
    %get3A_1256 = arith.constant 0 : index
    %get3A_1257 = arith.constant 0 : index
    %get3A_1258 = vector.load %arg3[%get3A_1254, %get3A_1255, %get3A_1256, %get3A_1257] : memref<8x3x512x128xf32, #tpu.memory_space<vmem>>, vector<1x1x512x128xf32>
    %get3A_1259 = vector.shape_cast %get3A_1258 : vector<1x1x512x128xf32> to vector<512x128xf32>
    %get3A_1260 = arith.constant 7 : index
    %get3A_1261 = arith.constant 1 : index
    %get3A_1262 = arith.constant 0 : index
    %get3A_1263 = arith.constant 0 : index
    %get3A_1264 = vector.load %arg3[%get3A_1260, %get3A_1261, %get3A_1262, %get3A_1263] : memref<8x3x512x128xf32, #tpu.memory_space<vmem>>, vector<1x1x512x128xf32>
    %get3A_1265 = vector.shape_cast %get3A_1264 : vector<1x1x512x128xf32> to vector<512x128xf32>
    %get3A_1266 = arith.constant 7 : index
    %get3A_1267 = arith.constant 2 : index
    %get3A_1268 = arith.constant 0 : index
    %get3A_1269 = arith.constant 0 : index
    %get3A_1270 = vector.load %arg3[%get3A_1266, %get3A_1267, %get3A_1268, %get3A_1269] : memref<8x3x512x128xf32, #tpu.memory_space<vmem>>, vector<1x1x512x128xf32>
    %get3A_1271 = vector.shape_cast %get3A_1270 : vector<1x1x512x128xf32> to vector<512x128xf32>
    %get3A_1272 = arith.index_cast %add3A_1253 : i32 to index
    %get3A_1273 = arith.constant 0 : index
    %get3A_1274 = memref.load %arg1[%get3A_1272, %get3A_1273] : memref<64x3xf32, #tpu.memory_space<smem>>
    %get3A_1275 = arith.index_cast %add3A_1253 : i32 to index
    %get3A_1276 = arith.constant 1 : index
    %get3A_1277 = memref.load %arg1[%get3A_1275, %get3A_1276] : memref<64x3xf32, #tpu.memory_space<smem>>
    %get3A_1278 = arith.index_cast %add3A_1253 : i32 to index
    %get3A_1279 = arith.constant 2 : index
    %get3A_1280 = memref.load %arg1[%get3A_1278, %get3A_1279] : memref<64x3xf32, #tpu.memory_space<smem>>
    %get3A_1281 = arith.index_cast %add3A_1253 : i32 to index
    %get3A_1282 = arith.constant 0 : index
    %get3A_1283 = memref.load %arg2[%get3A_1281, %get3A_1282] : memref<64x4xf32, #tpu.memory_space<smem>>
    %get3A_1284 = arith.index_cast %add3A_1253 : i32 to index
    %get3A_1285 = arith.constant 1 : index
    %get3A_1286 = memref.load %arg2[%get3A_1284, %get3A_1285] : memref<64x4xf32, #tpu.memory_space<smem>>
    %neg3A_1287 = arith.constant 0.000000e+00 : f32
    %neg3A_1288 = arith.subf %neg3A_1287, %get3A_1286 : f32
    %get3A_1289 = arith.index_cast %add3A_1253 : i32 to index
    %get3A_1290 = arith.constant 2 : index
    %get3A_1291 = memref.load %arg2[%get3A_1289, %get3A_1290] : memref<64x4xf32, #tpu.memory_space<smem>>
    %neg3A_1292 = arith.constant 0.000000e+00 : f32
    %neg3A_1293 = arith.subf %neg3A_1292, %get3A_1291 : f32
    %get3A_1294 = arith.index_cast %add3A_1253 : i32 to index
    %get3A_1295 = arith.constant 3 : index
    %get3A_1296 = memref.load %arg2[%get3A_1294, %get3A_1295] : memref<64x4xf32, #tpu.memory_space<smem>>
    %neg3A_1297 = arith.constant 0.000000e+00 : f32
    %neg3A_1298 = arith.subf %neg3A_1297, %get3A_1296 : f32
    %sub3A_1299 = vector.broadcast %get3A_1274 : f32 to vector<512x128xf32>
    %sub3A_1300 = arith.subf %get3A_1259, %sub3A_1299 : vector<512x128xf32>
    %sub3A_1301 = vector.broadcast %get3A_1277 : f32 to vector<512x128xf32>
    %sub3A_1302 = arith.subf %get3A_1265, %sub3A_1301 : vector<512x128xf32>
    %sub3A_1303 = vector.broadcast %get3A_1280 : f32 to vector<512x128xf32>
    %sub3A_1304 = arith.subf %get3A_1271, %sub3A_1303 : vector<512x128xf32>
    %mul3A_1305 = vector.broadcast %neg3A_1293 : f32 to vector<512x128xf32>
    %mul3A_1306 = arith.mulf %mul3A_1305, %sub3A_1304 : vector<512x128xf32>
    %mul3A_1307 = vector.broadcast %neg3A_1298 : f32 to vector<512x128xf32>
    %mul3A_1308 = arith.mulf %mul3A_1307, %sub3A_1302 : vector<512x128xf32>
    %sub3A_1309 = arith.subf %mul3A_1306, %mul3A_1308 : vector<512x128xf32>
    %mul3A_1310 = vector.broadcast %neg3A_1298 : f32 to vector<512x128xf32>
    %mul3A_1311 = arith.mulf %mul3A_1310, %sub3A_1300 : vector<512x128xf32>
    %mul3A_1312 = vector.broadcast %neg3A_1288 : f32 to vector<512x128xf32>
    %mul3A_1313 = arith.mulf %mul3A_1312, %sub3A_1304 : vector<512x128xf32>
    %sub3A_1314 = arith.subf %mul3A_1311, %mul3A_1313 : vector<512x128xf32>
    %mul3A_1315 = vector.broadcast %neg3A_1288 : f32 to vector<512x128xf32>
    %mul3A_1316 = arith.mulf %mul3A_1315, %sub3A_1302 : vector<512x128xf32>
    %mul3A_1317 = vector.broadcast %neg3A_1293 : f32 to vector<512x128xf32>
    %mul3A_1318 = arith.mulf %mul3A_1317, %sub3A_1300 : vector<512x128xf32>
    %sub3A_1319 = arith.subf %mul3A_1316, %mul3A_1318 : vector<512x128xf32>
    %mul3A_1320 = arith.constant 2.000000e+00 : f32
    %mul3A_1321 = arith.mulf %mul3A_1320, %get3A_1283 : f32
    %mul3A_1322 = vector.broadcast %mul3A_1321 : f32 to vector<512x128xf32>
    %mul3A_1323 = arith.mulf %mul3A_1322, %sub3A_1309 : vector<512x128xf32>
    %mul3A_1324 = vector.broadcast %mul3A_1321 : f32 to vector<512x128xf32>
    %mul3A_1325 = arith.mulf %mul3A_1324, %sub3A_1314 : vector<512x128xf32>
    %mul3A_1326 = vector.broadcast %mul3A_1321 : f32 to vector<512x128xf32>
    %mul3A_1327 = arith.mulf %mul3A_1326, %sub3A_1319 : vector<512x128xf32>
    %mul3A_1328 = vector.broadcast %neg3A_1293 : f32 to vector<512x128xf32>
    %mul3A_1329 = arith.mulf %mul3A_1328, %sub3A_1319 : vector<512x128xf32>
    %mul3A_1330 = vector.broadcast %neg3A_1298 : f32 to vector<512x128xf32>
    %mul3A_1331 = arith.mulf %mul3A_1330, %sub3A_1314 : vector<512x128xf32>
    %sub3A_1332 = arith.subf %mul3A_1329, %mul3A_1331 : vector<512x128xf32>
    %mul3A_1333 = vector.broadcast %neg3A_1298 : f32 to vector<512x128xf32>
    %mul3A_1334 = arith.mulf %mul3A_1333, %sub3A_1309 : vector<512x128xf32>
    %mul3A_1335 = vector.broadcast %neg3A_1288 : f32 to vector<512x128xf32>
    %mul3A_1336 = arith.mulf %mul3A_1335, %sub3A_1319 : vector<512x128xf32>
    %sub3A_1337 = arith.subf %mul3A_1334, %mul3A_1336 : vector<512x128xf32>
    %mul3A_1338 = vector.broadcast %neg3A_1288 : f32 to vector<512x128xf32>
    %mul3A_1339 = arith.mulf %mul3A_1338, %sub3A_1314 : vector<512x128xf32>
    %mul3A_1340 = vector.broadcast %neg3A_1293 : f32 to vector<512x128xf32>
    %mul3A_1341 = arith.mulf %mul3A_1340, %sub3A_1309 : vector<512x128xf32>
    %sub3A_1342 = arith.subf %mul3A_1339, %mul3A_1341 : vector<512x128xf32>
    %add3A_1343 = arith.addf %sub3A_1300, %mul3A_1323 : vector<512x128xf32>
    %add3A_1344 = arith.addf %sub3A_1332, %sub3A_1332 : vector<512x128xf32>
    %add3A_1345 = arith.addf %add3A_1343, %add3A_1344 : vector<512x128xf32>
    %add3A_1346 = arith.addf %sub3A_1302, %mul3A_1325 : vector<512x128xf32>
    %add3A_1347 = arith.addf %sub3A_1337, %sub3A_1337 : vector<512x128xf32>
    %add3A_1348 = arith.addf %add3A_1346, %add3A_1347 : vector<512x128xf32>
    %add3A_1349 = arith.addf %sub3A_1304, %mul3A_1327 : vector<512x128xf32>
    %add3A_1350 = arith.addf %sub3A_1342, %sub3A_1342 : vector<512x128xf32>
    %add3A_1351 = arith.addf %add3A_1349, %add3A_1350 : vector<512x128xf32>
    %sub3A_1352 = arith.constant -3.200000e+00 : f32
    %sub3A_1353 = vector.broadcast %sub3A_1352 : f32 to vector<512x128xf32>
    %sub3A_1354 = arith.subf %add3A_1345, %sub3A_1353 : vector<512x128xf32>
    %div3A_1355 = arith.constant 1.000000e-01 : f32
    %div3A_1356 = vector.broadcast %div3A_1355 : f32 to vector<512x128xf32>
    %div3A_1357 = arith.divf %sub3A_1354, %div3A_1356 : vector<512x128xf32>
    %sub3A_1358 = arith.constant -2.400000e+00 : f32
    %sub3A_1359 = vector.broadcast %sub3A_1358 : f32 to vector<512x128xf32>
    %sub3A_1360 = arith.subf %add3A_1348, %sub3A_1359 : vector<512x128xf32>
    %div3A_1361 = arith.constant 1.000000e-01 : f32
    %div3A_1362 = vector.broadcast %div3A_1361 : f32 to vector<512x128xf32>
    %div3A_1363 = arith.divf %sub3A_1360, %div3A_1362 : vector<512x128xf32>
    %sub3A_1364 = arith.constant -6.000000e-01 : f32
    %sub3A_1365 = vector.broadcast %sub3A_1364 : f32 to vector<512x128xf32>
    %sub3A_1366 = arith.subf %add3A_1351, %sub3A_1365 : vector<512x128xf32>
    %div3A_1367 = arith.constant 1.000000e-01 : f32
    %div3A_1368 = vector.broadcast %div3A_1367 : f32 to vector<512x128xf32>
    %div3A_1369 = arith.divf %sub3A_1366, %div3A_1368 : vector<512x128xf32>
    %gt3A_1370 = arith.constant -1.000000e+00 : f32
    %gt3A_1371 = vector.broadcast %gt3A_1370 : f32 to vector<512x128xf32>
    %gt3A_1372 = arith.cmpf ogt, %div3A_1357, %gt3A_1371 : vector<512x128xf32>
    %lt3A_1373 = arith.constant 6.400000e+01 : f32
    %lt3A_1374 = vector.broadcast %lt3A_1373 : f32 to vector<512x128xf32>
    %lt3A_1375 = arith.cmpf olt, %div3A_1357, %lt3A_1374 : vector<512x128xf32>
    %and3A_1376 = arith.andi %gt3A_1372, %lt3A_1375 : vector<512x128xi1>
    %gt3A_1377 = arith.constant -1.000000e+00 : f32
    %gt3A_1378 = vector.broadcast %gt3A_1377 : f32 to vector<512x128xf32>
    %gt3A_1379 = arith.cmpf ogt, %div3A_1363, %gt3A_1378 : vector<512x128xf32>
    %and3A_1380 = arith.andi %and3A_1376, %gt3A_1379 : vector<512x128xi1>
    %lt3A_1381 = arith.constant 4.800000e+01 : f32
    %lt3A_1382 = vector.broadcast %lt3A_1381 : f32 to vector<512x128xf32>
    %lt3A_1383 = arith.cmpf olt, %div3A_1363, %lt3A_1382 : vector<512x128xf32>
    %and3A_1384 = arith.andi %and3A_1380, %lt3A_1383 : vector<512x128xi1>
    %gt3A_1385 = arith.constant -1.000000e+00 : f32
    %gt3A_1386 = vector.broadcast %gt3A_1385 : f32 to vector<512x128xf32>
    %gt3A_1387 = arith.cmpf ogt, %div3A_1369, %gt3A_1386 : vector<512x128xf32>
    %and3A_1388 = arith.andi %and3A_1384, %gt3A_1387 : vector<512x128xi1>
    %lt3A_1389 = arith.constant 1.200000e+01 : f32
    %lt3A_1390 = vector.broadcast %lt3A_1389 : f32 to vector<512x128xf32>
    %lt3A_1391 = arith.cmpf olt, %div3A_1369, %lt3A_1390 : vector<512x128xf32>
    %and3A_1392 = arith.andi %and3A_1388, %lt3A_1391 : vector<512x128xi1>
    %jit3A_1393 = arith.constant 0.000000e+00 : f32
    %jit3A_1394 = arith.constant 6.300000e+01 : f32
    %max3A_1395 = vector.broadcast %jit3A_1393 : f32 to vector<512x128xf32>
    %max3A_1396 = arith.maximumf %max3A_1395, %div3A_1357 : vector<512x128xf32>
    %min3A_1397 = vector.broadcast %jit3A_1394 : f32 to vector<512x128xf32>
    %min3A_1398 = arith.minimumf %min3A_1397, %max3A_1396 : vector<512x128xf32>
    %floor3A_1399 = math.floor %min3A_1398 : vector<512x128xf32>
    %jit3A_1400 = arith.constant 0.000000e+00 : f32
    %jit3A_1401 = arith.constant 4.700000e+01 : f32
    %max3A_1402 = vector.broadcast %jit3A_1400 : f32 to vector<512x128xf32>
    %max3A_1403 = arith.maximumf %max3A_1402, %div3A_1363 : vector<512x128xf32>
    %min3A_1404 = vector.broadcast %jit3A_1401 : f32 to vector<512x128xf32>
    %min3A_1405 = arith.minimumf %min3A_1404, %max3A_1403 : vector<512x128xf32>
    %floor3A_1406 = math.floor %min3A_1405 : vector<512x128xf32>
    %jit3A_1407 = arith.constant 0.000000e+00 : f32
    %jit3A_1408 = arith.constant 1.100000e+01 : f32
    %max3A_1409 = vector.broadcast %jit3A_1407 : f32 to vector<512x128xf32>
    %max3A_1410 = arith.maximumf %max3A_1409, %div3A_1369 : vector<512x128xf32>
    %min3A_1411 = vector.broadcast %jit3A_1408 : f32 to vector<512x128xf32>
    %min3A_1412 = arith.minimumf %min3A_1411, %max3A_1410 : vector<512x128xf32>
    %floor3A_1413 = math.floor %min3A_1412 : vector<512x128xf32>
    %mul3A_1414 = arith.constant 5.760000e+02 : f32
    %mul3A_1415 = vector.broadcast %mul3A_1414 : f32 to vector<512x128xf32>
    %mul3A_1416 = arith.mulf %floor3A_1399, %mul3A_1415 : vector<512x128xf32>
    %mul3A_1417 = arith.constant 1.200000e+01 : f32
    %mul3A_1418 = vector.broadcast %mul3A_1417 : f32 to vector<512x128xf32>
    %mul3A_1419 = arith.mulf %floor3A_1406, %mul3A_1418 : vector<512x128xf32>
    %add3A_1420 = arith.addf %mul3A_1416, %mul3A_1419 : vector<512x128xf32>
    %add3A_1421 = arith.addf %add3A_1420, %floor3A_1413 : vector<512x128xf32>
    %convert_element_type3A_1422 = arith.fptosi %add3A_1421 : vector<512x128xf32> to vector<512x128xi32>
    %select_n3A_1423 = arith.select %and3A_1392, %convert_element_type3A_1422, %add3A_3 : vector<512x128xi1>, vector<512x128xi32>
    %swap3A_1424 = arith.constant 7 : index
    %swap3A_1425 = arith.constant 0 : index
    %swap3A_1426 = arith.constant 0 : index
    %swap3A_1427 = vector.load %arg4[%swap3A_1424, %swap3A_1425, %swap3A_1426] : memref<8x512x128xi32, #tpu.memory_space<vmem>>, vector<1x512x128xi32>
    %swap3A_1428 = vector.shape_cast %swap3A_1427 : vector<1x512x128xi32> to vector<512x128xi32>
    %swap3A_1429 = vector.shape_cast %select_n3A_1423 : vector<512x128xi32> to vector<1x512x128xi32>
    tpu.vector_store %arg4[%swap3A_1424, %swap3A_1425, %swap3A_1426], %swap3A_1429 {strides = array<i32>} : memref<8x512x128xi32, #tpu.memory_space<vmem>>, vector<1x512x128xi32>,
    return
  }
  func.func @transform_0(%arg0: i32) -> (i32, i32) {
    %c0_i32 = arith.constant 0 : i32
    %c0_i32_0 = arith.constant 0 : i32
    %c0_i32_1 = arith.constant 0 : i32
    return %c0_i32, %c0_i32_0 : i32, i32
  }
  func.func @transform_1(%arg0: i32) -> (i32, i32) {
    %c0_i32 = arith.constant 0 : i32
    %c0_i32_0 = arith.constant 0 : i32
    %c0_i32_1 = arith.constant 0 : i32
    return %c0_i32, %c0_i32_0 : i32, i32
  }
  func.func @transform_2(%arg0: i32) -> (i32, i32, i32, i32) {
    %c0_i32 = arith.constant 0 : i32
    %c0_i32_0 = arith.constant 0 : i32
    %c0_i32_1 = arith.constant 0 : i32
    %c0_i32_2 = arith.constant 0 : i32
    return %arg0, %c0_i32, %c0_i32_0, %c0_i32_1 : i32, i32, i32, i32
  }
  func.func @transform_3(%arg0: i32) -> (i32, i32, i32) {
    %c0_i32 = arith.constant 0 : i32
    %c0_i32_0 = arith.constant 0 : i32
    %c0_i32_1 = arith.constant 0 : i32
    return %arg0, %c0_i32, %c0_i32_0 : i32, i32, i32
  }
}

</mosaic_0001>

<sc_bundles>
// kernel: kernel.4.cloned.1.call-start
scs
__scs_entry_jumppad:
0x0: {  	(pc) =	sbr.rel $0x88, $3  }
0x1: {  	(tag) =	ssettag $0x0;
	lr =	simm.s32 $0x1  }
0x2: {  	[smem:$0x3F9E] =	sst lr;
	_ =	strace $0xD0000000  }
0x3: {  	_ = 	snop  }
0x4: {  	_ = 	snop  }
0x5: {  	_ = 	snop  }
0x6: {  	_ = 	snop  }
0x7: {  	_ = 	snop  }
__scs_overlays_trampoline_lowered:
0x8: {  	[smem:$0x3FAD] =	sst s0  }
0x9: {  	[smem:$0x3FAE] =	sst s1  }
0xa: {  	[smem:$0x3FAF] =	sst s2  }
0xb: {  	[smem:$0x3FB0] =	sst s3  }
0xc: {  	[smem:$0x3FB1] =	sst s4  }
0xd: {  	[smem:$0x3FB2] =	sst s5  }
0xe: {  	[smem:$0x3FB3] =	sst s6  }
0xf: {  	[smem:$0x3FB4] =	sst s7  }
0x10: {  	[smem:$0x3FB5] =	sst s8  }
0x11: {  	[smem:$0x3FB6] =	sst s9;
	s0 =	simm.s32 @!p0 $0x0  }
0x12: {  	s1 =	sld [smem:$0x3F9C];
	s0 =	simm.s32 @p0 $0x1  }
0x13: {  	[smem:$0x3FB7] =	sst s0;
	s0 =	simm.s32 @!p1 $0x0  }
0x14: {  	s2 =	sld [smem:$0x3F9B];
	s0 =	simm.s32 @p1 $0x1  }
0x15: {  	[smem:$0x3FB8] =	sst s0;
	s0 =	simm.s32 @!p2 $0x0  }
0x16: {  	s3 =	sld [smem:$0x3FDB];
	s0 =	simm.s32 @p2 $0x1  }
0x17: {  	s4 =	simm.s32 $0x1BF5;
	[smem:$0x3FBA] =	sst s0  }
0x18: {  	s0 =	sld [smem:$0x3F9D];
	_ =	swait.ge [sflag:s4], $0x0  }
0x19: {  	s7 =	sld [smem:$0x3F9E]  }
0x1a: {  	s8 =	sadd.s32 $0xFFFFE003, lr  }
0x1b: {  	s9 =	sadd.s32 $0xFFFFFEF7, lr;
	s5 =	simm.s32 $0xFFFFFFFF;
	p2 =	slt.u32 s8, $0xFFFFF086  }
0x1c: {  	p1 =	slt.u32 s9, $0xF7A;
	s5 =	simm.s32 @!p2 $0x0  }
0x1d: {  	s5 =	simm.s32 @p1 $0x1;
	p0 =	seq.s32 s7, s2  }
0x1e: {  	s7 =	smul.u32 @!p0 $0xF7A, s2;
	p2 =	seq.s32 @!p0 s5, $0x0  }
0x1f: {  	s9 =	smul.u32 $0xF7A, s1;
	s8 =	simm.s32 @!p0 $0x1BF5;
	p2 =	por !p2, p0  }
0x20: {  	[sflag:s8] =	ssyncset.s32 @!p0 $0xFFFFF086;
	s6 =	sadd.s32 @!p0 s3, s7;
	s7 =	simm.s32 @!p0 $0x108  }
0x21: {  	s3 =	sadd.s32 s3, s9;
	s6 =	sadd.s32 @!p0 $0x88, s6;
	s7 =	simm.s32 @p2 $0x1082  }
0x22: {  	[simem:s7], [sflag:s8] =	dma.local @!p0 [hbm:s6], $0xF7A  }
0x23: {  	s9 =	sor.u32 $0xD0000000, s2;
	s6 =	simm.s32 $0x108;
	_ =	swait.ge @!p0 [sflag:s8], $0x0  }
0x24: {  	s3 =	sadd.s32 $0x88, s3;
	s6 =	simm.s32 @!p1 $0x1082;
	[sflag:s4] =	ssyncset.s32 $0xFFFFF086  }
0x25: {  	[simem:s6], [sflag:s4] =	dma.local [hbm:s3], $0xF7A  }
0x26: {  	[smem:$0x3F9E] =	sst s1;
	(tag) =	ssettag s2;
	_ =	strace s9  }
0x27: {  	s1 =	sld [smem:$0x3FAE]  }
0x28: {  	s2 =	sld [smem:$0x3FAF]  }
0x29: {  	s4 =	sld [smem:$0x3FB1]  }
0x2a: {  	p0 =	seq.s32 s5, $0x0;
	s5 =	sld [smem:$0x3FB2]  }
0x2b: {  	s6 =	sld [smem:$0x3FB3]  }
0x2c: {  	s7 =	sld [smem:$0x3FB4]  }
0x2d: {  	s3 =	simm.s32 $0x108;
	s8 =	sld [smem:$0x3FB5]  }
0x2e: {  	s3 =	simm.s32 @!p0 $0x1082;
	s9 =	sld [smem:$0x3FB6]  }
0x2f: {  	lr =	sadd.s32 s0, s3;
	s0 =	sld [smem:$0x3FAD]  }
0x30: {  	s3 =	sld [smem:$0x3FB0]  }
0x31: {  	[smem:$0x3FB9] =	sst s10  }
0x32: {  	s10 =	sld [smem:$0x3FB7];
	_ =	sdelay $0x3  }
0x33: {  	p0 =	seq.s32 s10, $0x1;
	s10 =	sld [smem:$0x3FB9];
	_ =	sdelay $0x3  }
0x34: {  	[smem:$0x3FB9] =	sst s10  }
0x35: {  	s10 =	sld [smem:$0x3FB8];
	_ =	sdelay $0x3  }
0x36: {  	p1 =	seq.s32 s10, $0x1;
	s10 =	sld [smem:$0x3FB9];
	_ =	sdelay $0x3  }
0x37: {  	[smem:$0x3FB9] =	sst s10  }
0x38: {  	s10 =	sld [smem:$0x3FBA]  }
0x39: {  	_ = 	snop;
	(pc) =	sbr.ind lr, $3  }
0x3a: {  	_ = 	snop  }
0x3b: {  	_ = 	snop  }
0x3c: {  	p2 =	seq.s32 s10, $0x1;
	s10 =	sld [smem:$0x3FB9]  }
0x3d: {  	_ =	shalt  }
0x3e: {  	_ =	shalt  }
0x3f: {  	_ =	shalt  }
0x40: {  	_ =	shalt  }
0x41: {  	_ =	shalt  }
0x42: {  	_ =	shalt  }
0x43: {  	_ =	shalt  }
0x44: {  	_ =	shalt  }
0x45: {  	_ =	shalt  }
0x46: {  	_ =	shalt  }
0x47: {  	_ =	shalt  }
0x48: {  	_ =	shalt  }
0x49: {  	_ =	shalt  }
0x4a: {  	_ =	shalt  }
0x4b: {  	_ =	shalt  }
0x4c: {  	_ =	shalt  }
0x4d: {  	_ =	shalt  }
0x4e: {  	_ =	shalt  }
0x4f: {  	_ =	shalt  }
0x50: {  	_ =	shalt  }
0x51: {  	_ =	shalt  }
0x52: {  	_ =	shalt  }
0x53: {  	_ =	shalt  }
0x54: {  	_ =	shalt  }
0x55: {  	_ =	shalt  }
0x56: {  	_ =	shalt  }
0x57: {  	_ =	shalt  }
0x58: {  	_ =	shalt  }
0x59: {  	_ =	shalt  }
0x5a: {  	_ =	shalt  }
0x5b: {  	_ =	shalt  }
0x5c: {  	_ =	shalt  }
0x5d: {  	_ =	shalt  }
0x5e: {  	_ =	shalt  }
0x5f: {  	_ =	shalt  }
0x60: {  	_ =	shalt  }
0x61: {  	_ =	shalt  }
0x62: {  	_ =	shalt  }
0x63: {  	_ =	shalt  }
0x64: {  	_ =	shalt  }
0x65: {  	_ =	shalt  }
0x66: {  	_ =	shalt  }
0x67: {  	_ =	shalt  }
0x68: {  	_ =	shalt  }
0x69: {  	_ =	shalt  }
0x6a: {  	_ =	shalt  }
0x6b: {  	_ =	shalt  }
0x6c: {  	_ =	shalt  }
0x6d: {  	_ =	shalt  }
0x6e: {  	_ =	shalt  }
0x6f: {  	_ =	shalt  }
0x70: {  	_ =	shalt  }
0x71: {  	_ =	shalt  }
0x72: {  	_ =	shalt  }
0x73: {  	_ =	shalt  }
0x74: {  	_ =	shalt  }
0x75: {  	_ =	shalt  }
0x76: {  	_ =	shalt  }
0x77: {  	_ =	shalt  }
0x78: {  	_ =	shalt  }
0x79: {  	_ =	shalt  }
0x7a: {  	_ =	shalt  }
0x7b: {  	_ =	shalt  }
0x7c: {  	_ =	shalt  }
0x7d: {  	_ =	shalt  }
0x7e: {  	_ =	shalt  }
0x7f: {  	_ =	shalt  }
0x80: {  	_ =	shalt  }
0x81: {  	_ =	shalt  }
0x82: {  	_ =	shalt  }
0x83: {  	_ =	shalt  }
0x84: {  	_ =	shalt  }
0x85: {  	_ =	shalt  }
0x86: {  	_ =	shalt  }
0x87: {  	_ =	shalt  }
.Lfunc_end0:
.L_simem_size_0:
called_computation.1_lowered:
.L_overlay_start_0:
0x88: {  	s2 =	sld [smem:$0x3FD9]  }
0x89: {  	s3 =	sld [smem:$0x3FFE];
	_ =	sdelay $0x1  }
0x8a: {  	s1 =	srdreg.scid  }
0x8b: {  	s0 =	sand.u32 $0x1, s1  }
0x8c: {  	s16 =	sshll.u32 s0, $0xA;
	s2 =	sadd.s32 s3, s2  }
0x8d: {  	s2 =	sadd.s32 s2, s16  }
0x8e: {  	[smem:$0x3FC5] =	sst s2  }
0x8f: {  	_ = 	snop  }
0x90: {  	(tm) =	ssettm $0x1  }
0x91: {  	s17 =	sld [smem:$0x3FFB];
	_ =	sdelay $0x3  }
0x92: {  	_ =	strace s17  }
0x93: {  	s2 =	sld [smem:$0x3FFC];
	_ =	sdelay $0x3  }
0x94: {  	_ =	strace s2  }
0x95: {  	s2 =	sld [smem:$0x3FFD];
	_ =	sdelay $0x3  }
0x96: {  	_ =	strace s2  }
0x97: {  	_ =	strace $0x8FFFFFFF  }
0x98: {  	s18 =	sld [smem:$0x3FDB];
	_ =	sdelay $0x1  }
0x99: {  	s19 =	simm.s32 $_scs_section_size  }
0x9a: {  	s4 =	simm.s32 $_size__tile_overlayer_lowered;
	s5 =	simm.s32 $_tile_overlayer_lowered  }
0x9b: {  	s22 =	simm.s32 $0x1BFF;
	s21 =	sshll.u32 s5, $0x1;
	s2 =	sadd.s32 s19, s18  }
0x9c: {  	s6 =	simm.s32 $0x0;
	s20 =	sshll.u32 s4, $0x1;
	s4 =	sadd.s32 s21, s2  }
0x9d: {  	[timem:s6], [sflag:s22] =	dma.local [hbm:s4], s20  }
0x9e: {  	_ =	swait.ge [sflag:s22], s20  }
0x9f: {  	s3 =	ssub.s32 $0x0, s20;
	[sflag:s22] =	ssyncset.done $0x0  }
0xa0: {  	[sflag:s22] =	ssyncadd.s32 s3;
	_ =	sdelay $0x1  }
0xa1: {  	s23 =	simm.s32 $0x1B8B  }
0xa2: {  	_ =	swait.ge [sflag:s23], $0x1  }
0xa3: {  	[sflag:s23] =	ssyncset.done $0x0  }
0xa4: {  	s25 =	simm.s32 $0x1B8E;
	s24 =	sld [smem:$0x3FFE];
	[sflag:s23] =	ssyncadd.s32 $0xFFFFFFFF  }
0xa5: {  	s26 =	simm.s32 $execute0_lowered;
	[smem:$0x3FD2] =	sst s25  }
0xa6: {  	s4 =	sshll.u32 s26, $0x1;
	_ =	strace $0x80000049;
	[dreg:$0x1] =	wrdreg $0xFFFFFFFF  }
0xa7: {  	s28 =	simm.s32 $_size_execute0_lowered;
	s2 =	sadd.s32 s2, s4;
	[dreg:$0x0] =	wrdreg $0x0  }
0xa8: {  	s4 =	sshll.u32 s28, $0x1;
	[dreg:$0x2] =	wrdreg s2  }
0xa9: {  	[dreg:$0x3] =	wrdreg s4  }
0xaa: {  	[dreg:$0x4] =	wrdreg $0xC0  }
0xab: {  	_ =	task [dreg:s6], $0x5FFFF  }
0xac: {  	[dreg:$0x1] =	wrdreg $0xFFFFFFFF  }
0xad: {  	[dreg:$0x0] =	wrdreg $0x60  }
0xae: {  	[dreg:$0x2] =	wrdreg s24  }
0xaf: {  	[dreg:$0x3] =	wrdreg $0x9  }
0xb0: {  	_ =	task.clear_ibuf [dreg:s6], $0x4FFFF;
	_ =	strace $0x90000049  }
0xb1: {  	s29 =	simm.s32 $0x9;
	_ =	strace $0x8000004B  }
0xb2: {  	_ =	swait.ge [sflag:s29], $0x1  }
0xb3: {  	[sflag:s29] =	ssyncadd.s32 $0xFFFFFFFF  }
0xb4: {  	_ =	strace $0x9000004B  }
0xb5: {  	_ =	sfence  }
0xb6: {  	s30 =	sld [smem:$0x0];
	_ =	sdelay $0x2  }
0xb7: {  	s31 =	sshll.u32 s1, $0xD;
	s1 =	sshrl.u32 s1, $0x2  }
0xb8: {  	s3 =	sand.u32 $0x4000, s31;
	s1 =	sadd.s32 s1, s30  }
0xb9: {  	s0 =	sor.u32 s3, s0;
	s1 =	sshll.u32 s1, $0x11  }
0xba: {  	s0 =	sor.u32 s1, s0  }
0xbb: {  	s0 =	sadd.s32 $0x8F2B, s0  }
0xbc: {  	[sflag:s0] =	ssyncadd.remote.s32 $0x1  }
0xbd: {  	_ =	sfence.sel $0xFFFF  }
0xbe: {  	[dreg:$0x0] =	wrdreg $0xFFFFFFFF;
	(pc) =	sbr.abs _section_cstart, $3  }
0xbf: {  	[dreg:$0x1] =	wrdreg $0xFFFFFFFF  }
0xc0: {  	_ =	task.clear_ibuf [dreg:s6], $0x2FFFF;
	_ =	strace $0x9FFFFFFF  }
0xc1: {  	(tm) =	ssettm $0x7FFFFFFF  }
tec
execute0_lowered:
.L_overlay_start_1:
0x0: {  	(tag) =	ssettag $0x1  }
0x1: {  	s4 =	rddreg [dreg:$0x0]  }
0x2: {  	s0 =	rddreg [dreg:$0x1];
	s3 =	srdreg.scid  }
0x3: {  	s2 =	simm.s32 $0x0;
	s1 =	stileid.u32;
	s14 =	simm.s32 $0x80  }
0x4: {  	s15 =	simm.s32 $0x400;
	s16 =	simm.s32 $0x3;
	s17 =	simm.s32 $0x0  }
0x5: {  	s3 =	sand.u32 $0x1, s3;
	[smem:$0x7FF] =	sst s2;
	s5 =	sshll.u32 s1, $0x2  }
0x6: {  	s25 =	sadd.s32 $0xE00, s4;
	s9 =	sadd.s32 $0x80E00, s4;
	s26 =	sadd.s32 $0x1E00, s4  }
0x7: {  	s28 =	sshrl.u32 s1, $0x1;
	s6 =	sshll.u32 s3, $0x1;
	s3 =	ssub.s32 $0x2, s3  }
0x8: {  	_ =	strace $0x8000004A;
	s5 =	sor.u32 s6, s5;
	s7 =	sshrl.u32 s3, $0x1  }
0x9: {  	s12 =	smul.u32 $0x48000, s28;
	s8 =	sshll.u32 s5, $0xD;
	s10 =	ssub.s32 s3, s7  }
0xa: {  	s11 =	sor.u32 $0x1, s5;
	s5 =	sshll.u32 s5, $0x7;
	s3 =	sadd.s32 s25, s8  }
0xb: {  	s13 =	sshll.u32 s11, $0x7;
	s4 =	sadd.s32 s8, s26;
	s5 =	sand.u32 $0x300, s5  }
0xc: {  	s11 =	sshll.u32 s11, $0xD;
	s29 =	sand.u32 $0x380, s13;
	s30 =	sor.u32 s12, s5  }
0xd: {  	s5 =	sadd.s32 s25, s11;
	s7 =	sadd.s32 s11, s26;
	s11 =	simm.s32 $0x8000  }
0xe: {  	s13 =	simm.s32 $0x2;
	s8 =	sor.u32 s12, s29;
	s31 =	sshrl.u32 s30, $0x3  }
0xf: {  	s12 =	simm.s32 $0x10000;
	s8 =	sshrl.u32 s8, $0x3;
	s6 =	sadd.s32 s9, s31  }
0x10: {  	v0 =	vimm.s32 $0x0;
	v1 =	vimm.s32 $0x1;
	s8 =	sadd.s32 s9, s8;
	s9 =	smax.u32 s10, $0x1;
	s10 =	simm.s32 $0x1  }
.LBB2_1:
0x11: {  	[tilespmem:s2], [sflag:$0x1] =	stream.linear.gather [hbm4b:s3+s2], $0x8000, $0x38;
	[tilespmem:$0x19080] =	vst v63  }
0x12: {  	s18 =	simm.s32 $0x10040  }
0x13: {  	[tilespmem:s18+$0xFFFFFFC0] =	vst v0  }
0x14: {  	[tilespmem:s18+$0x30] =	vst v0  }
0x15: {  	[tilespmem:s18+$0x20] =	vst v0  }
0x16: {  	[tilespmem:s18+$0x10] =	vst v0  }
0x17: {  	[tilespmem:s18+$0x0] =	vst v0  }
0x18: {  	[tilespmem:s18+$0xFFFFFFF0] =	vst v0  }
0x19: {  	s19 =	simm.s32 $0x0;
	[tilespmem:s18+$0xFFFFFFE0] =	vst v0  }
.LBB2_2:
0x1a: {  	s19 =	sadd.s32 $0x8, s19;
	[tilespmem:s18+$0xFFFFFFD0] =	vst v0;
	s18 =	sadd.s32 $0x80, s18  }
0x1b: {  	[tilespmem:s18+$0xFFFFFFC0] =	vst v0;
	p0 =	slt.u32 s19, $0x8F8  }
0x1c: {  	[tilespmem:s18+$0x30] =	vst v0  }
.Ltmp0:
0x1d: {  	[tilespmem:s18+$0x20] =	vst v0;
	(pc) =	sbr.rel @p0 .LBB2_2-.Ltmp0, $4  }
0x1e: {  	[tilespmem:s18+$0x10] =	vst v0  }
0x1f: {  	[tilespmem:s18+$0x0] =	vst v0  }
0x20: {  	[tilespmem:s18+$0xFFFFFFF0] =	vst v0  }
0x21: {  	[tilespmem:s18+$0xFFFFFFE0] =	vst v0  }
0x22: {  	[tilespmem:s18+$0xFFFFFFD0] =	vst v0  }
0x23: {  	[tilespmem:$0x19000] =	vst v0  }
0x24: {  	_ =	swait.ge [sflag:s10], $0x8000  }
0x25: {  	[sflag:s10] =	ssyncset.done $0x0  }
0x26: {  	s19 =	simm.s32 $0x200;
	[sflag:s10] =	ssyncadd.s32 $0xFFFF8000  }
0x27: {  	[tilespmem:s11], [sflag:$0x2] =	stream.linear.gather [hbm4b:s4+s2], $0x8000, $0x38;
	[tilespmem:$0x19080] =	vst v63  }
0x28: {  	v2 =	vld [tilespmem:s19+$0x180]  }
0x29: {  	v3 =	vld [tilespmem:s19+$0xFFFFFE80];
	_ =	sdelay $0x1  }
0x2a: {  	v4 =	vld [tilespmem:s19+$0xFFFFFF00]  }
0x2b: {  	v5 =	vld [tilespmem:s19+$0xFFFFFF80]  }
0x2c: {  	v6 =	vld [tilespmem:s19+$0x0]  }
0x2d: {  	v7 =	vld [tilespmem:s19+$0x80]  }
0x2e: {  	v8 =	vld [tilespmem:s19+$0x100]  }
0x2f: {  	v9 =	vld [tilespmem:s19+$0xFFFFFE00];
	[tilespmem:v2+s12+$0x0] =	vst.idx.msk $0xffff, v1  }
0x30: {  	[tilespmem:v3+s12+$0x0] =	vst.idx.msk $0xffff, v1;
	v2 =	vld [tilespmem:s19+$0x190]  }
0x31: {  	v3 =	vld [tilespmem:s19+$0xFFFFFE90]  }
0x32: {  	[tilespmem:v4+s12+$0x0] =	vst.idx.msk $0xffff, v1  }
0x33: {  	[tilespmem:v5+s12+$0x0] =	vst.idx.msk $0xffff, v1;
	v4 =	vld [tilespmem:s19+$0xFFFFFF10]  }
0x34: {  	[tilespmem:v6+s12+$0x0] =	vst.idx.msk $0xffff, v1;
	v5 =	vld [tilespmem:s19+$0xFFFFFF90]  }
0x35: {  	[tilespmem:v7+s12+$0x0] =	vst.idx.msk $0xffff, v1;
	v6 =	vld [tilespmem:s19+$0x10]  }
0x36: {  	[tilespmem:v8+s12+$0x0] =	vst.idx.msk $0xffff, v1;
	v7 =	vld [tilespmem:s19+$0x90]  }
0x37: {  	[tilespmem:v9+s12+$0x0] =	vst.idx.msk $0xffff, v1;
	v8 =	vld [tilespmem:s19+$0x110]  }
0x38: {  	v9 =	vld [tilespmem:s19+$0xFFFFFE10];
	[tilespmem:v2+s12+$0x0] =	vst.idx.msk $0xffff, v1  }
0x39: {  	[tilespmem:v3+s12+$0x0] =	vst.idx.msk $0xffff, v1;
	v2 =	vld [tilespmem:s19+$0x1A0]  }
0x3a: {  	v3 =	vld [tilespmem:s19+$0xFFFFFEA0]  }
0x3b: {  	[tilespmem:v4+s12+$0x0] =	vst.idx.msk $0xffff, v1  }
0x3c: {  	[tilespmem:v5+s12+$0x0] =	vst.idx.msk $0xffff, v1;
	v4 =	vld [tilespmem:s19+$0xFFFFFF20]  }
0x3d: {  	[tilespmem:v6+s12+$0x0] =	vst.idx.msk $0xffff, v1;
	v5 =	vld [tilespmem:s19+$0xFFFFFFA0]  }
0x3e: {  	[tilespmem:v7+s12+$0x0] =	vst.idx.msk $0xffff, v1;
	v6 =	vld [tilespmem:s19+$0x20]  }
0x3f: {  	[tilespmem:v8+s12+$0x0] =	vst.idx.msk $0xffff, v1;
	v7 =	vld [tilespmem:s19+$0xA0]  }
0x40: {  	[tilespmem:v9+s12+$0x0] =	vst.idx.msk $0xffff, v1;
	v8 =	vld [tilespmem:s19+$0x120]  }
0x41: {  	v9 =	vld [tilespmem:s19+$0xFFFFFE20];
	[tilespmem:v2+s12+$0x0] =	vst.idx.msk $0xffff, v1  }
0x42: {  	[tilespmem:v3+s12+$0x0] =	vst.idx.msk $0xffff, v1;
	v2 =	vld [tilespmem:s19+$0x1B0]  }
0x43: {  	v3 =	vld [tilespmem:s19+$0xFFFFFEB0]  }
0x44: {  	[tilespmem:v4+s12+$0x0] =	vst.idx.msk $0xffff, v1  }
0x45: {  	[tilespmem:v5+s12+$0x0] =	vst.idx.msk $0xffff, v1;
	v4 =	vld [tilespmem:s19+$0xFFFFFF30]  }
0x46: {  	[tilespmem:v6+s12+$0x0] =	vst.idx.msk $0xffff, v1;
	v5 =	vld [tilespmem:s19+$0xFFFFFFB0]  }
0x47: {  	[tilespmem:v7+s12+$0x0] =	vst.idx.msk $0xffff, v1;
	v6 =	vld [tilespmem:s19+$0x30]  }
0x48: {  	[tilespmem:v8+s12+$0x0] =	vst.idx.msk $0xffff, v1;
	v7 =	vld [tilespmem:s19+$0xB0]  }
0x49: {  	[tilespmem:v9+s12+$0x0] =	vst.idx.msk $0xffff, v1;
	v8 =	vld [tilespmem:s19+$0x130]  }
0x4a: {  	v9 =	vld [tilespmem:s19+$0xFFFFFE30];
	[tilespmem:v2+s12+$0x0] =	vst.idx.msk $0xffff, v1  }
0x4b: {  	[tilespmem:v3+s12+$0x0] =	vst.idx.msk $0xffff, v1;
	v2 =	vld [tilespmem:s19+$0x1C0]  }
0x4c: {  	v3 =	vld [tilespmem:s19+$0xFFFFFEC0]  }
0x4d: {  	[tilespmem:v4+s12+$0x0] =	vst.idx.msk $0xffff, v1  }
0x4e: {  	[tilespmem:v5+s12+$0x0] =	vst.idx.msk $0xffff, v1;
	v4 =	vld [tilespmem:s19+$0xFFFFFF40]  }
0x4f: {  	[tilespmem:v6+s12+$0x0] =	vst.idx.msk $0xffff, v1;
	v5 =	vld [tilespmem:s19+$0xFFFFFFC0]  }
0x50: {  	[tilespmem:v7+s12+$0x0] =	vst.idx.msk $0xffff, v1;
	v6 =	vld [tilespmem:s19+$0x40]  }
0x51: {  	[tilespmem:v8+s12+$0x0] =	vst.idx.msk $0xffff, v1;
	v7 =	vld [tilespmem:s19+$0xC0]  }
0x52: {  	[tilespmem:v9+s12+$0x0] =	vst.idx.msk $0xffff, v1;
	v8 =	vld [tilespmem:s19+$0x140]  }
0x53: {  	v9 =	vld [tilespmem:s19+$0xFFFFFE40];
	[tilespmem:v2+s12+$0x0] =	vst.idx.msk $0xffff, v1  }
0x54: {  	[tilespmem:v3+s12+$0x0] =	vst.idx.msk $0xffff, v1;
	v2 =	vld [tilespmem:s19+$0x1D0]  }
0x55: {  	v3 =	vld [tilespmem:s19+$0xFFFFFED0]  }
0x56: {  	[tilespmem:v4+s12+$0x0] =	vst.idx.msk $0xffff, v1  }
0x57: {  	[tilespmem:v5+s12+$0x0] =	vst.idx.msk $0xffff, v1;
	v4 =	vld [tilespmem:s19+$0xFFFFFF50]  }
0x58: {  	[tilespmem:v6+s12+$0x0] =	vst.idx.msk $0xffff, v1;
	v5 =	vld [tilespmem:s19+$0xFFFFFFD0]  }
0x59: {  	[tilespmem:v7+s12+$0x0] =	vst.idx.msk $0xffff, v1;
	v6 =	vld [tilespmem:s19+$0x50]  }
0x5a: {  	[tilespmem:v8+s12+$0x0] =	vst.idx.msk $0xffff, v1;
	v7 =	vld [tilespmem:s19+$0xD0]  }
0x5b: {  	[tilespmem:v9+s12+$0x0] =	vst.idx.msk $0xffff, v1;
	v8 =	vld [tilespmem:s19+$0x150]  }
0x5c: {  	v9 =	vld [tilespmem:s19+$0xFFFFFE50];
	[tilespmem:v2+s12+$0x0] =	vst.idx.msk $0xffff, v1  }
0x5d: {  	[tilespmem:v3+s12+$0x0] =	vst.idx.msk $0xffff, v1;
	v2 =	vld [tilespmem:s19+$0x1E0]  }
0x5e: {  	v3 =	vld [tilespmem:s19+$0xFFFFFEE0]  }
0x5f: {  	[tilespmem:v4+s12+$0x0] =	vst.idx.msk $0xffff, v1  }
0x60: {  	[tilespmem:v5+s12+$0x0] =	vst.idx.msk $0xffff, v1;
	v4 =	vld [tilespmem:s19+$0xFFFFFF60]  }
0x61: {  	[tilespmem:v6+s12+$0x0] =	vst.idx.msk $0xffff, v1;
	v5 =	vld [tilespmem:s19+$0xFFFFFFE0]  }
0x62: {  	[tilespmem:v7+s12+$0x0] =	vst.idx.msk $0xffff, v1;
	v6 =	vld [tilespmem:s19+$0x60]  }
0x63: {  	[tilespmem:v8+s12+$0x0] =	vst.idx.msk $0xffff, v1;
	v7 =	vld [tilespmem:s19+$0xE0]  }
0x64: {  	[tilespmem:v9+s12+$0x0] =	vst.idx.msk $0xffff, v1;
	v8 =	vld [tilespmem:s19+$0x160]  }
0x65: {  	s18 =	simm.s32 $0x600;
	v9 =	vld [tilespmem:s19+$0xFFFFFE60];
	[tilespmem:v2+s12+$0x0] =	vst.idx.msk $0xffff, v1  }
0x66: {  	[tilespmem:v3+s12+$0x0] =	vst.idx.msk $0xffff, v1;
	v3 =	vld [tilespmem:s18+$0x180]  }
0x67: {  	v2 =	vld [tilespmem:s19+$0x1F0]  }
0x68: {  	[tilespmem:v4+s12+$0x0] =	vst.idx.msk $0xffff, v1;
	v4 =	vld [tilespmem:s18+$0xFFFFFE80]  }
0x69: {  	[tilespmem:v5+s12+$0x0] =	vst.idx.msk $0xffff, v1;
	v5 =	vld [tilespmem:s18+$0xFFFFFF00]  }
0x6a: {  	[tilespmem:v6+s12+$0x0] =	vst.idx.msk $0xffff, v1;
	v6 =	vld [tilespmem:s18+$0xFFFFFF80]  }
0x6b: {  	[tilespmem:v7+s12+$0x0] =	vst.idx.msk $0xffff, v1;
	v7 =	vld [tilespmem:s18+$0x0]  }
0x6c: {  	[tilespmem:v8+s12+$0x0] =	vst.idx.msk $0xffff, v1;
	v8 =	vld [tilespmem:s18+$0x80]  }
0x6d: {  	[tilespmem:v9+s12+$0x0] =	vst.idx.msk $0xffff, v1;
	v9 =	vld [tilespmem:s18+$0x100]  }
0x6e: {  	v10 =	vld [tilespmem:s18+$0xFFFFFE00];
	[tilespmem:v3+s12+$0x0] =	vst.idx.msk $0xffff, v1  }
0x6f: {  	[tilespmem:v2+s12+$0x0] =	vst.idx.msk $0xffff, v1;
	v2 =	vld [tilespmem:s19+$0xFFFFFE70]  }
0x70: {  	[tilespmem:v4+s12+$0x0] =	vst.idx.msk $0xffff, v1;
	v3 =	vld [tilespmem:s18+$0x190]  }
0x71: {  	[tilespmem:v5+s12+$0x0] =	vst.idx.msk $0xffff, v1;
	v4 =	vld [tilespmem:s18+$0xFFFFFE90]  }
0x72: {  	[tilespmem:v6+s12+$0x0] =	vst.idx.msk $0xffff, v1;
	v5 =	vld [tilespmem:s18+$0xFFFFFF10]  }
0x73: {  	[tilespmem:v7+s12+$0x0] =	vst.idx.msk $0xffff, v1;
	v6 =	vld [tilespmem:s18+$0xFFFFFF90]  }
0x74: {  	[tilespmem:v8+s12+$0x0] =	vst.idx.msk $0xffff, v1;
	v7 =	vld [tilespmem:s18+$0x10]  }
0x75: {  	[tilespmem:v9+s12+$0x0] =	vst.idx.msk $0xffff, v1;
	v8 =	vld [tilespmem:s18+$0x90]  }
0x76: {  	[tilespmem:v10+s12+$0x0] =	vst.idx.msk $0xffff, v1;
	v9 =	vld [tilespmem:s18+$0x110]  }
0x77: {  	v10 =	vld [tilespmem:s18+$0xFFFFFE10];
	[tilespmem:v2+s12+$0x0] =	vst.idx.msk $0xffff, v1  }
0x78: {  	[tilespmem:v3+s12+$0x0] =	vst.idx.msk $0xffff, v1;
	v2 =	vld [tilespmem:s19+$0xFFFFFEF0]  }
0x79: {  	[tilespmem:v4+s12+$0x0] =	vst.idx.msk $0xffff, v1;
	v3 =	vld [tilespmem:s18+$0x1A0]  }
0x7a: {  	[tilespmem:v5+s12+$0x0] =	vst.idx.msk $0xffff, v1;
	v4 =	vld [tilespmem:s18+$0xFFFFFEA0]  }
0x7b: {  	[tilespmem:v6+s12+$0x0] =	vst.idx.msk $0xffff, v1;
	v5 =	vld [tilespmem:s18+$0xFFFFFF20]  }
0x7c: {  	[tilespmem:v7+s12+$0x0] =	vst.idx.msk $0xffff, v1;
	v6 =	vld [tilespmem:s18+$0xFFFFFFA0]  }
0x7d: {  	[tilespmem:v8+s12+$0x0] =	vst.idx.msk $0xffff, v1;
	v7 =	vld [tilespmem:s18+$0x20]  }
0x7e: {  	[tilespmem:v9+s12+$0x0] =	vst.idx.msk $0xffff, v1;
	v8 =	vld [tilespmem:s18+$0xA0]  }
0x7f: {  	[tilespmem:v10+s12+$0x0] =	vst.idx.msk $0xffff, v1;
	v9 =	vld [tilespmem:s18+$0x120]  }
0x80: {  	v10 =	vld [tilespmem:s18+$0xFFFFFE20];
	[tilespmem:v2+s12+$0x0] =	vst.idx.msk $0xffff, v1  }
0x81: {  	v2 =	vld [tilespmem:s19+$0xFFFFFF70];
	[tilespmem:v3+s12+$0x0] =	vst.idx.msk $0xffff, v1  }
0x82: {  	[tilespmem:v4+s12+$0x0] =	vst.idx.msk $0xffff, v1;
	v3 =	vld [tilespmem:s18+$0x1B0]  }
0x83: {  	[tilespmem:v5+s12+$0x0] =	vst.idx.msk $0xffff, v1;
	v4 =	vld [tilespmem:s18+$0xFFFFFEB0]  }
0x84: {  	[tilespmem:v6+s12+$0x0] =	vst.idx.msk $0xffff, v1;
	v5 =	vld [tilespmem:s18+$0xFFFFFF30]  }
0x85: {  	[tilespmem:v7+s12+$0x0] =	vst.idx.msk $0xffff, v1;
	v6 =	vld [tilespmem:s18+$0xFFFFFFB0]  }
0x86: {  	[tilespmem:v8+s12+$0x0] =	vst.idx.msk $0xffff, v1;
	v7 =	vld [tilespmem:s18+$0x30]  }
0x87: {  	[tilespmem:v9+s12+$0x0] =	vst.idx.msk $0xffff, v1;
	v8 =	vld [tilespmem:s18+$0xB0]  }
0x88: {  	[tilespmem:v10+s12+$0x0] =	vst.idx.msk $0xffff, v1;
	v9 =	vld [tilespmem:s18+$0x130]  }
0x89: {  	v10 =	vld [tilespmem:s18+$0xFFFFFE30];
	[tilespmem:v2+s12+$0x0] =	vst.idx.msk $0xffff, v1  }
0x8a: {  	v2 =	vld [tilespmem:s19+$0xFFFFFFF0];
	[tilespmem:v3+s12+$0x0] =	vst.idx.msk $0xffff, v1  }
0x8b: {  	[tilespmem:v4+s12+$0x0] =	vst.idx.msk $0xffff, v1;
	v3 =	vld [tilespmem:s18+$0x1C0]  }
0x8c: {  	[tilespmem:v5+s12+$0x0] =	vst.idx.msk $0xffff, v1;
	v4 =	vld [tilespmem:s18+$0xFFFFFEC0]  }
0x8d: {  	[tilespmem:v6+s12+$0x0] =	vst.idx.msk $0xffff, v1;
	v5 =	vld [tilespmem:s18+$0xFFFFFF40]  }
0x8e: {  	[tilespmem:v7+s12+$0x0] =	vst.idx.msk $0xffff, v1;
	v6 =	vld [tilespmem:s18+$0xFFFFFFC0]  }
0x8f: {  	[tilespmem:v8+s12+$0x0] =	vst.idx.msk $0xffff, v1;
	v7 =	vld [tilespmem:s18+$0x40]  }
0x90: {  	[tilespmem:v9+s12+$0x0] =	vst.idx.msk $0xffff, v1;
	v8 =	vld [tilespmem:s18+$0xC0]  }
0x91: {  	[tilespmem:v10+s12+$0x0] =	vst.idx.msk $0xffff, v1;
	v9 =	vld [tilespmem:s18+$0x140]  }
0x92: {  	v10 =	vld [tilespmem:s18+$0xFFFFFE40];
	[tilespmem:v2+s12+$0x0] =	vst.idx.msk $0xffff, v1  }
0x93: {  	v2 =	vld [tilespmem:s19+$0x70];
	[tilespmem:v3+s12+$0x0] =	vst.idx.msk $0xffff, v1  }
0x94: {  	[tilespmem:v4+s12+$0x0] =	vst.idx.msk $0xffff, v1;
	v3 =	vld [tilespmem:s18+$0x1D0]  }
0x95: {  	[tilespmem:v5+s12+$0x0] =	vst.idx.msk $0xffff, v1;
	v4 =	vld [tilespmem:s18+$0xFFFFFED0]  }
0x96: {  	[tilespmem:v6+s12+$0x0] =	vst.idx.msk $0xffff, v1;
	v5 =	vld [tilespmem:s18+$0xFFFFFF50]  }
0x97: {  	[tilespmem:v7+s12+$0x0] =	vst.idx.msk $0xffff, v1;
	v6 =	vld [tilespmem:s18+$0xFFFFFFD0]  }
0x98: {  	[tilespmem:v8+s12+$0x0] =	vst.idx.msk $0xffff, v1;
	v7 =	vld [tilespmem:s18+$0x50]  }
0x99: {  	[tilespmem:v9+s12+$0x0] =	vst.idx.msk $0xffff, v1;
	v8 =	vld [tilespmem:s18+$0xD0]  }
0x9a: {  	[tilespmem:v10+s12+$0x0] =	vst.idx.msk $0xffff, v1;
	v9 =	vld [tilespmem:s18+$0x150]  }
0x9b: {  	v10 =	vld [tilespmem:s18+$0xFFFFFE50];
	[tilespmem:v2+s12+$0x0] =	vst.idx.msk $0xffff, v1  }
0x9c: {  	v11 =	vld [tilespmem:s19+$0xF0];
	[tilespmem:v3+s12+$0x0] =	vst.idx.msk $0xffff, v1  }
0x9d: {  	[tilespmem:v4+s12+$0x0] =	vst.idx.msk $0xffff, v1;
	v12 =	vld [tilespmem:s18+$0x1E0]  }
0x9e: {  	[tilespmem:v5+s12+$0x0] =	vst.idx.msk $0xffff, v1;
	v13 =	vld [tilespmem:s18+$0xFFFFFEE0]  }
0x9f: {  	[tilespmem:v6+s12+$0x0] =	vst.idx.msk $0xffff, v1;
	v5 =	vld [tilespmem:s18+$0xFFFFFF60]  }
0xa0: {  	[tilespmem:v7+s12+$0x0] =	vst.idx.msk $0xffff, v1;
	v2 =	vld [tilespmem:s18+$0xFFFFFFE0]  }
0xa1: {  	[tilespmem:v8+s12+$0x0] =	vst.idx.msk $0xffff, v1;
	v3 =	vld [tilespmem:s18+$0x60]  }
0xa2: {  	[tilespmem:v9+s12+$0x0] =	vst.idx.msk $0xffff, v1;
	v4 =	vld [tilespmem:s18+$0xE0]  }
0xa3: {  	[tilespmem:v10+s12+$0x0] =	vst.idx.msk $0xffff, v1;
	v6 =	vld [tilespmem:s18+$0x160]  }
0xa4: {  	[tilespmem:v11+s12+$0x0] =	vst.idx.msk $0xffff, v1;
	v9 =	vld [tilespmem:s18+$0xFFFFFE60]  }
0xa5: {  	v7 =	vld [tilespmem:s19+$0x170];
	[tilespmem:v12+s12+$0x0] =	vst.idx.msk $0xffff, v1  }
0xa6: {  	s20 =	simm.s32 $0xA00;
	s19 =	simm.s32 $0x8;
	[tilespmem:v13+s12+$0x0] =	vst.idx.msk $0xffff, v1;
	v8 =	vld [tilespmem:s18+$0x1F0]  }
.LBB2_4:
0xa7: {  	v10 =	vld [tilespmem:s20+$0x180];
	s19 =	sadd.s32 $0x8, s19;
	[tilespmem:v5+s12+$0x0] =	vst.idx.msk $0xffff, v1  }
0xa8: {  	v5 =	vld [tilespmem:s20+$0xFFFFFE80];
	p0 =	slt.u32 s19, $0xF8;
	[tilespmem:v2+s12+$0x0] =	vst.idx.msk $0xffff, v1  }
0xa9: {  	v2 =	vld [tilespmem:s20+$0xFFFFFF00];
	[tilespmem:v3+s12+$0x0] =	vst.idx.msk $0xffff, v1  }
0xaa: {  	v3 =	vld [tilespmem:s20+$0xFFFFFF80];
	[tilespmem:v4+s12+$0x0] =	vst.idx.msk $0xffff, v1  }
0xab: {  	v4 =	vld [tilespmem:s20+$0x0];
	[tilespmem:v6+s12+$0x0] =	vst.idx.msk $0xffff, v1  }
0xac: {  	v6 =	vld [tilespmem:s20+$0x80];
	[tilespmem:v9+s12+$0x0] =	vst.idx.msk $0xffff, v1  }
0xad: {  	v9 =	vld [tilespmem:s20+$0x100];
	[tilespmem:v7+s12+$0x0] =	vst.idx.msk $0xffff, v1  }
0xae: {  	v7 =	vld [tilespmem:s20+$0xFFFFFE00];
	[tilespmem:v8+s12+$0x0] =	vst.idx.msk $0xffff, v1  }
0xaf: {  	[tilespmem:v10+s12+$0x0] =	vst.idx.msk $0xffff, v1;
	v8 =	vld [tilespmem:s18+$0xFFFFFE70]  }
0xb0: {  	[tilespmem:v5+s12+$0x0] =	vst.idx.msk $0xffff, v1;
	v5 =	vld [tilespmem:s20+$0x190]  }
0xb1: {  	v10 =	vld [tilespmem:s20+$0xFFFFFE90];
	[tilespmem:v2+s12+$0x0] =	vst.idx.msk $0xffff, v1  }
0xb2: {  	v2 =	vld [tilespmem:s20+$0xFFFFFF10];
	[tilespmem:v3+s12+$0x0] =	vst.idx.msk $0xffff, v1  }
0xb3: {  	v3 =	vld [tilespmem:s20+$0xFFFFFF90];
	[tilespmem:v4+s12+$0x0] =	vst.idx.msk $0xffff, v1  }
0xb4: {  	v4 =	vld [tilespmem:s20+$0x10];
	[tilespmem:v6+s12+$0x0] =	vst.idx.msk $0xffff, v1  }
0xb5: {  	v6 =	vld [tilespmem:s20+$0x90];
	[tilespmem:v9+s12+$0x0] =	vst.idx.msk $0xffff, v1  }
0xb6: {  	[tilespmem:v7+s12+$0x0] =	vst.idx.msk $0xffff, v1;
	v7 =	vld [tilespmem:s20+$0x110]  }
0xb7: {  	v9 =	vld [tilespmem:s20+$0xFFFFFE10];
	[tilespmem:v8+s12+$0x0] =	vst.idx.msk $0xffff, v1  }
0xb8: {  	[tilespmem:v5+s12+$0x0] =	vst.idx.msk $0xffff, v1;
	v5 =	vld [tilespmem:s18+$0xFFFFFEF0]  }
0xb9: {  	[tilespmem:v10+s12+$0x0] =	vst.idx.msk $0xffff, v1;
	v8 =	vld [tilespmem:s20+$0x1A0]  }
0xba: {  	v10 =	vld [tilespmem:s20+$0xFFFFFEA0];
	[tilespmem:v2+s12+$0x0] =	vst.idx.msk $0xffff, v1  }
0xbb: {  	v2 =	vld [tilespmem:s20+$0xFFFFFF20];
	[tilespmem:v3+s12+$0x0] =	vst.idx.msk $0xffff, v1  }
0xbc: {  	v3 =	vld [tilespmem:s20+$0xFFFFFFA0];
	[tilespmem:v4+s12+$0x0] =	vst.idx.msk $0xffff, v1  }
0xbd: {  	v4 =	vld [tilespmem:s20+$0x20];
	[tilespmem:v6+s12+$0x0] =	vst.idx.msk $0xffff, v1  }
0xbe: {  	v6 =	vld [tilespmem:s20+$0xA0];
	[tilespmem:v7+s12+$0x0] =	vst.idx.msk $0xffff, v1  }
0xbf: {  	[tilespmem:v9+s12+$0x0] =	vst.idx.msk $0xffff, v1;
	v7 =	vld [tilespmem:s20+$0x120]  }
0xc0: {  	v9 =	vld [tilespmem:s20+$0xFFFFFE20];
	[tilespmem:v5+s12+$0x0] =	vst.idx.msk $0xffff, v1  }
0xc1: {  	[tilespmem:v8+s12+$0x0] =	vst.idx.msk $0xffff, v1;
	v5 =	vld [tilespmem:s18+$0xFFFFFF70]  }
0xc2: {  	[tilespmem:v10+s12+$0x0] =	vst.idx.msk $0xffff, v1;
	v8 =	vld [tilespmem:s20+$0x1B0]  }
0xc3: {  	v10 =	vld [tilespmem:s20+$0xFFFFFEB0];
	[tilespmem:v2+s12+$0x0] =	vst.idx.msk $0xffff, v1  }
0xc4: {  	v2 =	vld [tilespmem:s20+$0xFFFFFF30];
	[tilespmem:v3+s12+$0x0] =	vst.idx.msk $0xffff, v1  }
0xc5: {  	v3 =	vld [tilespmem:s20+$0xFFFFFFB0];
	[tilespmem:v4+s12+$0x0] =	vst.idx.msk $0xffff, v1  }
0xc6: {  	v4 =	vld [tilespmem:s20+$0x30];
	[tilespmem:v6+s12+$0x0] =	vst.idx.msk $0xffff, v1  }
0xc7: {  	v6 =	vld [tilespmem:s20+$0xB0];
	[tilespmem:v7+s12+$0x0] =	vst.idx.msk $0xffff, v1  }
0xc8: {  	[tilespmem:v9+s12+$0x0] =	vst.idx.msk $0xffff, v1;
	v7 =	vld [tilespmem:s20+$0x130]  }
0xc9: {  	v9 =	vld [tilespmem:s20+$0xFFFFFE30];
	[tilespmem:v5+s12+$0x0] =	vst.idx.msk $0xffff, v1  }
0xca: {  	[tilespmem:v8+s12+$0x0] =	vst.idx.msk $0xffff, v1;
	v5 =	vld [tilespmem:s18+$0xFFFFFFF0]  }
0xcb: {  	[tilespmem:v10+s12+$0x0] =	vst.idx.msk $0xffff, v1;
	v8 =	vld [tilespmem:s20+$0x1C0]  }
0xcc: {  	v10 =	vld [tilespmem:s20+$0xFFFFFEC0];
	[tilespmem:v2+s12+$0x0] =	vst.idx.msk $0xffff, v1  }
0xcd: {  	v2 =	vld [tilespmem:s20+$0xFFFFFF40];
	[tilespmem:v3+s12+$0x0] =	vst.idx.msk $0xffff, v1  }
0xce: {  	v3 =	vld [tilespmem:s20+$0xFFFFFFC0];
	[tilespmem:v4+s12+$0x0] =	vst.idx.msk $0xffff, v1  }
0xcf: {  	v4 =	vld [tilespmem:s20+$0x40];
	[tilespmem:v6+s12+$0x0] =	vst.idx.msk $0xffff, v1  }
0xd0: {  	v6 =	vld [tilespmem:s20+$0xC0];
	[tilespmem:v7+s12+$0x0] =	vst.idx.msk $0xffff, v1  }
0xd1: {  	[tilespmem:v9+s12+$0x0] =	vst.idx.msk $0xffff, v1;
	v7 =	vld [tilespmem:s20+$0x140]  }
0xd2: {  	v9 =	vld [tilespmem:s20+$0xFFFFFE40];
	[tilespmem:v5+s12+$0x0] =	vst.idx.msk $0xffff, v1  }
0xd3: {  	[tilespmem:v8+s12+$0x0] =	vst.idx.msk $0xffff, v1;
	v5 =	vld [tilespmem:s18+$0x70]  }
0xd4: {  	[tilespmem:v10+s12+$0x0] =	vst.idx.msk $0xffff, v1;
	v8 =	vld [tilespmem:s20+$0x1D0]  }
0xd5: {  	v10 =	vld [tilespmem:s20+$0xFFFFFED0];
	[tilespmem:v2+s12+$0x0] =	vst.idx.msk $0xffff, v1  }
0xd6: {  	v2 =	vld [tilespmem:s20+$0xFFFFFF50];
	[tilespmem:v3+s12+$0x0] =	vst.idx.msk $0xffff, v1  }
0xd7: {  	v3 =	vld [tilespmem:s20+$0xFFFFFFD0];
	[tilespmem:v4+s12+$0x0] =	vst.idx.msk $0xffff, v1  }
0xd8: {  	v4 =	vld [tilespmem:s20+$0x50];
	[tilespmem:v6+s12+$0x0] =	vst.idx.msk $0xffff, v1  }
0xd9: {  	v6 =	vld [tilespmem:s20+$0xD0];
	[tilespmem:v7+s12+$0x0] =	vst.idx.msk $0xffff, v1  }
0xda: {  	[tilespmem:v9+s12+$0x0] =	vst.idx.msk $0xffff, v1;
	v7 =	vld [tilespmem:s20+$0x150]  }
0xdb: {  	v9 =	vld [tilespmem:s20+$0xFFFFFE50];
	[tilespmem:v5+s12+$0x0] =	vst.idx.msk $0xffff, v1  }
0xdc: {  	[tilespmem:v8+s12+$0x0] =	vst.idx.msk $0xffff, v1;
	v8 =	vld [tilespmem:s18+$0xF0]  }
0xdd: {  	[tilespmem:v10+s12+$0x0] =	vst.idx.msk $0xffff, v1;
	v10 =	vld [tilespmem:s20+$0x1E0]  }
0xde: {  	v11 =	vld [tilespmem:s20+$0xFFFFFEE0];
	[tilespmem:v2+s12+$0x0] =	vst.idx.msk $0xffff, v1  }
0xdf: {  	v5 =	vld [tilespmem:s20+$0xFFFFFF60];
	[tilespmem:v3+s12+$0x0] =	vst.idx.msk $0xffff, v1  }
0xe0: {  	v2 =	vld [tilespmem:s20+$0xFFFFFFE0];
	[tilespmem:v4+s12+$0x0] =	vst.idx.msk $0xffff, v1  }
0xe1: {  	v3 =	vld [tilespmem:s20+$0x60];
	[tilespmem:v6+s12+$0x0] =	vst.idx.msk $0xffff, v1  }
.Ltmp1:
0xe2: {  	v4 =	vld [tilespmem:s20+$0xE0];
	[tilespmem:v7+s12+$0x0] =	vst.idx.msk $0xffff, v1;
	(pc) =	sbr.rel @p0 .LBB2_4-.Ltmp1, $4  }
0xe3: {  	[tilespmem:v9+s12+$0x0] =	vst.idx.msk $0xffff, v1;
	v6 =	vld [tilespmem:s20+$0x160]  }
0xe4: {  	v9 =	vld [tilespmem:s20+$0xFFFFFE60];
	[tilespmem:v8+s12+$0x0] =	vst.idx.msk $0xffff, v1  }
0xe5: {  	[tilespmem:v10+s12+$0x0] =	vst.idx.msk $0xffff, v1;
	v7 =	vld [tilespmem:s18+$0x170];
	s18 =	smov.u32 s20  }
0xe6: {  	s20 =	sadd.s32 $0x400, s20;
	[tilespmem:v11+s12+$0x0] =	vst.idx.msk $0xffff, v1;
	v8 =	vld [tilespmem:s18+$0x1F0]  }
0xe7: {  	_ =	sdelay $0x3  }
0xe8: {  	[tilespmem:v5+s12+$0x0] =	vst.idx.msk $0xffff, v1  }
0xe9: {  	v5 =	vld [tilespmem:s18+$0xFFFFFEF0];
	[tilespmem:v2+s12+$0x0] =	vst.idx.msk $0xffff, v1  }
0xea: {  	[tilespmem:v3+s12+$0x0] =	vst.idx.msk $0xffff, v1;
	v2 =	vld [tilespmem:s18+$0xFFFFFF70]  }
0xeb: {  	[tilespmem:v4+s12+$0x0] =	vst.idx.msk $0xffff, v1;
	v3 =	vld [tilespmem:s18+$0xFFFFFFF0]  }
0xec: {  	v4 =	vld [tilespmem:s18+$0x70];
	[tilespmem:v6+s12+$0x0] =	vst.idx.msk $0xffff, v1  }
0xed: {  	v6 =	vld [tilespmem:s18+$0xF0];
	[tilespmem:v9+s12+$0x0] =	vst.idx.msk $0xffff, v1  }
0xee: {  	v9 =	vld [tilespmem:s18+$0xFFFFFE70]  }
0xef: {  	[tilespmem:v7+s12+$0x0] =	vst.idx.msk $0xffff, v1;
	v7 =	vld [tilespmem:s18+$0x170]  }
0xf0: {  	[tilespmem:v8+s12+$0x0] =	vst.idx.msk $0xffff, v1  }
0xf1: {  	[tilespmem:v5+s12+$0x0] =	vst.idx.msk $0xffff, v1  }
0xf2: {  	[tilespmem:v2+s12+$0x0] =	vst.idx.msk $0xffff, v1  }
0xf3: {  	[tilespmem:v3+s12+$0x0] =	vst.idx.msk $0xffff, v1  }
0xf4: {  	[tilespmem:v4+s12+$0x0] =	vst.idx.msk $0xffff, v1  }
0xf5: {  	[tilespmem:v6+s12+$0x0] =	vst.idx.msk $0xffff, v1  }
0xf6: {  	[tilespmem:v9+s12+$0x0] =	vst.idx.msk $0xffff, v1  }
0xf7: {  	[tilespmem:v7+s12+$0x0] =	vst.idx.msk $0xffff, v1  }
0xf8: {  	_ =	swait.ge [sflag:s13], $0x8000  }
0xf9: {  	[sflag:s13] =	ssyncset.done $0x0  }
0xfa: {  	s19 =	simm.s32 $0x8000;
	[sflag:s13] =	ssyncadd.s32 $0xFFFF8000  }
0xfb: {  	[tilespmem:s2], [sflag:$0x1] =	stream.linear.gather [hbm4b:s5+s2], $0x8000, $0x38;
	[tilespmem:$0x19080] =	vst v63  }
0xfc: {  	v2 =	vld [tilespmem:s19+$0x380]  }
0xfd: {  	v3 =	vld [tilespmem:s19+$0x80];
	_ =	sdelay $0x1  }
0xfe: {  	v4 =	vld [tilespmem:s19+$0x100]  }
0xff: {  	v5 =	vld [tilespmem:s19+$0x180]  }
0x100: {  	v6 =	vld [tilespmem:s19+$0x200]  }
0x101: {  	v7 =	vld [tilespmem:s19+$0x280]  }
0x102: {  	v8 =	vld [tilespmem:s19+$0x300]  }
0x103: {  	v9 =	vld [tilespmem:s19+$0x0];
	[tilespmem:v2+s12+$0x0] =	vst.idx.msk $0xffff, v1  }
0x104: {  	[tilespmem:v3+s12+$0x0] =	vst.idx.msk $0xffff, v1;
	v2 =	vld [tilespmem:s19+$0x390]  }
0x105: {  	v3 =	vld [tilespmem:s19+$0x90]  }
0x106: {  	[tilespmem:v4+s12+$0x0] =	vst.idx.msk $0xffff, v1  }
0x107: {  	[tilespmem:v5+s12+$0x0] =	vst.idx.msk $0xffff, v1;
	v4 =	vld [tilespmem:s19+$0x110]  }
0x108: {  	[tilespmem:v6+s12+$0x0] =	vst.idx.msk $0xffff, v1;
	v5 =	vld [tilespmem:s19+$0x190]  }
0x109: {  	[tilespmem:v7+s12+$0x0] =	vst.idx.msk $0xffff, v1;
	v6 =	vld [tilespmem:s19+$0x210]  }
0x10a: {  	[tilespmem:v8+s12+$0x0] =	vst.idx.msk $0xffff, v1;
	v7 =	vld [tilespmem:s19+$0x290]  }
0x10b: {  	[tilespmem:v9+s12+$0x0] =	vst.idx.msk $0xffff, v1;
	v8 =	vld [tilespmem:s19+$0x310]  }
0x10c: {  	v9 =	vld [tilespmem:s19+$0x10];
	[tilespmem:v2+s12+$0x0] =	vst.idx.msk $0xffff, v1  }
0x10d: {  	[tilespmem:v3+s12+$0x0] =	vst.idx.msk $0xffff, v1;
	v2 =	vld [tilespmem:s19+$0x3A0]  }
0x10e: {  	v3 =	vld [tilespmem:s19+$0xA0]  }
0x10f: {  	[tilespmem:v4+s12+$0x0] =	vst.idx.msk $0xffff, v1  }
0x110: {  	[tilespmem:v5+s12+$0x0] =	vst.idx.msk $0xffff, v1;
	v4 =	vld [tilespmem:s19+$0x120]  }
0x111: {  	[tilespmem:v6+s12+$0x0] =	vst.idx.msk $0xffff, v1;
	v5 =	vld [tilespmem:s19+$0x1A0]  }
0x112: {  	[tilespmem:v7+s12+$0x0] =	vst.idx.msk $0xffff, v1;
	v6 =	vld [tilespmem:s19+$0x220]  }
0x113: {  	[tilespmem:v8+s12+$0x0] =	vst.idx.msk $0xffff, v1;
	v7 =	vld [tilespmem:s19+$0x2A0]  }
0x114: {  	[tilespmem:v9+s12+$0x0] =	vst.idx.msk $0xffff, v1;
	v8 =	vld [tilespmem:s19+$0x320]  }
0x115: {  	v9 =	vld [tilespmem:s19+$0x20];
	[tilespmem:v2+s12+$0x0] =	vst.idx.msk $0xffff, v1  }
0x116: {  	[tilespmem:v3+s12+$0x0] =	vst.idx.msk $0xffff, v1;
	v2 =	vld [tilespmem:s19+$0x3B0]  }
0x117: {  	v3 =	vld [tilespmem:s19+$0xB0]  }
0x118: {  	[tilespmem:v4+s12+$0x0] =	vst.idx.msk $0xffff, v1  }
0x119: {  	[tilespmem:v5+s12+$0x0] =	vst.idx.msk $0xffff, v1;
	v4 =	vld [tilespmem:s19+$0x130]  }
0x11a: {  	[tilespmem:v6+s12+$0x0] =	vst.idx.msk $0xffff, v1;
	v5 =	vld [tilespmem:s19+$0x1B0]  }
0x11b: {  	[tilespmem:v7+s12+$0x0] =	vst.idx.msk $0xffff, v1;
	v6 =	vld [tilespmem:s19+$0x230]  }
0x11c: {  	[tilespmem:v8+s12+$0x0] =	vst.idx.msk $0xffff, v1;
	v7 =	vld [tilespmem:s19+$0x2B0]  }
0x11d: {  	[tilespmem:v9+s12+$0x0] =	vst.idx.msk $0xffff, v1;
	v8 =	vld [tilespmem:s19+$0x330]  }
0x11e: {  	v9 =	vld [tilespmem:s19+$0x30];
	[tilespmem:v2+s12+$0x0] =	vst.idx.msk $0xffff, v1  }
0x11f: {  	[tilespmem:v3+s12+$0x0] =	vst.idx.msk $0xffff, v1;
	v2 =	vld [tilespmem:s19+$0x3C0]  }
0x120: {  	v3 =	vld [tilespmem:s19+$0xC0]  }
0x121: {  	[tilespmem:v4+s12+$0x0] =	vst.idx.msk $0xffff, v1  }
0x122: {  	[tilespmem:v5+s12+$0x0] =	vst.idx.msk $0xffff, v1;
	v4 =	vld [tilespmem:s19+$0x140]  }
0x123: {  	[tilespmem:v6+s12+$0x0] =	vst.idx.msk $0xffff, v1;
	v5 =	vld [tilespmem:s19+$0x1C0]  }
0x124: {  	[tilespmem:v7+s12+$0x0] =	vst.idx.msk $0xffff, v1;
	v6 =	vld [tilespmem:s19+$0x240]  }
0x125: {  	[tilespmem:v8+s12+$0x0] =	vst.idx.msk $0xffff, v1;
	v7 =	vld [tilespmem:s19+$0x2C0]  }
0x126: {  	[tilespmem:v9+s12+$0x0] =	vst.idx.msk $0xffff, v1;
	v8 =	vld [tilespmem:s19+$0x340]  }
0x127: {  	v9 =	vld [tilespmem:s19+$0x40];
	[tilespmem:v2+s12+$0x0] =	vst.idx.msk $0xffff, v1  }
0x128: {  	[tilespmem:v3+s12+$0x0] =	vst.idx.msk $0xffff, v1;
	v2 =	vld [tilespmem:s19+$0x3D0]  }
0x129: {  	v3 =	vld [tilespmem:s19+$0xD0]  }
0x12a: {  	[tilespmem:v4+s12+$0x0] =	vst.idx.msk $0xffff, v1  }
0x12b: {  	[tilespmem:v5+s12+$0x0] =	vst.idx.msk $0xffff, v1;
	v4 =	vld [tilespmem:s19+$0x150]  }
0x12c: {  	[tilespmem:v6+s12+$0x0] =	vst.idx.msk $0xffff, v1;
	v5 =	vld [tilespmem:s19+$0x1D0]  }
0x12d: {  	[tilespmem:v7+s12+$0x0] =	vst.idx.msk $0xffff, v1;
	v6 =	vld [tilespmem:s19+$0x250]  }
0x12e: {  	[tilespmem:v8+s12+$0x0] =	vst.idx.msk $0xffff, v1;
	v7 =	vld [tilespmem:s19+$0x2D0]  }
0x12f: {  	[tilespmem:v9+s12+$0x0] =	vst.idx.msk $0xffff, v1;
	v8 =	vld [tilespmem:s19+$0x350]  }
0x130: {  	v9 =	vld [tilespmem:s19+$0x50];
	[tilespmem:v2+s12+$0x0] =	vst.idx.msk $0xffff, v1  }
0x131: {  	[tilespmem:v3+s12+$0x0] =	vst.idx.msk $0xffff, v1;
	v2 =	vld [tilespmem:s19+$0x3E0]  }
0x132: {  	v3 =	vld [tilespmem:s19+$0xE0]  }
0x133: {  	[tilespmem:v4+s12+$0x0] =	vst.idx.msk $0xffff, v1  }
0x134: {  	[tilespmem:v5+s12+$0x0] =	vst.idx.msk $0xffff, v1;
	v4 =	vld [tilespmem:s19+$0x160]  }
0x135: {  	[tilespmem:v6+s12+$0x0] =	vst.idx.msk $0xffff, v1;
	v5 =	vld [tilespmem:s19+$0x1E0]  }
0x136: {  	[tilespmem:v7+s12+$0x0] =	vst.idx.msk $0xffff, v1;
	v6 =	vld [tilespmem:s19+$0x260]  }
0x137: {  	[tilespmem:v8+s12+$0x0] =	vst.idx.msk $0xffff, v1;
	v7 =	vld [tilespmem:s19+$0x2E0]  }
0x138: {  	[tilespmem:v9+s12+$0x0] =	vst.idx.msk $0xffff, v1;
	v8 =	vld [tilespmem:s19+$0x360]  }
0x139: {  	s18 =	simm.s32 $0x8400;
	v9 =	vld [tilespmem:s19+$0x60];
	[tilespmem:v2+s12+$0x0] =	vst.idx.msk $0xffff, v1  }
0x13a: {  	[tilespmem:v3+s12+$0x0] =	vst.idx.msk $0xffff, v1;
	v3 =	vld [tilespmem:s18+$0x380]  }
0x13b: {  	v2 =	vld [tilespmem:s19+$0x3F0]  }
0x13c: {  	[tilespmem:v4+s12+$0x0] =	vst.idx.msk $0xffff, v1;
	v4 =	vld [tilespmem:s18+$0x80]  }
0x13d: {  	[tilespmem:v5+s12+$0x0] =	vst.idx.msk $0xffff, v1;
	v5 =	vld [tilespmem:s18+$0x100]  }
0x13e: {  	[tilespmem:v6+s12+$0x0] =	vst.idx.msk $0xffff, v1;
	v6 =	vld [tilespmem:s18+$0x180]  }
0x13f: {  	[tilespmem:v7+s12+$0x0] =	vst.idx.msk $0xffff, v1;
	v7 =	vld [tilespmem:s18+$0x200]  }
0x140: {  	[tilespmem:v8+s12+$0x0] =	vst.idx.msk $0xffff, v1;
	v8 =	vld [tilespmem:s18+$0x280]  }
0x141: {  	[tilespmem:v9+s12+$0x0] =	vst.idx.msk $0xffff, v1;
	v9 =	vld [tilespmem:s18+$0x300]  }
0x142: {  	v10 =	vld [tilespmem:s18+$0x0];
	[tilespmem:v3+s12+$0x0] =	vst.idx.msk $0xffff, v1  }
0x143: {  	[tilespmem:v2+s12+$0x0] =	vst.idx.msk $0xffff, v1;
	v2 =	vld [tilespmem:s19+$0x70]  }
0x144: {  	[tilespmem:v4+s12+$0x0] =	vst.idx.msk $0xffff, v1;
	v3 =	vld [tilespmem:s18+$0x390]  }
0x145: {  	[tilespmem:v5+s12+$0x0] =	vst.idx.msk $0xffff, v1;
	v4 =	vld [tilespmem:s18+$0x90]  }
0x146: {  	[tilespmem:v6+s12+$0x0] =	vst.idx.msk $0xffff, v1;
	v5 =	vld [tilespmem:s18+$0x110]  }
0x147: {  	[tilespmem:v7+s12+$0x0] =	vst.idx.msk $0xffff, v1;
	v6 =	vld [tilespmem:s18+$0x190]  }
0x148: {  	[tilespmem:v8+s12+$0x0] =	vst.idx.msk $0xffff, v1;
	v7 =	vld [tilespmem:s18+$0x210]  }
0x149: {  	[tilespmem:v9+s12+$0x0] =	vst.idx.msk $0xffff, v1;
	v8 =	vld [tilespmem:s18+$0x290]  }
0x14a: {  	[tilespmem:v10+s12+$0x0] =	vst.idx.msk $0xffff, v1;
	v9 =	vld [tilespmem:s18+$0x310]  }
0x14b: {  	v10 =	vld [tilespmem:s18+$0x10];
	[tilespmem:v2+s12+$0x0] =	vst.idx.msk $0xffff, v1  }
0x14c: {  	[tilespmem:v3+s12+$0x0] =	vst.idx.msk $0xffff, v1;
	v2 =	vld [tilespmem:s19+$0xF0]  }
0x14d: {  	[tilespmem:v4+s12+$0x0] =	vst.idx.msk $0xffff, v1;
	v3 =	vld [tilespmem:s18+$0x3A0]  }
0x14e: {  	[tilespmem:v5+s12+$0x0] =	vst.idx.msk $0xffff, v1;
	v4 =	vld [tilespmem:s18+$0xA0]  }
0x14f: {  	[tilespmem:v6+s12+$0x0] =	vst.idx.msk $0xffff, v1;
	v5 =	vld [tilespmem:s18+$0x120]  }
0x150: {  	[tilespmem:v7+s12+$0x0] =	vst.idx.msk $0xffff, v1;
	v6 =	vld [tilespmem:s18+$0x1A0]  }
0x151: {  	[tilespmem:v8+s12+$0x0] =	vst.idx.msk $0xffff, v1;
	v7 =	vld [tilespmem:s18+$0x220]  }
0x152: {  	[tilespmem:v9+s12+$0x0] =	vst.idx.msk $0xffff, v1;
	v8 =	vld [tilespmem:s18+$0x2A0]  }
0x153: {  	[tilespmem:v10+s12+$0x0] =	vst.idx.msk $0xffff, v1;
	v9 =	vld [tilespmem:s18+$0x320]  }
0x154: {  	v10 =	vld [tilespmem:s18+$0x20];
	[tilespmem:v2+s12+$0x0] =	vst.idx.msk $0xffff, v1  }
0x155: {  	v2 =	vld [tilespmem:s19+$0x170];
	[tilespmem:v3+s12+$0x0] =	vst.idx.msk $0xffff, v1  }
0x156: {  	[tilespmem:v4+s12+$0x0] =	vst.idx.msk $0xffff, v1;
	v3 =	vld [tilespmem:s18+$0x3B0]  }
0x157: {  	[tilespmem:v5+s12+$0x0] =	vst.idx.msk $0xffff, v1;
	v4 =	vld [tilespmem:s18+$0xB0]  }
0x158: {  	[tilespmem:v6+s12+$0x0] =	vst.idx.msk $0xffff, v1;
	v5 =	vld [tilespmem:s18+$0x130]  }
0x159: {  	[tilespmem:v7+s12+$0x0] =	vst.idx.msk $0xffff, v1;
	v6 =	vld [tilespmem:s18+$0x1B0]  }
0x15a: {  	[tilespmem:v8+s12+$0x0] =	vst.idx.msk $0xffff, v1;
	v7 =	vld [tilespmem:s18+$0x230]  }
0x15b: {  	[tilespmem:v9+s12+$0x0] =	vst.idx.msk $0xffff, v1;
	v8 =	vld [tilespmem:s18+$0x2B0]  }
0x15c: {  	[tilespmem:v10+s12+$0x0] =	vst.idx.msk $0xffff, v1;
	v9 =	vld [tilespmem:s18+$0x330]  }
0x15d: {  	v10 =	vld [tilespmem:s18+$0x30];
	[tilespmem:v2+s12+$0x0] =	vst.idx.msk $0xffff, v1  }
0x15e: {  	v2 =	vld [tilespmem:s19+$0x1F0];
	[tilespmem:v3+s12+$0x0] =	vst.idx.msk $0xffff, v1  }
0x15f: {  	[tilespmem:v4+s12+$0x0] =	vst.idx.msk $0xffff, v1;
	v3 =	vld [tilespmem:s18+$0x3C0]  }
0x160: {  	[tilespmem:v5+s12+$0x0] =	vst.idx.msk $0xffff, v1;
	v4 =	vld [tilespmem:s18+$0xC0]  }
0x161: {  	[tilespmem:v6+s12+$0x0] =	vst.idx.msk $0xffff, v1;
	v5 =	vld [tilespmem:s18+$0x140]  }
0x162: {  	[tilespmem:v7+s12+$0x0] =	vst.idx.msk $0xffff, v1;
	v6 =	vld [tilespmem:s18+$0x1C0]  }
0x163: {  	[tilespmem:v8+s12+$0x0] =	vst.idx.msk $0xffff, v1;
	v7 =	vld [tilespmem:s18+$0x240]  }
0x164: {  	[tilespmem:v9+s12+$0x0] =	vst.idx.msk $0xffff, v1;
	v8 =	vld [tilespmem:s18+$0x2C0]  }
0x165: {  	[tilespmem:v10+s12+$0x0] =	vst.idx.msk $0xffff, v1;
	v9 =	vld [tilespmem:s18+$0x340]  }
0x166: {  	v10 =	vld [tilespmem:s18+$0x40];
	[tilespmem:v2+s12+$0x0] =	vst.idx.msk $0xffff, v1  }
0x167: {  	v2 =	vld [tilespmem:s19+$0x270];
	[tilespmem:v3+s12+$0x0] =	vst.idx.msk $0xffff, v1  }
0x168: {  	[tilespmem:v4+s12+$0x0] =	vst.idx.msk $0xffff, v1;
	v3 =	vld [tilespmem:s18+$0x3D0]  }
0x169: {  	[tilespmem:v5+s12+$0x0] =	vst.idx.msk $0xffff, v1;
	v4 =	vld [tilespmem:s18+$0xD0]  }
0x16a: {  	[tilespmem:v6+s12+$0x0] =	vst.idx.msk $0xffff, v1;
	v5 =	vld [tilespmem:s18+$0x150]  }
0x16b: {  	[tilespmem:v7+s12+$0x0] =	vst.idx.msk $0xffff, v1;
	v6 =	vld [tilespmem:s18+$0x1D0]  }
0x16c: {  	[tilespmem:v8+s12+$0x0] =	vst.idx.msk $0xffff, v1;
	v7 =	vld [tilespmem:s18+$0x250]  }
0x16d: {  	[tilespmem:v9+s12+$0x0] =	vst.idx.msk $0xffff, v1;
	v8 =	vld [tilespmem:s18+$0x2D0]  }
0x16e: {  	[tilespmem:v10+s12+$0x0] =	vst.idx.msk $0xffff, v1;
	v9 =	vld [tilespmem:s18+$0x350]  }
0x16f: {  	v10 =	vld [tilespmem:s18+$0x50];
	[tilespmem:v2+s12+$0x0] =	vst.idx.msk $0xffff, v1  }
0x170: {  	v11 =	vld [tilespmem:s19+$0x2F0];
	[tilespmem:v3+s12+$0x0] =	vst.idx.msk $0xffff, v1  }
0x171: {  	[tilespmem:v4+s12+$0x0] =	vst.idx.msk $0xffff, v1;
	v12 =	vld [tilespmem:s18+$0x3E0]  }
0x172: {  	[tilespmem:v5+s12+$0x0] =	vst.idx.msk $0xffff, v1;
	v13 =	vld [tilespmem:s18+$0xE0]  }
0x173: {  	[tilespmem:v6+s12+$0x0] =	vst.idx.msk $0xffff, v1;
	v5 =	vld [tilespmem:s18+$0x160]  }
0x174: {  	[tilespmem:v7+s12+$0x0] =	vst.idx.msk $0xffff, v1;
	v2 =	vld [tilespmem:s18+$0x1E0]  }
0x175: {  	[tilespmem:v8+s12+$0x0] =	vst.idx.msk $0xffff, v1;
	v3 =	vld [tilespmem:s18+$0x260]  }
0x176: {  	[tilespmem:v9+s12+$0x0] =	vst.idx.msk $0xffff, v1;
	v4 =	vld [tilespmem:s18+$0x2E0]  }
0x177: {  	[tilespmem:v10+s12+$0x0] =	vst.idx.msk $0xffff, v1;
	v6 =	vld [tilespmem:s18+$0x360]  }
0x178: {  	[tilespmem:v11+s12+$0x0] =	vst.idx.msk $0xffff, v1;
	v9 =	vld [tilespmem:s18+$0x60]  }
0x179: {  	v7 =	vld [tilespmem:s19+$0x370];
	[tilespmem:v12+s12+$0x0] =	vst.idx.msk $0xffff, v1  }
0x17a: {  	s20 =	simm.s32 $0x8800;
	s19 =	simm.s32 $0x8;
	[tilespmem:v13+s12+$0x0] =	vst.idx.msk $0xffff, v1;
	v8 =	vld [tilespmem:s18+$0x3F0]  }
.LBB2_6:
0x17b: {  	v10 =	vld [tilespmem:s20+$0x380];
	s19 =	sadd.s32 $0x8, s19;
	[tilespmem:v5+s12+$0x0] =	vst.idx.msk $0xffff, v1  }
0x17c: {  	v5 =	vld [tilespmem:s20+$0x80];
	p0 =	slt.u32 s19, $0xF8;
	[tilespmem:v2+s12+$0x0] =	vst.idx.msk $0xffff, v1  }
0x17d: {  	v2 =	vld [tilespmem:s20+$0x100];
	[tilespmem:v3+s12+$0x0] =	vst.idx.msk $0xffff, v1  }
0x17e: {  	v3 =	vld [tilespmem:s20+$0x180];
	[tilespmem:v4+s12+$0x0] =	vst.idx.msk $0xffff, v1  }
0x17f: {  	v4 =	vld [tilespmem:s20+$0x200];
	[tilespmem:v6+s12+$0x0] =	vst.idx.msk $0xffff, v1  }
0x180: {  	v6 =	vld [tilespmem:s20+$0x280];
	[tilespmem:v9+s12+$0x0] =	vst.idx.msk $0xffff, v1  }
0x181: {  	v9 =	vld [tilespmem:s20+$0x300];
	[tilespmem:v7+s12+$0x0] =	vst.idx.msk $0xffff, v1  }
0x182: {  	v7 =	vld [tilespmem:s20+$0x0];
	[tilespmem:v8+s12+$0x0] =	vst.idx.msk $0xffff, v1  }
0x183: {  	[tilespmem:v10+s12+$0x0] =	vst.idx.msk $0xffff, v1;
	v8 =	vld [tilespmem:s18+$0x70]  }
0x184: {  	[tilespmem:v5+s12+$0x0] =	vst.idx.msk $0xffff, v1;
	v5 =	vld [tilespmem:s20+$0x390]  }
0x185: {  	v10 =	vld [tilespmem:s20+$0x90];
	[tilespmem:v2+s12+$0x0] =	vst.idx.msk $0xffff, v1  }
0x186: {  	v2 =	vld [tilespmem:s20+$0x110];
	[tilespmem:v3+s12+$0x0] =	vst.idx.msk $0xffff, v1  }
0x187: {  	v3 =	vld [tilespmem:s20+$0x190];
	[tilespmem:v4+s12+$0x0] =	vst.idx.msk $0xffff, v1  }
0x188: {  	v4 =	vld [tilespmem:s20+$0x210];
	[tilespmem:v6+s12+$0x0] =	vst.idx.msk $0xffff, v1  }
0x189: {  	v6 =	vld [tilespmem:s20+$0x290];
	[tilespmem:v9+s12+$0x0] =	vst.idx.msk $0xffff, v1  }
0x18a: {  	[tilespmem:v7+s12+$0x0] =	vst.idx.msk $0xffff, v1;
	v7 =	vld [tilespmem:s20+$0x310]  }
0x18b: {  	v9 =	vld [tilespmem:s20+$0x10];
	[tilespmem:v8+s12+$0x0] =	vst.idx.msk $0xffff, v1  }
0x18c: {  	[tilespmem:v5+s12+$0x0] =	vst.idx.msk $0xffff, v1;
	v5 =	vld [tilespmem:s18+$0xF0]  }
0x18d: {  	[tilespmem:v10+s12+$0x0] =	vst.idx.msk $0xffff, v1;
	v8 =	vld [tilespmem:s20+$0x3A0]  }
0x18e: {  	v10 =	vld [tilespmem:s20+$0xA0];
	[tilespmem:v2+s12+$0x0] =	vst.idx.msk $0xffff, v1  }
0x18f: {  	v2 =	vld [tilespmem:s20+$0x120];
	[tilespmem:v3+s12+$0x0] =	vst.idx.msk $0xffff, v1  }
0x190: {  	v3 =	vld [tilespmem:s20+$0x1A0];
	[tilespmem:v4+s12+$0x0] =	vst.idx.msk $0xffff, v1  }
0x191: {  	v4 =	vld [tilespmem:s20+$0x220];
	[tilespmem:v6+s12+$0x0] =	vst.idx.msk $0xffff, v1  }
0x192: {  	v6 =	vld [tilespmem:s20+$0x2A0];
	[tilespmem:v7+s12+$0x0] =	vst.idx.msk $0xffff, v1  }
0x193: {  	[tilespmem:v9+s12+$0x0] =	vst.idx.msk $0xffff, v1;
	v7 =	vld [tilespmem:s20+$0x320]  }
0x194: {  	v9 =	vld [tilespmem:s20+$0x20];
	[tilespmem:v5+s12+$0x0] =	vst.idx.msk $0xffff, v1  }
0x195: {  	[tilespmem:v8+s12+$0x0] =	vst.idx.msk $0xffff, v1;
	v5 =	vld [tilespmem:s18+$0x170]  }
0x196: {  	[tilespmem:v10+s12+$0x0] =	vst.idx.msk $0xffff, v1;
	v8 =	vld [tilespmem:s20+$0x3B0]  }
0x197: {  	v10 =	vld [tilespmem:s20+$0xB0];
	[tilespmem:v2+s12+$0x0] =	vst.idx.msk $0xffff, v1  }
0x198: {  	v2 =	vld [tilespmem:s20+$0x130];
	[tilespmem:v3+s12+$0x0] =	vst.idx.msk $0xffff, v1  }
0x199: {  	v3 =	vld [tilespmem:s20+$0x1B0];
	[tilespmem:v4+s12+$0x0] =	vst.idx.msk $0xffff, v1  }
0x19a: {  	v4 =	vld [tilespmem:s20+$0x230];
	[tilespmem:v6+s12+$0x0] =	vst.idx.msk $0xffff, v1  }
0x19b: {  	v6 =	vld [tilespmem:s20+$0x2B0];
	[tilespmem:v7+s12+$0x0] =	vst.idx.msk $0xffff, v1  }
0x19c: {  	[tilespmem:v9+s12+$0x0] =	vst.idx.msk $0xffff, v1;
	v7 =	vld [tilespmem:s20+$0x330]  }
0x19d: {  	v9 =	vld [tilespmem:s20+$0x30];
	[tilespmem:v5+s12+$0x0] =	vst.idx.msk $0xffff, v1  }
0x19e: {  	[tilespmem:v8+s12+$0x0] =	vst.idx.msk $0xffff, v1;
	v5 =	vld [tilespmem:s18+$0x1F0]  }
0x19f: {  	[tilespmem:v10+s12+$0x0] =	vst.idx.msk $0xffff, v1;
	v8 =	vld [tilespmem:s20+$0x3C0]  }
0x1a0: {  	v10 =	vld [tilespmem:s20+$0xC0];
	[tilespmem:v2+s12+$0x0] =	vst.idx.msk $0xffff, v1  }
0x1a1: {  	v2 =	vld [tilespmem:s20+$0x140];
	[tilespmem:v3+s12+$0x0] =	vst.idx.msk $0xffff, v1  }
0x1a2: {  	v3 =	vld [tilespmem:s20+$0x1C0];
	[tilespmem:v4+s12+$0x0] =	vst.idx.msk $0xffff, v1  }
0x1a3: {  	v4 =	vld [tilespmem:s20+$0x240];
	[tilespmem:v6+s12+$0x0] =	vst.idx.msk $0xffff, v1  }
0x1a4: {  	v6 =	vld [tilespmem:s20+$0x2C0];
	[tilespmem:v7+s12+$0x0] =	vst.idx.msk $0xffff, v1  }
0x1a5: {  	[tilespmem:v9+s12+$0x0] =	vst.idx.msk $0xffff, v1;
	v7 =	vld [tilespmem:s20+$0x340]  }
0x1a6: {  	v9 =	vld [tilespmem:s20+$0x40];
	[tilespmem:v5+s12+$0x0] =	vst.idx.msk $0xffff, v1  }
0x1a7: {  	[tilespmem:v8+s12+$0x0] =	vst.idx.msk $0xffff, v1;
	v5 =	vld [tilespmem:s18+$0x270]  }
0x1a8: {  	[tilespmem:v10+s12+$0x0] =	vst.idx.msk $0xffff, v1;
	v8 =	vld [tilespmem:s20+$0x3D0]  }
0x1a9: {  	v10 =	vld [tilespmem:s20+$0xD0];
	[tilespmem:v2+s12+$0x0] =	vst.idx.msk $0xffff, v1  }
0x1aa: {  	v2 =	vld [tilespmem:s20+$0x150];
	[tilespmem:v3+s12+$0x0] =	vst.idx.msk $0xffff, v1  }
0x1ab: {  	v3 =	vld [tilespmem:s20+$0x1D0];
	[tilespmem:v4+s12+$0x0] =	vst.idx.msk $0xffff, v1  }
0x1ac: {  	v4 =	vld [tilespmem:s20+$0x250];
	[tilespmem:v6+s12+$0x0] =	vst.idx.msk $0xffff, v1  }
0x1ad: {  	v6 =	vld [tilespmem:s20+$0x2D0];
	[tilespmem:v7+s12+$0x0] =	vst.idx.msk $0xffff, v1  }
0x1ae: {  	[tilespmem:v9+s12+$0x0] =	vst.idx.msk $0xffff, v1;
	v7 =	vld [tilespmem:s20+$0x350]  }
0x1af: {  	v9 =	vld [tilespmem:s20+$0x50];
	[tilespmem:v5+s12+$0x0] =	vst.idx.msk $0xffff, v1  }
0x1b0: {  	[tilespmem:v8+s12+$0x0] =	vst.idx.msk $0xffff, v1;
	v8 =	vld [tilespmem:s18+$0x2F0]  }
0x1b1: {  	[tilespmem:v10+s12+$0x0] =	vst.idx.msk $0xffff, v1;
	v10 =	vld [tilespmem:s20+$0x3E0]  }
0x1b2: {  	v11 =	vld [tilespmem:s20+$0xE0];
	[tilespmem:v2+s12+$0x0] =	vst.idx.msk $0xffff, v1  }
0x1b3: {  	v5 =	vld [tilespmem:s20+$0x160];
	[tilespmem:v3+s12+$0x0] =	vst.idx.msk $0xffff, v1  }
0x1b4: {  	v2 =	vld [tilespmem:s20+$0x1E0];
	[tilespmem:v4+s12+$0x0] =	vst.idx.msk $0xffff, v1  }
0x1b5: {  	v3 =	vld [tilespmem:s20+$0x260];
	[tilespmem:v6+s12+$0x0] =	vst.idx.msk $0xffff, v1  }
.Ltmp2:
0x1b6: {  	v4 =	vld [tilespmem:s20+$0x2E0];
	[tilespmem:v7+s12+$0x0] =	vst.idx.msk $0xffff, v1;
	(pc) =	sbr.rel @p0 .LBB2_6-.Ltmp2, $4  }
0x1b7: {  	[tilespmem:v9+s12+$0x0] =	vst.idx.msk $0xffff, v1;
	v6 =	vld [tilespmem:s20+$0x360]  }
0x1b8: {  	v9 =	vld [tilespmem:s20+$0x60];
	[tilespmem:v8+s12+$0x0] =	vst.idx.msk $0xffff, v1  }
0x1b9: {  	[tilespmem:v10+s12+$0x0] =	vst.idx.msk $0xffff, v1;
	v7 =	vld [tilespmem:s18+$0x370];
	s18 =	smov.u32 s20  }
0x1ba: {  	s20 =	sadd.s32 $0x400, s20;
	[tilespmem:v11+s12+$0x0] =	vst.idx.msk $0xffff, v1;
	v8 =	vld [tilespmem:s18+$0x3F0]  }
0x1bb: {  	_ =	sdelay $0x3  }
0x1bc: {  	[tilespmem:v5+s12+$0x0] =	vst.idx.msk $0xffff, v1;
	v60 =	vld [tilespmem:s18+$0xF0]  }
0x1bd: {  	[tilespmem:v2+s12+$0x0] =	vst.idx.msk $0xffff, v1;
	v2 =	vld [tilespmem:s18+$0x170]  }
0x1be: {  	[tilespmem:v3+s12+$0x0] =	vst.idx.msk $0xffff, v1;
	v3 =	vld [tilespmem:s18+$0x1F0]  }
0x1bf: {  	[tilespmem:v4+s12+$0x0] =	vst.idx.msk $0xffff, v1;
	v61 =	vld [tilespmem:s18+$0x270]  }
0x1c0: {  	[tilespmem:v6+s12+$0x0] =	vst.idx.msk $0xffff, v1;
	v62 =	vld [tilespmem:s18+$0x2F0]  }
0x1c1: {  	[tilespmem:v9+s12+$0x0] =	vst.idx.msk $0xffff, v1;
	v63 =	vld [tilespmem:s18+$0x370]  }
0x1c2: {  	v9 =	vld [tilespmem:s18+$0x70];
	[tilespmem:v7+s12+$0x0] =	vst.idx.msk $0xffff, v1  }
0x1c3: {  	[tilespmem:v8+s12+$0x0] =	vst.idx.msk $0xffff, v1  }
0x1c4: {  	[tilespmem:v60+s12+$0x0] =	vst.idx.msk $0xffff, v1  }
0x1c5: {  	[tilespmem:v2+s12+$0x0] =	vst.idx.msk $0xffff, v1  }
0x1c6: {  	[tilespmem:v3+s12+$0x0] =	vst.idx.msk $0xffff, v1  }
0x1c7: {  	[tilespmem:v61+s12+$0x0] =	vst.idx.msk $0xffff, v1  }
0x1c8: {  	[tilespmem:v62+s12+$0x0] =	vst.idx.msk $0xffff, v1  }
0x1c9: {  	[tilespmem:v63+s12+$0x0] =	vst.idx.msk $0xffff, v1  }
0x1ca: {  	[tilespmem:v9+s12+$0x0] =	vst.idx.msk $0xffff, v1  }
0x1cb: {  	[hbm4b:s6+s14] =	stream.strided.scatter [tilespmem:s12], [sflag:$0x3], $0x9000, s15, s14, $0x38;
	[tilespmem:$0x19080] =	vst v63  }
0x1cc: {  	_ =	swait.ge [sflag:s16], $0x9000  }
0x1cd: {  	[sflag:s16] =	ssyncset.done $0x0  }
0x1ce: {  	s18 =	simm.s32 $0x10040;
	[sflag:s16] =	ssyncadd.s32 $0xFFFF7000  }
0x1cf: {  	[tilespmem:s18+$0xFFFFFFC0] =	vst v0  }
0x1d0: {  	[tilespmem:s18+$0x30] =	vst v0  }
0x1d1: {  	[tilespmem:s18+$0x20] =	vst v0  }
0x1d2: {  	[tilespmem:s18+$0x10] =	vst v0  }
0x1d3: {  	[tilespmem:s18+$0x0] =	vst v0  }
0x1d4: {  	[tilespmem:s18+$0xFFFFFFF0] =	vst v0  }
0x1d5: {  	s19 =	simm.s32 $0x0;
	[tilespmem:s18+$0xFFFFFFE0] =	vst v0  }
.LBB2_8:
0x1d6: {  	s19 =	sadd.s32 $0x8, s19;
	[tilespmem:s18+$0xFFFFFFD0] =	vst v0;
	s18 =	sadd.s32 $0x80, s18  }
0x1d7: {  	[tilespmem:s18+$0xFFFFFFC0] =	vst v0;
	p0 =	slt.u32 s19, $0x8F8  }
0x1d8: {  	[tilespmem:s18+$0x30] =	vst v0  }
.Ltmp3:
0x1d9: {  	[tilespmem:s18+$0x20] =	vst v0;
	(pc) =	sbr.rel @p0 .LBB2_8-.Ltmp3, $4  }
0x1da: {  	[tilespmem:s18+$0x10] =	vst v0  }
0x1db: {  	[tilespmem:s18+$0x0] =	vst v0  }
0x1dc: {  	[tilespmem:s18+$0xFFFFFFF0] =	vst v0  }
0x1dd: {  	[tilespmem:s18+$0xFFFFFFE0] =	vst v0  }
0x1de: {  	[tilespmem:s18+$0xFFFFFFD0] =	vst v0  }
0x1df: {  	[tilespmem:$0x19000] =	vst v0  }
0x1e0: {  	_ =	swait.ge [sflag:s10], $0x8000  }
0x1e1: {  	[sflag:s10] =	ssyncset.done $0x0  }
0x1e2: {  	s19 =	simm.s32 $0x200;
	[sflag:s10] =	ssyncadd.s32 $0xFFFF8000  }
0x1e3: {  	[tilespmem:s11], [sflag:$0x2] =	stream.linear.gather [hbm4b:s7+s2], $0x8000, $0x38;
	[tilespmem:$0x19080] =	vst v63  }
0x1e4: {  	v2 =	vld [tilespmem:s19+$0x180]  }
0x1e5: {  	v3 =	vld [tilespmem:s19+$0xFFFFFE80];
	_ =	sdelay $0x1  }
0x1e6: {  	v4 =	vld [tilespmem:s19+$0xFFFFFF00]  }
0x1e7: {  	v5 =	vld [tilespmem:s19+$0xFFFFFF80]  }
0x1e8: {  	v6 =	vld [tilespmem:s19+$0x0]  }
0x1e9: {  	v7 =	vld [tilespmem:s19+$0x80]  }
0x1ea: {  	v8 =	vld [tilespmem:s19+$0x100]  }
0x1eb: {  	v9 =	vld [tilespmem:s19+$0xFFFFFE00];
	[tilespmem:v2+s12+$0x0] =	vst.idx.msk $0xffff, v1  }
0x1ec: {  	[tilespmem:v3+s12+$0x0] =	vst.idx.msk $0xffff, v1;
	v2 =	vld [tilespmem:s19+$0x190]  }
0x1ed: {  	v3 =	vld [tilespmem:s19+$0xFFFFFE90]  }
0x1ee: {  	[tilespmem:v4+s12+$0x0] =	vst.idx.msk $0xffff, v1  }
0x1ef: {  	[tilespmem:v5+s12+$0x0] =	vst.idx.msk $0xffff, v1;
	v4 =	vld [tilespmem:s19+$0xFFFFFF10]  }
0x1f0: {  	[tilespmem:v6+s12+$0x0] =	vst.idx.msk $0xffff, v1;
	v5 =	vld [tilespmem:s19+$0xFFFFFF90]  }
0x1f1: {  	[tilespmem:v7+s12+$0x0] =	vst.idx.msk $0xffff, v1;
	v6 =	vld [tilespmem:s19+$0x10]  }
0x1f2: {  	[tilespmem:v8+s12+$0x0] =	vst.idx.msk $0xffff, v1;
	v7 =	vld [tilespmem:s19+$0x90]  }
0x1f3: {  	[tilespmem:v9+s12+$0x0] =	vst.idx.msk $0xffff, v1;
	v8 =	vld [tilespmem:s19+$0x110]  }
0x1f4: {  	v9 =	vld [tilespmem:s19+$0xFFFFFE10];
	[tilespmem:v2+s12+$0x0] =	vst.idx.msk $0xffff, v1  }
0x1f5: {  	[tilespmem:v3+s12+$0x0] =	vst.idx.msk $0xffff, v1;
	v2 =	vld [tilespmem:s19+$0x1A0]  }
0x1f6: {  	v3 =	vld [tilespmem:s19+$0xFFFFFEA0]  }
0x1f7: {  	[tilespmem:v4+s12+$0x0] =	vst.idx.msk $0xffff, v1  }
0x1f8: {  	[tilespmem:v5+s12+$0x0] =	vst.idx.msk $0xffff, v1;
	v4 =	vld [tilespmem:s19+$0xFFFFFF20]  }
0x1f9: {  	[tilespmem:v6+s12+$0x0] =	vst.idx.msk $0xffff, v1;
	v5 =	vld [tilespmem:s19+$0xFFFFFFA0]  }
0x1fa: {  	[tilespmem:v7+s12+$0x0] =	vst.idx.msk $0xffff, v1;
	v6 =	vld [tilespmem:s19+$0x20]  }
0x1fb: {  	[tilespmem:v8+s12+$0x0] =	vst.idx.msk $0xffff, v1;
	v7 =	vld [tilespmem:s19+$0xA0]  }
0x1fc: {  	[tilespmem:v9+s12+$0x0] =	vst.idx.msk $0xffff, v1;
	v8 =	vld [tilespmem:s19+$0x120]  }
0x1fd: {  	v9 =	vld [tilespmem:s19+$0xFFFFFE20];
	[tilespmem:v2+s12+$0x0] =	vst.idx.msk $0xffff, v1  }
0x1fe: {  	[tilespmem:v3+s12+$0x0] =	vst.idx.msk $0xffff, v1;
	v2 =	vld [tilespmem:s19+$0x1B0]  }
0x1ff: {  	v3 =	vld [tilespmem:s19+$0xFFFFFEB0]  }
0x200: {  	[tilespmem:v4+s12+$0x0] =	vst.idx.msk $0xffff, v1  }
0x201: {  	[tilespmem:v5+s12+$0x0] =	vst.idx.msk $0xffff, v1;
	v4 =	vld [tilespmem:s19+$0xFFFFFF30]  }
0x202: {  	[tilespmem:v6+s12+$0x0] =	vst.idx.msk $0xffff, v1;
	v5 =	vld [tilespmem:s19+$0xFFFFFFB0]  }
0x203: {  	[tilespmem:v7+s12+$0x0] =	vst.idx.msk $0xffff, v1;
	v6 =	vld [tilespmem:s19+$0x30]  }
0x204: {  	[tilespmem:v8+s12+$0x0] =	vst.idx.msk $0xffff, v1;
	v7 =	vld [tilespmem:s19+$0xB0]  }
0x205: {  	[tilespmem:v9+s12+$0x0] =	vst.idx.msk $0xffff, v1;
	v8 =	vld [tilespmem:s19+$0x130]  }
0x206: {  	v9 =	vld [tilespmem:s19+$0xFFFFFE30];
	[tilespmem:v2+s12+$0x0] =	vst.idx.msk $0xffff, v1  }
0x207: {  	[tilespmem:v3+s12+$0x0] =	vst.idx.msk $0xffff, v1;
	v2 =	vld [tilespmem:s19+$0x1C0]  }
0x208: {  	v3 =	vld [tilespmem:s19+$0xFFFFFEC0]  }
0x209: {  	[tilespmem:v4+s12+$0x0] =	vst.idx.msk $0xffff, v1  }
0x20a: {  	[tilespmem:v5+s12+$0x0] =	vst.idx.msk $0xffff, v1;
	v4 =	vld [tilespmem:s19+$0xFFFFFF40]  }
0x20b: {  	[tilespmem:v6+s12+$0x0] =	vst.idx.msk $0xffff, v1;
	v5 =	vld [tilespmem:s19+$0xFFFFFFC0]  }
0x20c: {  	[tilespmem:v7+s12+$0x0] =	vst.idx.msk $0xffff, v1;
	v6 =	vld [tilespmem:s19+$0x40]  }
0x20d: {  	[tilespmem:v8+s12+$0x0] =	vst.idx.msk $0xffff, v1;
	v7 =	vld [tilespmem:s19+$0xC0]  }
0x20e: {  	[tilespmem:v9+s12+$0x0] =	vst.idx.msk $0xffff, v1;
	v8 =	vld [tilespmem:s19+$0x140]  }
0x20f: {  	v9 =	vld [tilespmem:s19+$0xFFFFFE40];
	[tilespmem:v2+s12+$0x0] =	vst.idx.msk $0xffff, v1  }
0x210: {  	[tilespmem:v3+s12+$0x0] =	vst.idx.msk $0xffff, v1;
	v2 =	vld [tilespmem:s19+$0x1D0]  }
0x211: {  	v3 =	vld [tilespmem:s19+$0xFFFFFED0]  }
0x212: {  	[tilespmem:v4+s12+$0x0] =	vst.idx.msk $0xffff, v1  }
0x213: {  	[tilespmem:v5+s12+$0x0] =	vst.idx.msk $0xffff, v1;
	v4 =	vld [tilespmem:s19+$0xFFFFFF50]  }
0x214: {  	[tilespmem:v6+s12+$0x0] =	vst.idx.msk $0xffff, v1;
	v5 =	vld [tilespmem:s19+$0xFFFFFFD0]  }
0x215: {  	[tilespmem:v7+s12+$0x0] =	vst.idx.msk $0xffff, v1;
	v6 =	vld [tilespmem:s19+$0x50]  }
0x216: {  	[tilespmem:v8+s12+$0x0] =	vst.idx.msk $0xffff, v1;
	v7 =	vld [tilespmem:s19+$0xD0]  }
0x217: {  	[tilespmem:v9+s12+$0x0] =	vst.idx.msk $0xffff, v1;
	v8 =	vld [tilespmem:s19+$0x150]  }
0x218: {  	v9 =	vld [tilespmem:s19+$0xFFFFFE50];
	[tilespmem:v2+s12+$0x0] =	vst.idx.msk $0xffff, v1  }
0x219: {  	[tilespmem:v3+s12+$0x0] =	vst.idx.msk $0xffff, v1;
	v2 =	vld [tilespmem:s19+$0x1E0]  }
0x21a: {  	v3 =	vld [tilespmem:s19+$0xFFFFFEE0]  }
0x21b: {  	[tilespmem:v4+s12+$0x0] =	vst.idx.msk $0xffff, v1  }
0x21c: {  	[tilespmem:v5+s12+$0x0] =	vst.idx.msk $0xffff, v1;
	v4 =	vld [tilespmem:s19+$0xFFFFFF60]  }
0x21d: {  	[tilespmem:v6+s12+$0x0] =	vst.idx.msk $0xffff, v1;
	v5 =	vld [tilespmem:s19+$0xFFFFFFE0]  }
0x21e: {  	[tilespmem:v7+s12+$0x0] =	vst.idx.msk $0xffff, v1;
	v6 =	vld [tilespmem:s19+$0x60]  }
0x21f: {  	[tilespmem:v8+s12+$0x0] =	vst.idx.msk $0xffff, v1;
	v7 =	vld [tilespmem:s19+$0xE0]  }
0x220: {  	[tilespmem:v9+s12+$0x0] =	vst.idx.msk $0xffff, v1;
	v8 =	vld [tilespmem:s19+$0x160]  }
0x221: {  	s18 =	simm.s32 $0x600;
	v9 =	vld [tilespmem:s19+$0xFFFFFE60];
	[tilespmem:v2+s12+$0x0] =	vst.idx.msk $0xffff, v1  }
0x222: {  	[tilespmem:v3+s12+$0x0] =	vst.idx.msk $0xffff, v1;
	v3 =	vld [tilespmem:s18+$0x180]  }
0x223: {  	v2 =	vld [tilespmem:s19+$0x1F0]  }
0x224: {  	[tilespmem:v4+s12+$0x0] =	vst.idx.msk $0xffff, v1;
	v4 =	vld [tilespmem:s18+$0xFFFFFE80]  }
0x225: {  	[tilespmem:v5+s12+$0x0] =	vst.idx.msk $0xffff, v1;
	v5 =	vld [tilespmem:s18+$0xFFFFFF00]  }
0x226: {  	[tilespmem:v6+s12+$0x0] =	vst.idx.msk $0xffff, v1;
	v6 =	vld [tilespmem:s18+$0xFFFFFF80]  }
0x227: {  	[tilespmem:v7+s12+$0x0] =	vst.idx.msk $0xffff, v1;
	v7 =	vld [tilespmem:s18+$0x0]  }
0x228: {  	[tilespmem:v8+s12+$0x0] =	vst.idx.msk $0xffff, v1;
	v8 =	vld [tilespmem:s18+$0x80]  }
0x229: {  	[tilespmem:v9+s12+$0x0] =	vst.idx.msk $0xffff, v1;
	v9 =	vld [tilespmem:s18+$0x100]  }
0x22a: {  	v10 =	vld [tilespmem:s18+$0xFFFFFE00];
	[tilespmem:v3+s12+$0x0] =	vst.idx.msk $0xffff, v1  }
0x22b: {  	[tilespmem:v2+s12+$0x0] =	vst.idx.msk $0xffff, v1;
	v2 =	vld [tilespmem:s19+$0xFFFFFE70]  }
0x22c: {  	[tilespmem:v4+s12+$0x0] =	vst.idx.msk $0xffff, v1;
	v3 =	vld [tilespmem:s18+$0x190]  }
0x22d: {  	[tilespmem:v5+s12+$0x0] =	vst.idx.msk $0xffff, v1;
	v4 =	vld [tilespmem:s18+$0xFFFFFE90]  }
0x22e: {  	[tilespmem:v6+s12+$0x0] =	vst.idx.msk $0xffff, v1;
	v5 =	vld [tilespmem:s18+$0xFFFFFF10]  }
0x22f: {  	[tilespmem:v7+s12+$0x0] =	vst.idx.msk $0xffff, v1;
	v6 =	vld [tilespmem:s18+$0xFFFFFF90]  }
0x230: {  	[tilespmem:v8+s12+$0x0] =	vst.idx.msk $0xffff, v1;
	v7 =	vld [tilespmem:s18+$0x10]  }
0x231: {  	[tilespmem:v9+s12+$0x0] =	vst.idx.msk $0xffff, v1;
	v8 =	vld [tilespmem:s18+$0x90]  }
0x232: {  	[tilespmem:v10+s12+$0x0] =	vst.idx.msk $0xffff, v1;
	v9 =	vld [tilespmem:s18+$0x110]  }
0x233: {  	v10 =	vld [tilespmem:s18+$0xFFFFFE10];
	[tilespmem:v2+s12+$0x0] =	vst.idx.msk $0xffff, v1  }
0x234: {  	[tilespmem:v3+s12+$0x0] =	vst.idx.msk $0xffff, v1;
	v2 =	vld [tilespmem:s19+$0xFFFFFEF0]  }
0x235: {  	[tilespmem:v4+s12+$0x0] =	vst.idx.msk $0xffff, v1;
	v3 =	vld [tilespmem:s18+$0x1A0]  }
0x236: {  	[tilespmem:v5+s12+$0x0] =	vst.idx.msk $0xffff, v1;
	v4 =	vld [tilespmem:s18+$0xFFFFFEA0]  }
0x237: {  	[tilespmem:v6+s12+$0x0] =	vst.idx.msk $0xffff, v1;
	v5 =	vld [tilespmem:s18+$0xFFFFFF20]  }
0x238: {  	[tilespmem:v7+s12+$0x0] =	vst.idx.msk $0xffff, v1;
	v6 =	vld [tilespmem:s18+$0xFFFFFFA0]  }
0x239: {  	[tilespmem:v8+s12+$0x0] =	vst.idx.msk $0xffff, v1;
	v7 =	vld [tilespmem:s18+$0x20]  }
0x23a: {  	[tilespmem:v9+s12+$0x0] =	vst.idx.msk $0xffff, v1;
	v8 =	vld [tilespmem:s18+$0xA0]  }
0x23b: {  	[tilespmem:v10+s12+$0x0] =	vst.idx.msk $0xffff, v1;
	v9 =	vld [tilespmem:s18+$0x120]  }
0x23c: {  	v10 =	vld [tilespmem:s18+$0xFFFFFE20];
	[tilespmem:v2+s12+$0x0] =	vst.idx.msk $0xffff, v1  }
0x23d: {  	v2 =	vld [tilespmem:s19+$0xFFFFFF70];
	[tilespmem:v3+s12+$0x0] =	vst.idx.msk $0xffff, v1  }
0x23e: {  	[tilespmem:v4+s12+$0x0] =	vst.idx.msk $0xffff, v1;
	v3 =	vld [tilespmem:s18+$0x1B0]  }
0x23f: {  	[tilespmem:v5+s12+$0x0] =	vst.idx.msk $0xffff, v1;
	v4 =	vld [tilespmem:s18+$0xFFFFFEB0]  }
0x240: {  	[tilespmem:v6+s12+$0x0] =	vst.idx.msk $0xffff, v1;
	v5 =	vld [tilespmem:s18+$0xFFFFFF30]  }
0x241: {  	[tilespmem:v7+s12+$0x0] =	vst.idx.msk $0xffff, v1;
	v6 =	vld [tilespmem:s18+$0xFFFFFFB0]  }
0x242: {  	[tilespmem:v8+s12+$0x0] =	vst.idx.msk $0xffff, v1;
	v7 =	vld [tilespmem:s18+$0x30]  }
0x243: {  	[tilespmem:v9+s12+$0x0] =	vst.idx.msk $0xffff, v1;
	v8 =	vld [tilespmem:s18+$0xB0]  }
0x244: {  	[tilespmem:v10+s12+$0x0] =	vst.idx.msk $0xffff, v1;
	v9 =	vld [tilespmem:s18+$0x130]  }
0x245: {  	v10 =	vld [tilespmem:s18+$0xFFFFFE30];
	[tilespmem:v2+s12+$0x0] =	vst.idx.msk $0xffff, v1  }
0x246: {  	v2 =	vld [tilespmem:s19+$0xFFFFFFF0];
	[tilespmem:v3+s12+$0x0] =	vst.idx.msk $0xffff, v1  }
0x247: {  	[tilespmem:v4+s12+$0x0] =	vst.idx.msk $0xffff, v1;
	v3 =	vld [tilespmem:s18+$0x1C0]  }
0x248: {  	[tilespmem:v5+s12+$0x0] =	vst.idx.msk $0xffff, v1;
	v4 =	vld [tilespmem:s18+$0xFFFFFEC0]  }
0x249: {  	[tilespmem:v6+s12+$0x0] =	vst.idx.msk $0xffff, v1;
	v5 =	vld [tilespmem:s18+$0xFFFFFF40]  }
0x24a: {  	[tilespmem:v7+s12+$0x0] =	vst.idx.msk $0xffff, v1;
	v6 =	vld [tilespmem:s18+$0xFFFFFFC0]  }
0x24b: {  	[tilespmem:v8+s12+$0x0] =	vst.idx.msk $0xffff, v1;
	v7 =	vld [tilespmem:s18+$0x40]  }
0x24c: {  	[tilespmem:v9+s12+$0x0] =	vst.idx.msk $0xffff, v1;
	v8 =	vld [tilespmem:s18+$0xC0]  }
0x24d: {  	[tilespmem:v10+s12+$0x0] =	vst.idx.msk $0xffff, v1;
	v9 =	vld [tilespmem:s18+$0x140]  }
0x24e: {  	v10 =	vld [tilespmem:s18+$0xFFFFFE40];
	[tilespmem:v2+s12+$0x0] =	vst.idx.msk $0xffff, v1  }
0x24f: {  	v2 =	vld [tilespmem:s19+$0x70];
	[tilespmem:v3+s12+$0x0] =	vst.idx.msk $0xffff, v1  }
0x250: {  	[tilespmem:v4+s12+$0x0] =	vst.idx.msk $0xffff, v1;
	v3 =	vld [tilespmem:s18+$0x1D0]  }
0x251: {  	[tilespmem:v5+s12+$0x0] =	vst.idx.msk $0xffff, v1;
	v4 =	vld [tilespmem:s18+$0xFFFFFED0]  }
0x252: {  	[tilespmem:v6+s12+$0x0] =	vst.idx.msk $0xffff, v1;
	v5 =	vld [tilespmem:s18+$0xFFFFFF50]  }
0x253: {  	[tilespmem:v7+s12+$0x0] =	vst.idx.msk $0xffff, v1;
	v6 =	vld [tilespmem:s18+$0xFFFFFFD0]  }
0x254: {  	[tilespmem:v8+s12+$0x0] =	vst.idx.msk $0xffff, v1;
	v7 =	vld [tilespmem:s18+$0x50]  }
0x255: {  	[tilespmem:v9+s12+$0x0] =	vst.idx.msk $0xffff, v1;
	v8 =	vld [tilespmem:s18+$0xD0]  }
0x256: {  	[tilespmem:v10+s12+$0x0] =	vst.idx.msk $0xffff, v1;
	v9 =	vld [tilespmem:s18+$0x150]  }
0x257: {  	v10 =	vld [tilespmem:s18+$0xFFFFFE50];
	[tilespmem:v2+s12+$0x0] =	vst.idx.msk $0xffff, v1  }
0x258: {  	v11 =	vld [tilespmem:s19+$0xF0];
	[tilespmem:v3+s12+$0x0] =	vst.idx.msk $0xffff, v1  }
0x259: {  	[tilespmem:v4+s12+$0x0] =	vst.idx.msk $0xffff, v1;
	v12 =	vld [tilespmem:s18+$0x1E0]  }
0x25a: {  	[tilespmem:v5+s12+$0x0] =	vst.idx.msk $0xffff, v1;
	v13 =	vld [tilespmem:s18+$0xFFFFFEE0]  }
0x25b: {  	[tilespmem:v6+s12+$0x0] =	vst.idx.msk $0xffff, v1;
	v5 =	vld [tilespmem:s18+$0xFFFFFF60]  }
0x25c: {  	[tilespmem:v7+s12+$0x0] =	vst.idx.msk $0xffff, v1;
	v2 =	vld [tilespmem:s18+$0xFFFFFFE0]  }
0x25d: {  	[tilespmem:v8+s12+$0x0] =	vst.idx.msk $0xffff, v1;
	v3 =	vld [tilespmem:s18+$0x60]  }
0x25e: {  	[tilespmem:v9+s12+$0x0] =	vst.idx.msk $0xffff, v1;
	v4 =	vld [tilespmem:s18+$0xE0]  }
0x25f: {  	[tilespmem:v10+s12+$0x0] =	vst.idx.msk $0xffff, v1;
	v6 =	vld [tilespmem:s18+$0x160]  }
0x260: {  	[tilespmem:v11+s12+$0x0] =	vst.idx.msk $0xffff, v1;
	v9 =	vld [tilespmem:s18+$0xFFFFFE60]  }
0x261: {  	v7 =	vld [tilespmem:s19+$0x170];
	[tilespmem:v12+s12+$0x0] =	vst.idx.msk $0xffff, v1  }
0x262: {  	s20 =	simm.s32 $0xA00;
	s19 =	simm.s32 $0x8;
	[tilespmem:v13+s12+$0x0] =	vst.idx.msk $0xffff, v1;
	v8 =	vld [tilespmem:s18+$0x1F0]  }
.LBB2_10:
0x263: {  	v10 =	vld [tilespmem:s20+$0x180];
	s19 =	sadd.s32 $0x8, s19;
	[tilespmem:v5+s12+$0x0] =	vst.idx.msk $0xffff, v1  }
0x264: {  	v5 =	vld [tilespmem:s20+$0xFFFFFE80];
	p0 =	slt.u32 s19, $0xF8;
	[tilespmem:v2+s12+$0x0] =	vst.idx.msk $0xffff, v1  }
0x265: {  	v2 =	vld [tilespmem:s20+$0xFFFFFF00];
	[tilespmem:v3+s12+$0x0] =	vst.idx.msk $0xffff, v1  }
0x266: {  	v3 =	vld [tilespmem:s20+$0xFFFFFF80];
	[tilespmem:v4+s12+$0x0] =	vst.idx.msk $0xffff, v1  }
0x267: {  	v4 =	vld [tilespmem:s20+$0x0];
	[tilespmem:v6+s12+$0x0] =	vst.idx.msk $0xffff, v1  }
0x268: {  	v6 =	vld [tilespmem:s20+$0x80];
	[tilespmem:v9+s12+$0x0] =	vst.idx.msk $0xffff, v1  }
0x269: {  	v9 =	vld [tilespmem:s20+$0x100];
	[tilespmem:v7+s12+$0x0] =	vst.idx.msk $0xffff, v1  }
0x26a: {  	v7 =	vld [tilespmem:s20+$0xFFFFFE00];
	[tilespmem:v8+s12+$0x0] =	vst.idx.msk $0xffff, v1  }
0x26b: {  	[tilespmem:v10+s12+$0x0] =	vst.idx.msk $0xffff, v1;
	v8 =	vld [tilespmem:s18+$0xFFFFFE70]  }
0x26c: {  	[tilespmem:v5+s12+$0x0] =	vst.idx.msk $0xffff, v1;
	v5 =	vld [tilespmem:s20+$0x190]  }
0x26d: {  	v10 =	vld [tilespmem:s20+$0xFFFFFE90];
	[tilespmem:v2+s12+$0x0] =	vst.idx.msk $0xffff, v1  }
0x26e: {  	v2 =	vld [tilespmem:s20+$0xFFFFFF10];
	[tilespmem:v3+s12+$0x0] =	vst.idx.msk $0xffff, v1  }
0x26f: {  	v3 =	vld [tilespmem:s20+$0xFFFFFF90];
	[tilespmem:v4+s12+$0x0] =	vst.idx.msk $0xffff, v1  }
0x270: {  	v4 =	vld [tilespmem:s20+$0x10];
	[tilespmem:v6+s12+$0x0] =	vst.idx.msk $0xffff, v1  }
0x271: {  	v6 =	vld [tilespmem:s20+$0x90];
	[tilespmem:v9+s12+$0x0] =	vst.idx.msk $0xffff, v1  }
0x272: {  	[tilespmem:v7+s12+$0x0] =	vst.idx.msk $0xffff, v1;
	v7 =	vld [tilespmem:s20+$0x110]  }
0x273: {  	v9 =	vld [tilespmem:s20+$0xFFFFFE10];
	[tilespmem:v8+s12+$0x0] =	vst.idx.msk $0xffff, v1  }
0x274: {  	[tilespmem:v5+s12+$0x0] =	vst.idx.msk $0xffff, v1;
	v5 =	vld [tilespmem:s18+$0xFFFFFEF0]  }
0x275: {  	[tilespmem:v10+s12+$0x0] =	vst.idx.msk $0xffff, v1;
	v8 =	vld [tilespmem:s20+$0x1A0]  }
0x276: {  	v10 =	vld [tilespmem:s20+$0xFFFFFEA0];
	[tilespmem:v2+s12+$0x0] =	vst.idx.msk $0xffff, v1  }
0x277: {  	v2 =	vld [tilespmem:s20+$0xFFFFFF20];
	[tilespmem:v3+s12+$0x0] =	vst.idx.msk $0xffff, v1  }
0x278: {  	v3 =	vld [tilespmem:s20+$0xFFFFFFA0];
	[tilespmem:v4+s12+$0x0] =	vst.idx.msk $0xffff, v1  }
0x279: {  	v4 =	vld [tilespmem:s20+$0x20];
	[tilespmem:v6+s12+$0x0] =	vst.idx.msk $0xffff, v1  }
0x27a: {  	v6 =	vld [tilespmem:s20+$0xA0];
	[tilespmem:v7+s12+$0x0] =	vst.idx.msk $0xffff, v1  }
0x27b: {  	[tilespmem:v9+s12+$0x0] =	vst.idx.msk $0xffff, v1;
	v7 =	vld [tilespmem:s20+$0x120]  }
0x27c: {  	v9 =	vld [tilespmem:s20+$0xFFFFFE20];
	[tilespmem:v5+s12+$0x0] =	vst.idx.msk $0xffff, v1  }
0x27d: {  	[tilespmem:v8+s12+$0x0] =	vst.idx.msk $0xffff, v1;
	v5 =	vld [tilespmem:s18+$0xFFFFFF70]  }
0x27e: {  	[tilespmem:v10+s12+$0x0] =	vst.idx.msk $0xffff, v1;
	v8 =	vld [tilespmem:s20+$0x1B0]  }
0x27f: {  	v10 =	vld [tilespmem:s20+$0xFFFFFEB0];
	[tilespmem:v2+s12+$0x0] =	vst.idx.msk $0xffff, v1  }
0x280: {  	v2 =	vld [tilespmem:s20+$0xFFFFFF30];
	[tilespmem:v3+s12+$0x0] =	vst.idx.msk $0xffff, v1  }
0x281: {  	v3 =	vld [tilespmem:s20+$0xFFFFFFB0];
	[tilespmem:v4+s12+$0x0] =	vst.idx.msk $0xffff, v1  }
0x282: {  	v4 =	vld [tilespmem:s20+$0x30];
	[tilespmem:v6+s12+$0x0] =	vst.idx.msk $0xffff, v1  }
0x283: {  	v6 =	vld [tilespmem:s20+$0xB0];
	[tilespmem:v7+s12+$0x0] =	vst.idx.msk $0xffff, v1  }
0x284: {  	[tilespmem:v9+s12+$0x0] =	vst.idx.msk $0xffff, v1;
	v7 =	vld [tilespmem:s20+$0x130]  }
0x285: {  	v9 =	vld [tilespmem:s20+$0xFFFFFE30];
	[tilespmem:v5+s12+$0x0] =	vst.idx.msk $0xffff, v1  }
0x286: {  	[tilespmem:v8+s12+$0x0] =	vst.idx.msk $0xffff, v1;
	v5 =	vld [tilespmem:s18+$0xFFFFFFF0]  }
0x287: {  	[tilespmem:v10+s12+$0x0] =	vst.idx.msk $0xffff, v1;
	v8 =	vld [tilespmem:s20+$0x1C0]  }
0x288: {  	v10 =	vld [tilespmem:s20+$0xFFFFFEC0];
	[tilespmem:v2+s12+$0x0] =	vst.idx.msk $0xffff, v1  }
0x289: {  	v2 =	vld [tilespmem:s20+$0xFFFFFF40];
	[tilespmem:v3+s12+$0x0] =	vst.idx.msk $0xffff, v1  }
0x28a: {  	v3 =	vld [tilespmem:s20+$0xFFFFFFC0];
	[tilespmem:v4+s12+$0x0] =	vst.idx.msk $0xffff, v1  }
0x28b: {  	v4 =	vld [tilespmem:s20+$0x40];
	[tilespmem:v6+s12+$0x0] =	vst.idx.msk $0xffff, v1  }
0x28c: {  	v6 =	vld [tilespmem:s20+$0xC0];
	[tilespmem:v7+s12+$0x0] =	vst.idx.msk $0xffff, v1  }
0x28d: {  	[tilespmem:v9+s12+$0x0] =	vst.idx.msk $0xffff, v1;
	v7 =	vld [tilespmem:s20+$0x140]  }
0x28e: {  	v9 =	vld [tilespmem:s20+$0xFFFFFE40];
	[tilespmem:v5+s12+$0x0] =	vst.idx.msk $0xffff, v1  }
0x28f: {  	[tilespmem:v8+s12+$0x0] =	vst.idx.msk $0xffff, v1;
	v5 =	vld [tilespmem:s18+$0x70]  }
0x290: {  	[tilespmem:v10+s12+$0x0] =	vst.idx.msk $0xffff, v1;
	v8 =	vld [tilespmem:s20+$0x1D0]  }
0x291: {  	v10 =	vld [tilespmem:s20+$0xFFFFFED0];
	[tilespmem:v2+s12+$0x0] =	vst.idx.msk $0xffff, v1  }
0x292: {  	v2 =	vld [tilespmem:s20+$0xFFFFFF50];
	[tilespmem:v3+s12+$0x0] =	vst.idx.msk $0xffff, v1  }
0x293: {  	v3 =	vld [tilespmem:s20+$0xFFFFFFD0];
	[tilespmem:v4+s12+$0x0] =	vst.idx.msk $0xffff, v1  }
0x294: {  	v4 =	vld [tilespmem:s20+$0x50];
	[tilespmem:v6+s12+$0x0] =	vst.idx.msk $0xffff, v1  }
0x295: {  	v6 =	vld [tilespmem:s20+$0xD0];
	[tilespmem:v7+s12+$0x0] =	vst.idx.msk $0xffff, v1  }
0x296: {  	[tilespmem:v9+s12+$0x0] =	vst.idx.msk $0xffff, v1;
	v7 =	vld [tilespmem:s20+$0x150]  }
0x297: {  	v9 =	vld [tilespmem:s20+$0xFFFFFE50];
	[tilespmem:v5+s12+$0x0] =	vst.idx.msk $0xffff, v1  }
0x298: {  	[tilespmem:v8+s12+$0x0] =	vst.idx.msk $0xffff, v1;
	v8 =	vld [tilespmem:s18+$0xF0]  }
0x299: {  	[tilespmem:v10+s12+$0x0] =	vst.idx.msk $0xffff, v1;
	v10 =	vld [tilespmem:s20+$0x1E0]  }
0x29a: {  	v11 =	vld [tilespmem:s20+$0xFFFFFEE0];
	[tilespmem:v2+s12+$0x0] =	vst.idx.msk $0xffff, v1  }
0x29b: {  	v5 =	vld [tilespmem:s20+$0xFFFFFF60];
	[tilespmem:v3+s12+$0x0] =	vst.idx.msk $0xffff, v1  }
0x29c: {  	v2 =	vld [tilespmem:s20+$0xFFFFFFE0];
	[tilespmem:v4+s12+$0x0] =	vst.idx.msk $0xffff, v1  }
0x29d: {  	v3 =	vld [tilespmem:s20+$0x60];
	[tilespmem:v6+s12+$0x0] =	vst.idx.msk $0xffff, v1  }
.Ltmp4:
0x29e: {  	v4 =	vld [tilespmem:s20+$0xE0];
	[tilespmem:v7+s12+$0x0] =	vst.idx.msk $0xffff, v1;
	(pc) =	sbr.rel @p0 .LBB2_10-.Ltmp4, $4  }
0x29f: {  	[tilespmem:v9+s12+$0x0] =	vst.idx.msk $0xffff, v1;
	v6 =	vld [tilespmem:s20+$0x160]  }
0x2a0: {  	v9 =	vld [tilespmem:s20+$0xFFFFFE60];
	[tilespmem:v8+s12+$0x0] =	vst.idx.msk $0xffff, v1  }
0x2a1: {  	[tilespmem:v10+s12+$0x0] =	vst.idx.msk $0xffff, v1;
	v7 =	vld [tilespmem:s18+$0x170];
	s18 =	smov.u32 s20  }
0x2a2: {  	s20 =	sadd.s32 $0x400, s20;
	[tilespmem:v11+s12+$0x0] =	vst.idx.msk $0xffff, v1;
	v8 =	vld [tilespmem:s18+$0x1F0]  }
0x2a3: {  	_ =	sdelay $0x3  }
0x2a4: {  	[tilespmem:v5+s12+$0x0] =	vst.idx.msk $0xffff, v1  }
0x2a5: {  	v5 =	vld [tilespmem:s18+$0xFFFFFEF0];
	[tilespmem:v2+s12+$0x0] =	vst.idx.msk $0xffff, v1  }
0x2a6: {  	[tilespmem:v3+s12+$0x0] =	vst.idx.msk $0xffff, v1;
	v2 =	vld [tilespmem:s18+$0xFFFFFF70]  }
0x2a7: {  	[tilespmem:v4+s12+$0x0] =	vst.idx.msk $0xffff, v1;
	v3 =	vld [tilespmem:s18+$0xFFFFFFF0]  }
0x2a8: {  	v4 =	vld [tilespmem:s18+$0x70];
	[tilespmem:v6+s12+$0x0] =	vst.idx.msk $0xffff, v1  }
0x2a9: {  	v6 =	vld [tilespmem:s18+$0xF0];
	[tilespmem:v9+s12+$0x0] =	vst.idx.msk $0xffff, v1  }
0x2aa: {  	v9 =	vld [tilespmem:s18+$0xFFFFFE70]  }
0x2ab: {  	[tilespmem:v7+s12+$0x0] =	vst.idx.msk $0xffff, v1;
	v7 =	vld [tilespmem:s18+$0x170]  }
0x2ac: {  	[tilespmem:v8+s12+$0x0] =	vst.idx.msk $0xffff, v1  }
0x2ad: {  	[tilespmem:v5+s12+$0x0] =	vst.idx.msk $0xffff, v1  }
0x2ae: {  	[tilespmem:v2+s12+$0x0] =	vst.idx.msk $0xffff, v1  }
0x2af: {  	[tilespmem:v3+s12+$0x0] =	vst.idx.msk $0xffff, v1  }
0x2b0: {  	[tilespmem:v4+s12+$0x0] =	vst.idx.msk $0xffff, v1  }
0x2b1: {  	[tilespmem:v6+s12+$0x0] =	vst.idx.msk $0xffff, v1  }
0x2b2: {  	[tilespmem:v9+s12+$0x0] =	vst.idx.msk $0xffff, v1  }
0x2b3: {  	[tilespmem:v7+s12+$0x0] =	vst.idx.msk $0xffff, v1  }
0x2b4: {  	_ =	swait.ge [sflag:s13], $0x8000  }
0x2b5: {  	[sflag:s13] =	ssyncset.done $0x0  }
0x2b6: {  	s19 =	simm.s32 $0x8000;
	[sflag:s13] =	ssyncadd.s32 $0xFFFF8000  }
0x2b7: {  	v2 =	vld [tilespmem:s19+$0x380]  }
0x2b8: {  	v3 =	vld [tilespmem:s19+$0x80];
	_ =	sdelay $0x1  }
0x2b9: {  	v4 =	vld [tilespmem:s19+$0x100]  }
0x2ba: {  	v5 =	vld [tilespmem:s19+$0x180]  }
0x2bb: {  	v6 =	vld [tilespmem:s19+$0x200]  }
0x2bc: {  	v7 =	vld [tilespmem:s19+$0x280]  }
0x2bd: {  	v8 =	vld [tilespmem:s19+$0x300]  }
0x2be: {  	v9 =	vld [tilespmem:s19+$0x0];
	[tilespmem:v2+s12+$0x0] =	vst.idx.msk $0xffff, v1  }
0x2bf: {  	[tilespmem:v3+s12+$0x0] =	vst.idx.msk $0xffff, v1;
	v2 =	vld [tilespmem:s19+$0x390]  }
0x2c0: {  	v3 =	vld [tilespmem:s19+$0x90]  }
0x2c1: {  	[tilespmem:v4+s12+$0x0] =	vst.idx.msk $0xffff, v1  }
0x2c2: {  	[tilespmem:v5+s12+$0x0] =	vst.idx.msk $0xffff, v1;
	v4 =	vld [tilespmem:s19+$0x110]  }
0x2c3: {  	[tilespmem:v6+s12+$0x0] =	vst.idx.msk $0xffff, v1;
	v5 =	vld [tilespmem:s19+$0x190]  }
0x2c4: {  	[tilespmem:v7+s12+$0x0] =	vst.idx.msk $0xffff, v1;
	v6 =	vld [tilespmem:s19+$0x210]  }
0x2c5: {  	[tilespmem:v8+s12+$0x0] =	vst.idx.msk $0xffff, v1;
	v7 =	vld [tilespmem:s19+$0x290]  }
0x2c6: {  	[tilespmem:v9+s12+$0x0] =	vst.idx.msk $0xffff, v1;
	v8 =	vld [tilespmem:s19+$0x310]  }
0x2c7: {  	v9 =	vld [tilespmem:s19+$0x10];
	[tilespmem:v2+s12+$0x0] =	vst.idx.msk $0xffff, v1  }
0x2c8: {  	[tilespmem:v3+s12+$0x0] =	vst.idx.msk $0xffff, v1;
	v2 =	vld [tilespmem:s19+$0x3A0]  }
0x2c9: {  	v3 =	vld [tilespmem:s19+$0xA0]  }
0x2ca: {  	[tilespmem:v4+s12+$0x0] =	vst.idx.msk $0xffff, v1  }
0x2cb: {  	[tilespmem:v5+s12+$0x0] =	vst.idx.msk $0xffff, v1;
	v4 =	vld [tilespmem:s19+$0x120]  }
0x2cc: {  	[tilespmem:v6+s12+$0x0] =	vst.idx.msk $0xffff, v1;
	v5 =	vld [tilespmem:s19+$0x1A0]  }
0x2cd: {  	[tilespmem:v7+s12+$0x0] =	vst.idx.msk $0xffff, v1;
	v6 =	vld [tilespmem:s19+$0x220]  }
0x2ce: {  	[tilespmem:v8+s12+$0x0] =	vst.idx.msk $0xffff, v1;
	v7 =	vld [tilespmem:s19+$0x2A0]  }
0x2cf: {  	[tilespmem:v9+s12+$0x0] =	vst.idx.msk $0xffff, v1;
	v8 =	vld [tilespmem:s19+$0x320]  }
0x2d0: {  	v9 =	vld [tilespmem:s19+$0x20];
	[tilespmem:v2+s12+$0x0] =	vst.idx.msk $0xffff, v1  }
0x2d1: {  	[tilespmem:v3+s12+$0x0] =	vst.idx.msk $0xffff, v1;
	v2 =	vld [tilespmem:s19+$0x3B0]  }
0x2d2: {  	v3 =	vld [tilespmem:s19+$0xB0]  }
0x2d3: {  	[tilespmem:v4+s12+$0x0] =	vst.idx.msk $0xffff, v1  }
0x2d4: {  	[tilespmem:v5+s12+$0x0] =	vst.idx.msk $0xffff, v1;
	v4 =	vld [tilespmem:s19+$0x130]  }
0x2d5: {  	[tilespmem:v6+s12+$0x0] =	vst.idx.msk $0xffff, v1;
	v5 =	vld [tilespmem:s19+$0x1B0]  }
0x2d6: {  	[tilespmem:v7+s12+$0x0] =	vst.idx.msk $0xffff, v1;
	v6 =	vld [tilespmem:s19+$0x230]  }
0x2d7: {  	[tilespmem:v8+s12+$0x0] =	vst.idx.msk $0xffff, v1;
	v7 =	vld [tilespmem:s19+$0x2B0]  }
0x2d8: {  	[tilespmem:v9+s12+$0x0] =	vst.idx.msk $0xffff, v1;
	v8 =	vld [tilespmem:s19+$0x330]  }
0x2d9: {  	v9 =	vld [tilespmem:s19+$0x30];
	[tilespmem:v2+s12+$0x0] =	vst.idx.msk $0xffff, v1  }
0x2da: {  	[tilespmem:v3+s12+$0x0] =	vst.idx.msk $0xffff, v1;
	v2 =	vld [tilespmem:s19+$0x3C0]  }
0x2db: {  	v3 =	vld [tilespmem:s19+$0xC0]  }
0x2dc: {  	[tilespmem:v4+s12+$0x0] =	vst.idx.msk $0xffff, v1  }
0x2dd: {  	[tilespmem:v5+s12+$0x0] =	vst.idx.msk $0xffff, v1;
	v4 =	vld [tilespmem:s19+$0x140]  }
0x2de: {  	[tilespmem:v6+s12+$0x0] =	vst.idx.msk $0xffff, v1;
	v5 =	vld [tilespmem:s19+$0x1C0]  }
0x2df: {  	[tilespmem:v7+s12+$0x0] =	vst.idx.msk $0xffff, v1;
	v6 =	vld [tilespmem:s19+$0x240]  }
0x2e0: {  	[tilespmem:v8+s12+$0x0] =	vst.idx.msk $0xffff, v1;
	v7 =	vld [tilespmem:s19+$0x2C0]  }
0x2e1: {  	[tilespmem:v9+s12+$0x0] =	vst.idx.msk $0xffff, v1;
	v8 =	vld [tilespmem:s19+$0x340]  }
0x2e2: {  	v9 =	vld [tilespmem:s19+$0x40];
	[tilespmem:v2+s12+$0x0] =	vst.idx.msk $0xffff, v1  }
0x2e3: {  	[tilespmem:v3+s12+$0x0] =	vst.idx.msk $0xffff, v1;
	v2 =	vld [tilespmem:s19+$0x3D0]  }
0x2e4: {  	v3 =	vld [tilespmem:s19+$0xD0]  }
0x2e5: {  	[tilespmem:v4+s12+$0x0] =	vst.idx.msk $0xffff, v1  }
0x2e6: {  	[tilespmem:v5+s12+$0x0] =	vst.idx.msk $0xffff, v1;
	v4 =	vld [tilespmem:s19+$0x150]  }
0x2e7: {  	[tilespmem:v6+s12+$0x0] =	vst.idx.msk $0xffff, v1;
	v5 =	vld [tilespmem:s19+$0x1D0]  }
0x2e8: {  	[tilespmem:v7+s12+$0x0] =	vst.idx.msk $0xffff, v1;
	v6 =	vld [tilespmem:s19+$0x250]  }
0x2e9: {  	[tilespmem:v8+s12+$0x0] =	vst.idx.msk $0xffff, v1;
	v7 =	vld [tilespmem:s19+$0x2D0]  }
0x2ea: {  	[tilespmem:v9+s12+$0x0] =	vst.idx.msk $0xffff, v1;
	v8 =	vld [tilespmem:s19+$0x350]  }
0x2eb: {  	v9 =	vld [tilespmem:s19+$0x50];
	[tilespmem:v2+s12+$0x0] =	vst.idx.msk $0xffff, v1  }
0x2ec: {  	[tilespmem:v3+s12+$0x0] =	vst.idx.msk $0xffff, v1;
	v2 =	vld [tilespmem:s19+$0x3E0]  }
0x2ed: {  	v3 =	vld [tilespmem:s19+$0xE0]  }
0x2ee: {  	[tilespmem:v4+s12+$0x0] =	vst.idx.msk $0xffff, v1  }
0x2ef: {  	[tilespmem:v5+s12+$0x0] =	vst.idx.msk $0xffff, v1;
	v4 =	vld [tilespmem:s19+$0x160]  }
0x2f0: {  	[tilespmem:v6+s12+$0x0] =	vst.idx.msk $0xffff, v1;
	v5 =	vld [tilespmem:s19+$0x1E0]  }
0x2f1: {  	[tilespmem:v7+s12+$0x0] =	vst.idx.msk $0xffff, v1;
	v6 =	vld [tilespmem:s19+$0x260]  }
0x2f2: {  	[tilespmem:v8+s12+$0x0] =	vst.idx.msk $0xffff, v1;
	v7 =	vld [tilespmem:s19+$0x2E0]  }
0x2f3: {  	[tilespmem:v9+s12+$0x0] =	vst.idx.msk $0xffff, v1;
	v8 =	vld [tilespmem:s19+$0x360]  }
0x2f4: {  	s18 =	simm.s32 $0x8400;
	v9 =	vld [tilespmem:s19+$0x60];
	[tilespmem:v2+s12+$0x0] =	vst.idx.msk $0xffff, v1  }
0x2f5: {  	[tilespmem:v3+s12+$0x0] =	vst.idx.msk $0xffff, v1;
	v3 =	vld [tilespmem:s18+$0x380]  }
0x2f6: {  	v2 =	vld [tilespmem:s19+$0x3F0]  }
0x2f7: {  	[tilespmem:v4+s12+$0x0] =	vst.idx.msk $0xffff, v1;
	v4 =	vld [tilespmem:s18+$0x80]  }
0x2f8: {  	[tilespmem:v5+s12+$0x0] =	vst.idx.msk $0xffff, v1;
	v5 =	vld [tilespmem:s18+$0x100]  }
0x2f9: {  	[tilespmem:v6+s12+$0x0] =	vst.idx.msk $0xffff, v1;
	v6 =	vld [tilespmem:s18+$0x180]  }
0x2fa: {  	[tilespmem:v7+s12+$0x0] =	vst.idx.msk $0xffff, v1;
	v7 =	vld [tilespmem:s18+$0x200]  }
0x2fb: {  	[tilespmem:v8+s12+$0x0] =	vst.idx.msk $0xffff, v1;
	v8 =	vld [tilespmem:s18+$0x280]  }
0x2fc: {  	[tilespmem:v9+s12+$0x0] =	vst.idx.msk $0xffff, v1;
	v9 =	vld [tilespmem:s18+$0x300]  }
0x2fd: {  	v10 =	vld [tilespmem:s18+$0x0];
	[tilespmem:v3+s12+$0x0] =	vst.idx.msk $0xffff, v1  }
0x2fe: {  	[tilespmem:v2+s12+$0x0] =	vst.idx.msk $0xffff, v1;
	v2 =	vld [tilespmem:s19+$0x70]  }
0x2ff: {  	[tilespmem:v4+s12+$0x0] =	vst.idx.msk $0xffff, v1;
	v3 =	vld [tilespmem:s18+$0x390]  }
0x300: {  	[tilespmem:v5+s12+$0x0] =	vst.idx.msk $0xffff, v1;
	v4 =	vld [tilespmem:s18+$0x90]  }
0x301: {  	[tilespmem:v6+s12+$0x0] =	vst.idx.msk $0xffff, v1;
	v5 =	vld [tilespmem:s18+$0x110]  }
0x302: {  	[tilespmem:v7+s12+$0x0] =	vst.idx.msk $0xffff, v1;
	v6 =	vld [tilespmem:s18+$0x190]  }
0x303: {  	[tilespmem:v8+s12+$0x0] =	vst.idx.msk $0xffff, v1;
	v7 =	vld [tilespmem:s18+$0x210]  }
0x304: {  	[tilespmem:v9+s12+$0x0] =	vst.idx.msk $0xffff, v1;
	v8 =	vld [tilespmem:s18+$0x290]  }
0x305: {  	[tilespmem:v10+s12+$0x0] =	vst.idx.msk $0xffff, v1;
	v9 =	vld [tilespmem:s18+$0x310]  }
0x306: {  	v10 =	vld [tilespmem:s18+$0x10];
	[tilespmem:v2+s12+$0x0] =	vst.idx.msk $0xffff, v1  }
0x307: {  	[tilespmem:v3+s12+$0x0] =	vst.idx.msk $0xffff, v1;
	v2 =	vld [tilespmem:s19+$0xF0]  }
0x308: {  	[tilespmem:v4+s12+$0x0] =	vst.idx.msk $0xffff, v1;
	v3 =	vld [tilespmem:s18+$0x3A0]  }
0x309: {  	[tilespmem:v5+s12+$0x0] =	vst.idx.msk $0xffff, v1;
	v4 =	vld [tilespmem:s18+$0xA0]  }
0x30a: {  	[tilespmem:v6+s12+$0x0] =	vst.idx.msk $0xffff, v1;
	v5 =	vld [tilespmem:s18+$0x120]  }
0x30b: {  	[tilespmem:v7+s12+$0x0] =	vst.idx.msk $0xffff, v1;
	v6 =	vld [tilespmem:s18+$0x1A0]  }
0x30c: {  	[tilespmem:v8+s12+$0x0] =	vst.idx.msk $0xffff, v1;
	v7 =	vld [tilespmem:s18+$0x220]  }
0x30d: {  	[tilespmem:v9+s12+$0x0] =	vst.idx.msk $0xffff, v1;
	v8 =	vld [tilespmem:s18+$0x2A0]  }
0x30e: {  	[tilespmem:v10+s12+$0x0] =	vst.idx.msk $0xffff, v1;
	v9 =	vld [tilespmem:s18+$0x320]  }
0x30f: {  	v10 =	vld [tilespmem:s18+$0x20];
	[tilespmem:v2+s12+$0x0] =	vst.idx.msk $0xffff, v1  }
0x310: {  	v2 =	vld [tilespmem:s19+$0x170];
	[tilespmem:v3+s12+$0x0] =	vst.idx.msk $0xffff, v1  }
0x311: {  	[tilespmem:v4+s12+$0x0] =	vst.idx.msk $0xffff, v1;
	v3 =	vld [tilespmem:s18+$0x3B0]  }
0x312: {  	[tilespmem:v5+s12+$0x0] =	vst.idx.msk $0xffff, v1;
	v4 =	vld [tilespmem:s18+$0xB0]  }
0x313: {  	[tilespmem:v6+s12+$0x0] =	vst.idx.msk $0xffff, v1;
	v5 =	vld [tilespmem:s18+$0x130]  }
0x314: {  	[tilespmem:v7+s12+$0x0] =	vst.idx.msk $0xffff, v1;
	v6 =	vld [tilespmem:s18+$0x1B0]  }
0x315: {  	[tilespmem:v8+s12+$0x0] =	vst.idx.msk $0xffff, v1;
	v7 =	vld [tilespmem:s18+$0x230]  }
0x316: {  	[tilespmem:v9+s12+$0x0] =	vst.idx.msk $0xffff, v1;
	v8 =	vld [tilespmem:s18+$0x2B0]  }
0x317: {  	[tilespmem:v10+s12+$0x0] =	vst.idx.msk $0xffff, v1;
	v9 =	vld [tilespmem:s18+$0x330]  }
0x318: {  	v10 =	vld [tilespmem:s18+$0x30];
	[tilespmem:v2+s12+$0x0] =	vst.idx.msk $0xffff, v1  }
0x319: {  	v2 =	vld [tilespmem:s19+$0x1F0];
	[tilespmem:v3+s12+$0x0] =	vst.idx.msk $0xffff, v1  }
0x31a: {  	[tilespmem:v4+s12+$0x0] =	vst.idx.msk $0xffff, v1;
	v3 =	vld [tilespmem:s18+$0x3C0]  }
0x31b: {  	[tilespmem:v5+s12+$0x0] =	vst.idx.msk $0xffff, v1;
	v4 =	vld [tilespmem:s18+$0xC0]  }
0x31c: {  	[tilespmem:v6+s12+$0x0] =	vst.idx.msk $0xffff, v1;
	v5 =	vld [tilespmem:s18+$0x140]  }
0x31d: {  	[tilespmem:v7+s12+$0x0] =	vst.idx.msk $0xffff, v1;
	v6 =	vld [tilespmem:s18+$0x1C0]  }
0x31e: {  	[tilespmem:v8+s12+$0x0] =	vst.idx.msk $0xffff, v1;
	v7 =	vld [tilespmem:s18+$0x240]  }
0x31f: {  	[tilespmem:v9+s12+$0x0] =	vst.idx.msk $0xffff, v1;
	v8 =	vld [tilespmem:s18+$0x2C0]  }
0x320: {  	[tilespmem:v10+s12+$0x0] =	vst.idx.msk $0xffff, v1;
	v9 =	vld [tilespmem:s18+$0x340]  }
0x321: {  	v10 =	vld [tilespmem:s18+$0x40];
	[tilespmem:v2+s12+$0x0] =	vst.idx.msk $0xffff, v1  }
0x322: {  	v2 =	vld [tilespmem:s19+$0x270];
	[tilespmem:v3+s12+$0x0] =	vst.idx.msk $0xffff, v1  }
0x323: {  	[tilespmem:v4+s12+$0x0] =	vst.idx.msk $0xffff, v1;
	v3 =	vld [tilespmem:s18+$0x3D0]  }
0x324: {  	[tilespmem:v5+s12+$0x0] =	vst.idx.msk $0xffff, v1;
	v4 =	vld [tilespmem:s18+$0xD0]  }
0x325: {  	[tilespmem:v6+s12+$0x0] =	vst.idx.msk $0xffff, v1;
	v5 =	vld [tilespmem:s18+$0x150]  }
0x326: {  	[tilespmem:v7+s12+$0x0] =	vst.idx.msk $0xffff, v1;
	v6 =	vld [tilespmem:s18+$0x1D0]  }
0x327: {  	[tilespmem:v8+s12+$0x0] =	vst.idx.msk $0xffff, v1;
	v7 =	vld [tilespmem:s18+$0x250]  }
0x328: {  	[tilespmem:v9+s12+$0x0] =	vst.idx.msk $0xffff, v1;
	v8 =	vld [tilespmem:s18+$0x2D0]  }
0x329: {  	[tilespmem:v10+s12+$0x0] =	vst.idx.msk $0xffff, v1;
	v9 =	vld [tilespmem:s18+$0x350]  }
0x32a: {  	v10 =	vld [tilespmem:s18+$0x50];
	[tilespmem:v2+s12+$0x0] =	vst.idx.msk $0xffff, v1  }
0x32b: {  	v11 =	vld [tilespmem:s19+$0x2F0];
	[tilespmem:v3+s12+$0x0] =	vst.idx.msk $0xffff, v1  }
0x32c: {  	[tilespmem:v4+s12+$0x0] =	vst.idx.msk $0xffff, v1;
	v12 =	vld [tilespmem:s18+$0x3E0]  }
0x32d: {  	[tilespmem:v5+s12+$0x0] =	vst.idx.msk $0xffff, v1;
	v13 =	vld [tilespmem:s18+$0xE0]  }
0x32e: {  	[tilespmem:v6+s12+$0x0] =	vst.idx.msk $0xffff, v1;
	v5 =	vld [tilespmem:s18+$0x160]  }
0x32f: {  	[tilespmem:v7+s12+$0x0] =	vst.idx.msk $0xffff, v1;
	v2 =	vld [tilespmem:s18+$0x1E0]  }
0x330: {  	[tilespmem:v8+s12+$0x0] =	vst.idx.msk $0xffff, v1;
	v3 =	vld [tilespmem:s18+$0x260]  }
0x331: {  	[tilespmem:v9+s12+$0x0] =	vst.idx.msk $0xffff, v1;
	v4 =	vld [tilespmem:s18+$0x2E0]  }
0x332: {  	[tilespmem:v10+s12+$0x0] =	vst.idx.msk $0xffff, v1;
	v6 =	vld [tilespmem:s18+$0x360]  }
0x333: {  	[tilespmem:v11+s12+$0x0] =	vst.idx.msk $0xffff, v1;
	v9 =	vld [tilespmem:s18+$0x60]  }
0x334: {  	v7 =	vld [tilespmem:s19+$0x370];
	[tilespmem:v12+s12+$0x0] =	vst.idx.msk $0xffff, v1  }
0x335: {  	s20 =	simm.s32 $0x8800;
	s19 =	simm.s32 $0x8;
	[tilespmem:v13+s12+$0x0] =	vst.idx.msk $0xffff, v1;
	v8 =	vld [tilespmem:s18+$0x3F0]  }
.LBB2_12:
0x336: {  	v10 =	vld [tilespmem:s20+$0x380];
	s19 =	sadd.s32 $0x8, s19;
	[tilespmem:v5+s12+$0x0] =	vst.idx.msk $0xffff, v1  }
0x337: {  	v5 =	vld [tilespmem:s20+$0x80];
	p0 =	slt.u32 s19, $0xF8;
	[tilespmem:v2+s12+$0x0] =	vst.idx.msk $0xffff, v1  }
0x338: {  	v2 =	vld [tilespmem:s20+$0x100];
	[tilespmem:v3+s12+$0x0] =	vst.idx.msk $0xffff, v1  }
0x339: {  	v3 =	vld [tilespmem:s20+$0x180];
	[tilespmem:v4+s12+$0x0] =	vst.idx.msk $0xffff, v1  }
0x33a: {  	v4 =	vld [tilespmem:s20+$0x200];
	[tilespmem:v6+s12+$0x0] =	vst.idx.msk $0xffff, v1  }
0x33b: {  	v6 =	vld [tilespmem:s20+$0x280];
	[tilespmem:v9+s12+$0x0] =	vst.idx.msk $0xffff, v1  }
0x33c: {  	v9 =	vld [tilespmem:s20+$0x300];
	[tilespmem:v7+s12+$0x0] =	vst.idx.msk $0xffff, v1  }
0x33d: {  	v7 =	vld [tilespmem:s20+$0x0];
	[tilespmem:v8+s12+$0x0] =	vst.idx.msk $0xffff, v1  }
0x33e: {  	[tilespmem:v10+s12+$0x0] =	vst.idx.msk $0xffff, v1;
	v8 =	vld [tilespmem:s18+$0x70]  }
0x33f: {  	[tilespmem:v5+s12+$0x0] =	vst.idx.msk $0xffff, v1;
	v5 =	vld [tilespmem:s20+$0x390]  }
0x340: {  	v10 =	vld [tilespmem:s20+$0x90];
	[tilespmem:v2+s12+$0x0] =	vst.idx.msk $0xffff, v1  }
0x341: {  	v2 =	vld [tilespmem:s20+$0x110];
	[tilespmem:v3+s12+$0x0] =	vst.idx.msk $0xffff, v1  }
0x342: {  	v3 =	vld [tilespmem:s20+$0x190];
	[tilespmem:v4+s12+$0x0] =	vst.idx.msk $0xffff, v1  }
0x343: {  	v4 =	vld [tilespmem:s20+$0x210];
	[tilespmem:v6+s12+$0x0] =	vst.idx.msk $0xffff, v1  }
0x344: {  	v6 =	vld [tilespmem:s20+$0x290];
	[tilespmem:v9+s12+$0x0] =	vst.idx.msk $0xffff, v1  }
0x345: {  	[tilespmem:v7+s12+$0x0] =	vst.idx.msk $0xffff, v1;
	v7 =	vld [tilespmem:s20+$0x310]  }
0x346: {  	v9 =	vld [tilespmem:s20+$0x10];
	[tilespmem:v8+s12+$0x0] =	vst.idx.msk $0xffff, v1  }
0x347: {  	[tilespmem:v5+s12+$0x0] =	vst.idx.msk $0xffff, v1;
	v5 =	vld [tilespmem:s18+$0xF0]  }
0x348: {  	[tilespmem:v10+s12+$0x0] =	vst.idx.msk $0xffff, v1;
	v8 =	vld [tilespmem:s20+$0x3A0]  }
0x349: {  	v10 =	vld [tilespmem:s20+$0xA0];
	[tilespmem:v2+s12+$0x0] =	vst.idx.msk $0xffff, v1  }
0x34a: {  	v2 =	vld [tilespmem:s20+$0x120];
	[tilespmem:v3+s12+$0x0] =	vst.idx.msk $0xffff, v1  }
0x34b: {  	v3 =	vld [tilespmem:s20+$0x1A0];
	[tilespmem:v4+s12+$0x0] =	vst.idx.msk $0xffff, v1  }
0x34c: {  	v4 =	vld [tilespmem:s20+$0x220];
	[tilespmem:v6+s12+$0x0] =	vst.idx.msk $0xffff, v1  }
0x34d: {  	v6 =	vld [tilespmem:s20+$0x2A0];
	[tilespmem:v7+s12+$0x0] =	vst.idx.msk $0xffff, v1  }
0x34e: {  	[tilespmem:v9+s12+$0x0] =	vst.idx.msk $0xffff, v1;
	v7 =	vld [tilespmem:s20+$0x320]  }
0x34f: {  	v9 =	vld [tilespmem:s20+$0x20];
	[tilespmem:v5+s12+$0x0] =	vst.idx.msk $0xffff, v1  }
0x350: {  	[tilespmem:v8+s12+$0x0] =	vst.idx.msk $0xffff, v1;
	v5 =	vld [tilespmem:s18+$0x170]  }
0x351: {  	[tilespmem:v10+s12+$0x0] =	vst.idx.msk $0xffff, v1;
	v8 =	vld [tilespmem:s20+$0x3B0]  }
0x352: {  	v10 =	vld [tilespmem:s20+$0xB0];
	[tilespmem:v2+s12+$0x0] =	vst.idx.msk $0xffff, v1  }
0x353: {  	v2 =	vld [tilespmem:s20+$0x130];
	[tilespmem:v3+s12+$0x0] =	vst.idx.msk $0xffff, v1  }
0x354: {  	v3 =	vld [tilespmem:s20+$0x1B0];
	[tilespmem:v4+s12+$0x0] =	vst.idx.msk $0xffff, v1  }
0x355: {  	v4 =	vld [tilespmem:s20+$0x230];
	[tilespmem:v6+s12+$0x0] =	vst.idx.msk $0xffff, v1  }
0x356: {  	v6 =	vld [tilespmem:s20+$0x2B0];
	[tilespmem:v7+s12+$0x0] =	vst.idx.msk $0xffff, v1  }
0x357: {  	[tilespmem:v9+s12+$0x0] =	vst.idx.msk $0xffff, v1;
	v7 =	vld [tilespmem:s20+$0x330]  }
0x358: {  	v9 =	vld [tilespmem:s20+$0x30];
	[tilespmem:v5+s12+$0x0] =	vst.idx.msk $0xffff, v1  }
0x359: {  	[tilespmem:v8+s12+$0x0] =	vst.idx.msk $0xffff, v1;
	v5 =	vld [tilespmem:s18+$0x1F0]  }
0x35a: {  	[tilespmem:v10+s12+$0x0] =	vst.idx.msk $0xffff, v1;
	v8 =	vld [tilespmem:s20+$0x3C0]  }
0x35b: {  	v10 =	vld [tilespmem:s20+$0xC0];
	[tilespmem:v2+s12+$0x0] =	vst.idx.msk $0xffff, v1  }
0x35c: {  	v2 =	vld [tilespmem:s20+$0x140];
	[tilespmem:v3+s12+$0x0] =	vst.idx.msk $0xffff, v1  }
0x35d: {  	v3 =	vld [tilespmem:s20+$0x1C0];
	[tilespmem:v4+s12+$0x0] =	vst.idx.msk $0xffff, v1  }
0x35e: {  	v4 =	vld [tilespmem:s20+$0x240];
	[tilespmem:v6+s12+$0x0] =	vst.idx.msk $0xffff, v1  }
0x35f: {  	v6 =	vld [tilespmem:s20+$0x2C0];
	[tilespmem:v7+s12+$0x0] =	vst.idx.msk $0xffff, v1  }
0x360: {  	[tilespmem:v9+s12+$0x0] =	vst.idx.msk $0xffff, v1;
	v7 =	vld [tilespmem:s20+$0x340]  }
0x361: {  	v9 =	vld [tilespmem:s20+$0x40];
	[tilespmem:v5+s12+$0x0] =	vst.idx.msk $0xffff, v1  }
0x362: {  	[tilespmem:v8+s12+$0x0] =	vst.idx.msk $0xffff, v1;
	v5 =	vld [tilespmem:s18+$0x270]  }
0x363: {  	[tilespmem:v10+s12+$0x0] =	vst.idx.msk $0xffff, v1;
	v8 =	vld [tilespmem:s20+$0x3D0]  }
0x364: {  	v10 =	vld [tilespmem:s20+$0xD0];
	[tilespmem:v2+s12+$0x0] =	vst.idx.msk $0xffff, v1  }
0x365: {  	v2 =	vld [tilespmem:s20+$0x150];
	[tilespmem:v3+s12+$0x0] =	vst.idx.msk $0xffff, v1  }
0x366: {  	v3 =	vld [tilespmem:s20+$0x1D0];
	[tilespmem:v4+s12+$0x0] =	vst.idx.msk $0xffff, v1  }
0x367: {  	v4 =	vld [tilespmem:s20+$0x250];
	[tilespmem:v6+s12+$0x0] =	vst.idx.msk $0xffff, v1  }
0x368: {  	v6 =	vld [tilespmem:s20+$0x2D0];
	[tilespmem:v7+s12+$0x0] =	vst.idx.msk $0xffff, v1  }
0x369: {  	[tilespmem:v9+s12+$0x0] =	vst.idx.msk $0xffff, v1;
	v7 =	vld [tilespmem:s20+$0x350]  }
0x36a: {  	v9 =	vld [tilespmem:s20+$0x50];
	[tilespmem:v5+s12+$0x0] =	vst.idx.msk $0xffff, v1  }
0x36b: {  	[tilespmem:v8+s12+$0x0] =	vst.idx.msk $0xffff, v1;
	v8 =	vld [tilespmem:s18+$0x2F0]  }
0x36c: {  	[tilespmem:v10+s12+$0x0] =	vst.idx.msk $0xffff, v1;
	v10 =	vld [tilespmem:s20+$0x3E0]  }
0x36d: {  	v11 =	vld [tilespmem:s20+$0xE0];
	[tilespmem:v2+s12+$0x0] =	vst.idx.msk $0xffff, v1  }
0x36e: {  	v5 =	vld [tilespmem:s20+$0x160];
	[tilespmem:v3+s12+$0x0] =	vst.idx.msk $0xffff, v1  }
0x36f: {  	v2 =	vld [tilespmem:s20+$0x1E0];
	[tilespmem:v4+s12+$0x0] =	vst.idx.msk $0xffff, v1  }
0x370: {  	v3 =	vld [tilespmem:s20+$0x260];
	[tilespmem:v6+s12+$0x0] =	vst.idx.msk $0xffff, v1  }
.Ltmp5:
0x371: {  	v4 =	vld [tilespmem:s20+$0x2E0];
	[tilespmem:v7+s12+$0x0] =	vst.idx.msk $0xffff, v1;
	(pc) =	sbr.rel @p0 .LBB2_12-.Ltmp5, $4  }
0x372: {  	[tilespmem:v9+s12+$0x0] =	vst.idx.msk $0xffff, v1;
	v6 =	vld [tilespmem:s20+$0x360]  }
0x373: {  	v9 =	vld [tilespmem:s20+$0x60];
	[tilespmem:v8+s12+$0x0] =	vst.idx.msk $0xffff, v1  }
0x374: {  	[tilespmem:v10+s12+$0x0] =	vst.idx.msk $0xffff, v1;
	v7 =	vld [tilespmem:s18+$0x370];
	s18 =	smov.u32 s20  }
0x375: {  	s20 =	sadd.s32 $0x400, s20;
	[tilespmem:v11+s12+$0x0] =	vst.idx.msk $0xffff, v1;
	v8 =	vld [tilespmem:s18+$0x3F0]  }
0x376: {  	_ =	sdelay $0x3  }
0x377: {  	[tilespmem:v5+s12+$0x0] =	vst.idx.msk $0xffff, v1;
	v60 =	vld [tilespmem:s18+$0xF0]  }
0x378: {  	[tilespmem:v2+s12+$0x0] =	vst.idx.msk $0xffff, v1;
	v2 =	vld [tilespmem:s18+$0x170]  }
0x379: {  	[tilespmem:v3+s12+$0x0] =	vst.idx.msk $0xffff, v1;
	v3 =	vld [tilespmem:s18+$0x1F0]  }
0x37a: {  	[tilespmem:v4+s12+$0x0] =	vst.idx.msk $0xffff, v1;
	v61 =	vld [tilespmem:s18+$0x270]  }
0x37b: {  	[tilespmem:v6+s12+$0x0] =	vst.idx.msk $0xffff, v1;
	v62 =	vld [tilespmem:s18+$0x2F0]  }
0x37c: {  	[tilespmem:v9+s12+$0x0] =	vst.idx.msk $0xffff, v1;
	v63 =	vld [tilespmem:s18+$0x370]  }
0x37d: {  	v9 =	vld [tilespmem:s18+$0x70];
	[tilespmem:v7+s12+$0x0] =	vst.idx.msk $0xffff, v1  }
0x37e: {  	[tilespmem:v8+s12+$0x0] =	vst.idx.msk $0xffff, v1  }
0x37f: {  	[tilespmem:v60+s12+$0x0] =	vst.idx.msk $0xffff, v1  }
0x380: {  	[tilespmem:v2+s12+$0x0] =	vst.idx.msk $0xffff, v1  }
0x381: {  	[tilespmem:v3+s12+$0x0] =	vst.idx.msk $0xffff, v1  }
0x382: {  	[tilespmem:v61+s12+$0x0] =	vst.idx.msk $0xffff, v1  }
0x383: {  	s17 =	sadd.s32 $0x1, s17;
	[tilespmem:v62+s12+$0x0] =	vst.idx.msk $0xffff, v1  }
0x384: {  	p0 =	sne.s32 s17, s9;
	[tilespmem:v63+s12+$0x0] =	vst.idx.msk $0xffff, v1  }
.Ltmp6:
0x385: {  	[tilespmem:v9+s12+$0x0] =	vst.idx.msk $0xffff, v1;
	(pc) =	sbr.rel @p0 .LBB2_1-.Ltmp6, $4  }
0x386: {  	[hbm4b:s8+s14] =	stream.strided.scatter [tilespmem:s12], [sflag:$0x3], $0x9000, s15, s14, $0x38;
	[tilespmem:$0x19080] =	vst v63  }
0x387: {  	_ =	swait.ge [sflag:s16], $0x9000  }
0x388: {  	[sflag:s16] =	ssyncset.done $0x0  }
0x389: {  	[sflag:s16] =	ssyncadd.s32 $0xFFFF7000  }
0x38a: {  	_ =	sfence.sel $0x180000  }
0x38b: {  	[bflag:$0x0] =	sbarrier.arrive $0xFFFF  }
0x38c: {  	p0 =	sne.s32 s1, $0x0;
	_ =	strace $0x9000004A  }
0x38d: {  	s0 =	sadd.s32 @!p0 $0x100000, s0;
	[bflag:$0x2] =	sbarrier.arrive $0xFFFF  }
0x38e: {  	[sflag:s0] =	ssyncadd.tile.s32 @!p0 $0x1;
	_ =	shalt  }
.Lfunc_end2:
_tile_overlayer_lowered:
.L_overlay_start_2:
0x38f: {  	(tag) =	ssettag $0x2  }
0x390: {  	s0 =	rddreg [dreg:$0x0];
	s2 =	stileid.u32  }
0x391: {  	s1 =	rddreg [dreg:$0x1];
	p0 =	sne.s32 s2, $0x0  }
0x392: {  	s3 =	rddreg [dreg:$0x2];
	[bflag:$0x3] =	sbarrier.arrive $0xFFFF;
	s2 =	simm.s32 @!p0 $0x1C03  }
0x393: {  	[timem:s3], [sflag:s2] =	dma.local @!p0 [hbm:s0], s1  }
0x394: {  	s0 =	simm.s32 @!p0 $0x3  }
0x395: {  	_ =	swait.ge @!p0 [sflag:s0], s1  }
0x396: {  	s1 =	ssub.s32 @!p0 $0x0, s1;
	[sflag:s0] =	ssyncset.done @!p0 $0x0  }
0x397: {  	[sflag:s0] =	ssyncadd.s32 @!p0 s1  }
0x398: {  	[bflag:$0x3] =	sbarrier.arrive $0xFFFF  }
0x399: {  	_ =	shalt  }

// kernel: sparse-core-data-format-call.cloned.1.call-start
scs
called_computation_lowered:
.L_overlay_start_0:
0x0: {  	s2 =	sld [smem:$0x3FD9]  }
0x1: {  	s3 =	sld [smem:$0x3FFE];
	_ =	sdelay $0x1  }
0x2: {  	s1 =	srdreg.scid  }
0x3: {  	s0 =	sand.u32 $0x1, s1  }
0x4: {  	s18 =	sshll.u32 s0, $0xA;
	s2 =	sadd.s32 s3, s2  }
0x5: {  	s2 =	sadd.s32 s2, s18  }
0x6: {  	[smem:$0x3FC5] =	sst s2  }
0x7: {  	_ = 	snop  }
0x8: {  	s2 =	sld [smem:$0x3FC9];
	(tm) =	ssettm $0x1  }
0x9: {  	s19 =	sld [smem:$0x3FFB];
	_ =	sdelay $0x3  }
0xa: {  	_ =	strace s19  }
0xb: {  	s3 =	sld [smem:$0x3FFC];
	_ =	sdelay $0x3  }
0xc: {  	_ =	strace s3  }
0xd: {  	s3 =	sld [smem:$0x3FFD];
	_ =	sdelay $0x3  }
0xe: {  	_ =	strace s3  }
0xf: {  	_ =	strace $0x8FFFFFFF  }
0x10: {  	s20 =	sld [smem:$0x3FDB];
	_ =	sdelay $0x1  }
0x11: {  	s4 =	simm.s32 $_scs_section_size  }
0x12: {  	s5 =	simm.s32 $_size__tile_overlayer_lowered;
	s6 =	simm.s32 $_tile_overlayer_lowered  }
0x13: {  	s23 =	simm.s32 $0x1BFF;
	s22 =	sshll.u32 s6, $0x1;
	s3 =	sadd.s32 s4, s20  }
0x14: {  	s7 =	simm.s32 $0x0;
	s21 =	sshll.u32 s5, $0x1;
	s5 =	sadd.s32 s22, s3  }
0x15: {  	[timem:s7], [sflag:s23] =	dma.local [hbm:s5], s21  }
0x16: {  	_ =	swait.ge [sflag:s23], s21  }
0x17: {  	s4 =	ssub.s32 $0x0, s21;
	[sflag:s23] =	ssyncset.done $0x0  }
0x18: {  	[sflag:s23] =	ssyncadd.s32 s4;
	_ =	sdelay $0x1  }
0x19: {  	s24 =	simm.s32 $0x1B8B  }
0x1a: {  	_ =	swait.ge [sflag:s24], $0x1  }
0x1b: {  	[sflag:s24] =	ssyncset.done $0x0  }
0x1c: {  	s26 =	simm.s32 $0x1B8E;
	s25 =	sld [smem:$0x3FFE];
	[sflag:s24] =	ssyncadd.s32 $0xFFFFFFFF  }
0x1d: {  	s27 =	simm.s32 $execute0_lowered;
	[smem:$0x3FD2] =	sst s26  }
0x1e: {  	s5 =	sshll.u32 s27, $0x1;
	_ =	strace $0x80000046;
	[dreg:$0x1] =	wrdreg $0xFFFFFFFF  }
0x1f: {  	s28 =	simm.s32 $_size_execute0_lowered;
	s3 =	sadd.s32 s3, s5;
	[dreg:$0x0] =	wrdreg $0x0  }
0x20: {  	s5 =	sshll.u32 s28, $0x1;
	[dreg:$0x2] =	wrdreg s3  }
0x21: {  	[dreg:$0x3] =	wrdreg s5  }
0x22: {  	[dreg:$0x4] =	wrdreg $0xC0  }
0x23: {  	_ =	task [dreg:s7], $0x5FFFF  }
0x24: {  	[dreg:$0x1] =	wrdreg $0xFFFFFFFF  }
0x25: {  	[dreg:$0x0] =	wrdreg $0x60  }
0x26: {  	[dreg:$0x2] =	wrdreg s2  }
0x27: {  	[dreg:$0x3] =	wrdreg s25  }
0x28: {  	[dreg:$0x4] =	wrdreg $0x9  }
0x29: {  	_ =	task.clear_ibuf [dreg:s7], $0x5FFFF;
	_ =	strace $0x90000046  }
0x2a: {  	s29 =	simm.s32 $0x9;
	_ =	strace $0x80000048  }
0x2b: {  	_ =	swait.ge [sflag:s29], $0x1  }
0x2c: {  	[sflag:s29] =	ssyncadd.s32 $0xFFFFFFFF  }
0x2d: {  	_ =	strace $0x90000048  }
0x2e: {  	_ =	sfence  }
0x2f: {  	s30 =	sld [smem:$0x0];
	_ =	sdelay $0x2  }
0x30: {  	s31 =	sshll.u32 s1, $0xD;
	s1 =	sshrl.u32 s1, $0x2  }
0x31: {  	s3 =	sand.u32 $0x4000, s31;
	s1 =	sadd.s32 s1, s30  }
0x32: {  	s0 =	sor.u32 s3, s0;
	s1 =	sshll.u32 s1, $0x11  }
0x33: {  	s0 =	sor.u32 s1, s0  }
0x34: {  	s0 =	sadd.s32 $0x8F2B, s0  }
0x35: {  	[sflag:s0] =	ssyncadd.remote.s32 $0x1  }
0x36: {  	_ =	sfence.sel $0xFFFF  }
0x37: {  	[dreg:$0x0] =	wrdreg $0xFFFFFFFF;
	(pc) =	sbr.abs _section_cstart, $3  }
0x38: {  	[dreg:$0x1] =	wrdreg $0xFFFFFFFF  }
0x39: {  	_ =	task.clear_ibuf [dreg:s7], $0x2FFFF;
	_ =	strace $0x9FFFFFFF  }
0x3a: {  	(tm) =	ssettm $0x7FFFFFFF  }
0x3b: {  	_ =	shalt  }
tec
execute0_lowered:
.L_overlay_start_1:
0x0: {  	(tag) =	ssettag $0x1  }
0x1: {  	s0 =	srdreg.scid  }
0x2: {  	s1 =	sshll.u32 s0, $0x4  }
0x3: {  	s7 =	rddreg [dreg:$0x0];
	s0 =	stileid.u32;
	s1 =	sand.u32 $0x10, s1  }
0x4: {  	s5 =	rddreg [dreg:$0x1];
	s6 =	sor.u32 s0, s1  }
0x5: {  	s4 =	simm.s32 $0x1;
	s31 =	simm.s32 $0x2;
	s2 =	sshll.u32 s6, $0x4  }
0x6: {  	s13 =	simm.s32 $0x0;
	s9 =	simm.s32 $0x10000;
	s3 =	ssub.s32 $0x200, s2  }
0x7: {  	s10 =	simm.s32 $0x0;
	s14 =	simm.s32 $0x0;
	s30 =	sand.u32 $0x1F0, s3  }
0x8: {  	s11 =	simm.s32 $0x0;
	s12 =	simm.s32 $0x0;
	p0 =	sne.s32 s30, $0x0  }
.Ltmp0:
0x9: {  	s8 =	sshrl.u32 s3, $0x9;
	s4 =	simm.s32 @!p0 $0x0;
	(pc) =	sbr.rel .LBB1_1-.Ltmp0, $4  }
0xa: {  	s1 =	rddreg [dreg:$0x2];
	_ =	strace $0x80000047;
	s4 =	sadd.s32 s4, s8  }
0xb: {  	s6 =	sshll.u32 s6, $0xB;
	s3 =	simm.s32 $0x1;
	s4 =	smul.u32 $0x18, s4  }
0xc: {  	s5 =	sadd.s32 $0xE00, s5;
	s6 =	sadd.s32 s7, s6;
	[sflag:s3] =	ssyncpa.u1 $0x0  }
0xd: {  	[sflag:s31] =	ssyncpa.u1 $0x0;
	s8 =	simm.s32 $0x800;
	s7 =	sor.u32 $0x1, s4  }
.LBB1_7:
0xe: {  	s15 =	sadd.s32 $0x1, s11  }
0xf: {  	p1 =	sgt.s32 s15, $0x17  }
0x10: {  	s15 =	simm.s32 @p1 $0x0;
	p1 =	sne.s32 s12, s7  }
.Ltmp1:
0x11: {  	p0 =	slt.u32 s12, $0x2;
	(pc) =	sbr.rel @!p1 .LBB1_8-.Ltmp1, $4  }
0x12: {  	s13 =	simm.s32 @!p0 $0x2  }
0x13: {  	s16 =	sadd.s32 $0x1, s12;
	s14 =	smov.u32 s11;
	_ =	swait.ge @!p0 [sflag:s13], $0x4000  }
0x14: {  	s10 =	sadd.s32 $0x4000, s10;
	s12 =	smov.u32 s16;
	[sflag:s13] =	ssyncset.done @!p0 $0x0  }
0x15: {  	s11 =	smov.u32 s15;
	[sflag:s13] =	ssyncadd.s32 @!p0 $0xFFFFC000;
	s13 =	smov.u32 s2  }
.LBB1_1:
0x16: {  	p0 =	sge.u32 s12, s4  }
0x17: {  	s15 =	sxor.u32 @!p0 $0xFFFFFFFF, s12  }
0x18: {  	s31 =	sadd.s32 $0xFFFFFFFF, s12;
	s16 =	sshll.u32 @!p0 s11, $0x10;
	s15 =	sshll.u32 @!p0 s15, $0xE  }
0x19: {  	s17 =	simm.s32 @!p0 $0x0;
	s16 =	sadd.s32 @!p0 s16, s6;
	s15 =	sand.u32 @!p0 $0x4000, s15  }
0x1a: {  	[tilespmem:s15], [sflag:$0x1] =	stream.linear.gather @!p0 [hbm4b:s16+s17], $0x4000, $0x38;
	[tilespmem:$0x10000] =	vst v63  }
0x1b: {  	p0 =	sge.u32 s31, s4  }
.Ltmp2:
0x1c: {  	_ = 	snop;
	(pc) =	sbr.rel @p0 .LBB1_7-.Ltmp2, $1  }
0x1d: {  	_ =	sdelay $0x3  }
0x1e: {  	s16 =	sand.u32 $0x4000, s10  }
0x1f: {  	_ =	swait.ge [sflag:s3], $0x4000;
	s18 =	sshll.u32 s12, $0xE;
	s15 =	sor.u32 $0x8040, s16  }
0x20: {  	s17 =	sor.u32 $0x40, s16;
	[sflag:s3] =	ssyncset.done $0x0;
	s31 =	sand.u32 $0x4000, s18  }
0x21: {  	s18 =	simm.s32 $0x0;
	[sflag:s3] =	ssyncadd.s32 $0xFFFFC000;
	s16 =	sor.u32 $0x8000, s31  }
.LBB1_3:
0x22: {  	v0 =	vmov s17;
	_ =	sdelay $0x3  }
0x23: {  	s20 =	simm.s32 $0x0  }
0x24: {  	v6 =	vld.idx.msk [tilespmem:v0+s20+$0x30 ss:$0x1], $0xffff  }
0x25: {  	v7 =	vld.idx.msk [tilespmem:v0+s20+$0xFFFFFFC0 ss:$0x1], $0xffff  }
0x26: {  	v5 =	vld.idx.msk [tilespmem:v0+s20+$0xFFFFFFD0 ss:$0x1], $0xffff  }
0x27: {  	v4 =	vld.idx.msk [tilespmem:v0+s20+$0xFFFFFFE0 ss:$0x1], $0xffff  }
0x28: {  	v3 =	vld.idx.msk [tilespmem:v0+s20+$0xFFFFFFF0 ss:$0x1], $0xffff  }
0x29: {  	v1 =	vld.idx.msk [tilespmem:v0+s20+$0x0 ss:$0x1], $0xffff  }
0x2a: {  	v2 =	vld.idx.msk [tilespmem:v0+s20+$0x10 ss:$0x1], $0xffff;
	[tilespmem:s15+$0x30] =	vst v6  }
0x2b: {  	s19 =	simm.s32 $0x80;
	s21 =	simm.s32 $0x400;
	[tilespmem:s15+$0xFFFFFFC0] =	vst v7;
	v6 =	vld.idx.msk [tilespmem:v0+s20+$0x20 ss:$0x1], $0xffff;
	s20 =	smov.u32 s15  }
.LBB1_4:
0x2c: {  	p0 =	sne.s32 s21, $0xE00;
	v7 =	vld.idx.msk [tilespmem:v0+s19+$0x30 ss:$0x1], $0xffff;
	[tilespmem:s20+$0xFFFFFFD0] =	vst v5  }
0x2d: {  	v8 =	vld.idx.msk [tilespmem:v0+s19+$0xFFFFFFC0 ss:$0x1], $0xffff;
	[tilespmem:s20+$0xFFFFFFE0] =	vst v4  }
0x2e: {  	v5 =	vld.idx.msk [tilespmem:v0+s19+$0xFFFFFFD0 ss:$0x1], $0xffff;
	[tilespmem:s20+$0xFFFFFFF0] =	vst v3  }
.Ltmp3:
0x2f: {  	v4 =	vld.idx.msk [tilespmem:v0+s19+$0xFFFFFFE0 ss:$0x1], $0xffff;
	[tilespmem:s20+$0x0] =	vst v1;
	(pc) =	sbr.rel @p0 .LBB1_4-.Ltmp3, $4  }
0x30: {  	v3 =	vld.idx.msk [tilespmem:v0+s19+$0xFFFFFFF0 ss:$0x1], $0xffff;
	[tilespmem:s20+$0x10] =	vst v2  }
0x31: {  	v1 =	vld.idx.msk [tilespmem:v0+s19+$0x0 ss:$0x1], $0xffff;
	[tilespmem:s20+$0x20] =	vst v6;
	s20 =	sadd.s32 $0x800, s20  }
0x32: {  	v2 =	vld.idx.msk [tilespmem:v0+s19+$0x10 ss:$0x1], $0xffff;
	[tilespmem:s20+$0x30] =	vst v7  }
0x33: {  	[tilespmem:s20+$0xFFFFFFC0] =	vst v8;
	v6 =	vld.idx.msk [tilespmem:v0+s19+$0x20 ss:$0x1], $0xffff;
	s19 =	sshra.s32 s21, $0x2;
	s21 =	sadd.s32 $0x200, s21  }
0x34: {  	_ =	sdelay $0x2  }
0x35: {  	[tilespmem:s20+$0xFFFFFFD0] =	vst v5  }
0x36: {  	v56 =	vld.idx.msk [tilespmem:v0+s19+$0x30 ss:$0x1], $0xffff;
	[tilespmem:s20+$0xFFFFFFE0] =	vst v4  }
0x37: {  	v57 =	vld.idx.msk [tilespmem:v0+s19+$0xFFFFFFC0 ss:$0x1], $0xffff;
	[tilespmem:s20+$0xFFFFFFF0] =	vst v3  }
0x38: {  	v58 =	vld.idx.msk [tilespmem:v0+s19+$0xFFFFFFD0 ss:$0x1], $0xffff;
	[tilespmem:s20+$0x0] =	vst v1  }
0x39: {  	v59 =	vld.idx.msk [tilespmem:v0+s19+$0xFFFFFFE0 ss:$0x1], $0xffff;
	[tilespmem:s20+$0x10] =	vst v2  }
0x3a: {  	v60 =	vld.idx.msk [tilespmem:v0+s19+$0xFFFFFFF0 ss:$0x1], $0xffff;
	s31 =	sadd.s32 $0x800, s20;
	[tilespmem:s20+$0x20] =	vst v6  }
0x3b: {  	v61 =	vld.idx.msk [tilespmem:v0+s19+$0x0 ss:$0x1], $0xffff;
	[tilespmem:s31+$0x30] =	vst v56  }
0x3c: {  	v62 =	vld.idx.msk [tilespmem:v0+s19+$0x10 ss:$0x1], $0xffff;
	s18 =	sadd.s32 $0x1, s18;
	[tilespmem:s31+$0xFFFFFFC0] =	vst v57  }
0x3d: {  	v63 =	vld.idx.msk [tilespmem:v0+s19+$0x20 ss:$0x1], $0xffff;
	p0 =	sne.s32 s18, $0x10;
	[tilespmem:s31+$0xFFFFFFD0] =	vst v58  }
.Ltmp4:
0x3e: {  	[tilespmem:s31+$0xFFFFFFE0] =	vst v59;
	(pc) =	sbr.rel @p0 .LBB1_3-.Ltmp4, $4  }
0x3f: {  	[tilespmem:s31+$0xFFFFFFF0] =	vst v60  }
0x40: {  	[tilespmem:s31+$0x0] =	vst v61  }
0x41: {  	[tilespmem:s31+$0x10] =	vst v62  }
0x42: {  	s15 =	sadd.s32 $0x80, s15;
	s17 =	sadd.s32 $0x400, s17;
	[tilespmem:s31+$0x20] =	vst v63  }
.Ltmp5:
0x43: {  	(pc) =	sbr.rel .LBB1_7-.Ltmp5, $4  }
0x44: {  	s14 =	sshll.u32 s14, $0x10;
	s13 =	sshll.u32 s13, $0x4  }
0x45: {  	s13 =	sand.u32 $0x1F00, s13;
	s14 =	sadd.s32 s5, s14  }
0x46: {  	s13 =	sadd.s32 s13, s14  }
0x47: {  	[hbm4b:s13+s8] =	stream.strided.scatter [tilespmem:s16], [sflag:$0x2], $0x4000, s9, s8, $0x38;
	[tilespmem:$0x10000] =	vst v63  }
.LBB1_8:
0x48: {  	_ =	sfence.sel $0x180000  }
0x49: {  	s2 =	simm.s32 $0x1;
	[bflag:$0x0] =	sbarrier.arrive $0xFFFF  }
0x4a: {  	s31 =	simm.s32 $0x2;
	[sflag:s2] =	ssyncpa.u1 $0x1  }
0x4b: {  	[sflag:s31] =	ssyncpa.u1 $0x1  }
0x4c: {  	p0 =	sne.s32 s0, $0x0;
	_ =	strace $0x90000047  }
0x4d: {  	s0 =	sadd.s32 @!p0 $0x100000, s1;
	[bflag:$0x2] =	sbarrier.arrive $0xFFFF  }
0x4e: {  	[sflag:s0] =	ssyncadd.tile.s32 @!p0 $0x1;
	_ =	shalt  }
.Lfunc_end1:
_tile_overlayer_lowered:
.L_overlay_start_2:
0x4f: {  	(tag) =	ssettag $0x2  }
0x50: {  	s0 =	rddreg [dreg:$0x0];
	s2 =	stileid.u32  }
0x51: {  	s1 =	rddreg [dreg:$0x1];
	p0 =	sne.s32 s2, $0x0  }
0x52: {  	s3 =	rddreg [dreg:$0x2];
	[bflag:$0x3] =	sbarrier.arrive $0xFFFF;
	s2 =	simm.s32 @!p0 $0x1C01  }
0x53: {  	[timem:s3], [sflag:s2] =	dma.local @!p0 [hbm:s0], s1  }
0x54: {  	s0 =	simm.s32 @!p0 $0x1  }
0x55: {  	_ =	swait.ge @!p0 [sflag:s0], s1  }
0x56: {  	s1 =	ssub.s32 @!p0 $0x0, s1;
	[sflag:s0] =	ssyncset.done @!p0 $0x0  }
0x57: {  	[sflag:s0] =	ssyncadd.s32 @!p0 s1  }
0x58: {  	[bflag:$0x3] =	sbarrier.arrive $0xFFFF  }
0x59: {  	_ =	shalt  }

</sc_bundles>
